<compile_context>
chip_gen: v7x
topology: tpu7x:2x2x1
jax: 0.10.2.dev20260603
libtpu: 0.0.44.dev20260713+nightly
codegen_flags: <defaults>
</compile_context>

<pallas_src>
import functools

import jax
import jax.numpy as jnp
from jax import lax
from jax.experimental import pallas as pl
from jax.experimental.pallas import tpu as pltpu
from jax.experimental.pallas import tpu_sc as plsc

N = 10000
E = 160000
D = 256
F = 16

NC = 2
NS = 16
NW = NC * NS
EPW = E // NW
BATCH = 128
STEPS = (EPW + BATCH - 1) // BATCH
PADW = STEPS * BATCH - EPW
NBUF = 10
GA = 4
RPT = 632
NB = NS * RPT

_MESH = plsc.VectorSubcoreMesh(
    core_axis_name="c", subcore_axis_name="s", num_cores=NC, num_subcores=NS
)
_SC_PARAMS = pltpu.CompilerParams(use_tc_tiling_on_sc=False)


def _zero_rows(buf, nrows):
    def body(i, c):
        buf[i, :] = jnp.zeros((16,), jnp.float32)
        return c
    lax.fori_loop(0, nrows, body, 0)


@functools.partial(
    pl.kernel,
    out_type=jax.ShapeDtypeStruct((NC, NB, F), jnp.float32),
    mesh=_MESH,
    scratch_types=[
        pltpu.VMEM((STEPS, BATCH), jnp.int32),
        pltpu.VMEM((BATCH, F), jnp.float32),
        pltpu.VMEM((RPT, F), jnp.float32),
        pltpu.VMEM_SHARED((NB, F), jnp.float32),
    ],
    compiler_params=_SC_PARAMS,
)
def _sc_deg(dst_hbm, out_hbm, dst_v, ones_v, zbuf, acc_sh):
    cid = lax.axis_index("c")
    sid = lax.axis_index("s")
    wid = sid * NC + cid

    _zero_rows(zbuf, RPT)
    def ones_body(i, c):
        ones_v[i, :] = jnp.ones((16,), jnp.float32)
        return c
    lax.fori_loop(0, BATCH, ones_body, 0)
    pltpu.sync_copy(zbuf, acc_sh.at[pl.ds(sid * RPT, RPT)])
    plsc.subcore_barrier()

    pltpu.sync_copy(dst_hbm.at[wid], dst_v)

    def step(j, c):
        pltpu.sync_copy(ones_v, acc_sh.at[dst_v.at[j]], add=True)
        return c
    lax.fori_loop(0, STEPS, step, 0)
    plsc.subcore_barrier()

    pltpu.sync_copy(acc_sh.at[pl.ds(sid * RPT, RPT)], zbuf)
    pltpu.sync_copy(zbuf, out_hbm.at[cid, pl.ds(sid * RPT, RPT)])


@functools.partial(
    pl.kernel,
    out_type=jax.ShapeDtypeStruct((NC, NB, F), jnp.float32),
    mesh=_MESH,
    scratch_types=[
        pltpu.VMEM((STEPS, BATCH), jnp.int32),
        pltpu.VMEM((STEPS, BATCH), jnp.int32),
        pltpu.VMEM((NBUF, BATCH, F), jnp.float32),
        pltpu.VMEM((RPT, F), jnp.float32),
        pltpu.VMEM_SHARED((NB, F), jnp.float32),
        [pltpu.SemaphoreType.DMA] * NBUF,
    ],
    compiler_params=_SC_PARAMS,
)
def _sc_agg(rows_hbm, src_hbm, dst_hbm, out_hbm, src_v, dst_v, rows_v, zbuf,
            acc_sh, sems):
    cid = lax.axis_index("c")
    sid = lax.axis_index("s")
    wid = sid * NC + cid

    _zero_rows(zbuf, RPT)
    pltpu.sync_copy(zbuf, acc_sh.at[pl.ds(sid * RPT, RPT)])
    plsc.subcore_barrier()

    pltpu.sync_copy(src_hbm.at[wid], src_v)
    pltpu.sync_copy(dst_hbm.at[wid], dst_v)

    for b in range(NBUF):
        pltpu.async_copy(rows_hbm.at[src_v.at[b]], rows_v.at[b], sems[b])

    def macro(m, c):
        for b in range(NBUF):
            j = m * NBUF + b
            pltpu.make_async_copy(
                rows_hbm.at[src_v.at[j]], rows_v.at[b], sems[b]).wait()
            pltpu.sync_copy(rows_v.at[b], acc_sh.at[dst_v.at[j]], add=True)
            nj = j + NBUF
            @pl.when(nj < STEPS)
            def _():
                pltpu.async_copy(
                    rows_hbm.at[src_v.at[nj]], rows_v.at[b], sems[b])
        return c
    lax.fori_loop(0, STEPS // NBUF, macro, 0)
    plsc.subcore_barrier()

    pltpu.sync_copy(acc_sh.at[pl.ds(sid * RPT, RPT)], zbuf)
    pltpu.sync_copy(zbuf, out_hbm.at[cid, pl.ds(sid * RPT, RPT)])


NP8 = N // 8
DP = 8 * D


def _tc_a_body(xp_ref, w1k_ref, d0_ref, d1_ref, hs_ref, inv_ref):
    inv = lax.rsqrt(d0_ref[...] + d1_ref[...] + 1.0)
    h = jnp.dot(xp_ref[...], w1k_ref[...],
                preferred_element_type=jnp.float32)
    hs_ref[...] = h * inv
    inv_ref[...] = inv


def _tc_b_body(a0_ref, a1_ref, hs_ref, inv_ref, b1_ref, w2bd_ref, out_ref):
    inv = inv_ref[...]
    pre = (a0_ref[...] + a1_ref[...] + hs_ref[...]) * inv + b1_ref[...]
    r = jnp.maximum(pre, 0.0)
    h2 = jnp.dot(r, w2bd_ref[...], preferred_element_type=jnp.float32)
    out_ref[...] = h2 * inv


def _tc_c_body(a0_ref, a1_ref, hs_ref, inv_ref, b2_ref, g_ref, out_ref):
    o = (a0_ref[...] + a1_ref[...] + hs_ref[...]) * inv_ref[...] + b2_ref[...]
    m = jnp.max(o, axis=1, keepdims=True)
    e = o - m
    ssum = jnp.dot(jnp.exp(e), g_ref[...],
                   preferred_element_type=jnp.float32)
    out_ref[...] = e - jnp.log(ssum)


_tc_a = pl.pallas_call(
    _tc_a_body,
    out_shape=[
        jax.ShapeDtypeStruct((NP8, 128), jnp.float32),
        jax.ShapeDtypeStruct((NP8, 128), jnp.float32),
    ],
)

_tc_b = pl.pallas_call(
    _tc_b_body,
    out_shape=jax.ShapeDtypeStruct((NP8, 128), jnp.float32),
)

_tc_c = pl.pallas_call(
    _tc_c_body,
    out_shape=jax.ShapeDtypeStruct((NP8, 128), jnp.float32),
)


def kernel(x, edge_index, W1, b1, W2, b2):
    src = edge_index[0].reshape(NW, EPW)
    dst = edge_index[1].reshape(NW, EPW)
    pad_src = jnp.zeros((NW, PADW), jnp.int32)
    pad_dst = jnp.full((NW, PADW), N, jnp.int32)
    srcp = jnp.concatenate([src, pad_src], axis=1).reshape(NW, STEPS, BATCH)
    dstp = jnp.concatenate([dst, pad_dst], axis=1).reshape(NW, STEPS, BATCH)

    eye8 = jnp.eye(8, dtype=jnp.float32)
    xp = x.reshape(NP8, DP)
    w1k = jnp.kron(eye8, W1)
    w2bd = jnp.kron(eye8, W2)
    b1t = jnp.tile(b1, 8).reshape(1, 128)
    b2t = jnp.tile(b2, 8).reshape(1, 128)
    g16 = jnp.kron(eye8, jnp.ones((F, F), jnp.float32))

    degp = _sc_deg(dstp).reshape(NC, NB * F // 128, 128)
    hs1p, invp = _tc_a(xp, w1k, degp[0, :NP8], degp[1, :NP8])
    agg1 = _sc_agg(hs1p.reshape(N, F), srcp, dstp).reshape(
        NC, NB * F // 128, 128)
    hs2p = _tc_b(agg1[0, :NP8], agg1[1, :NP8], hs1p, invp, b1t, w2bd)
    agg2 = _sc_agg(hs2p.reshape(N, F), srcp, dstp).reshape(
        NC, NB * F // 128, 128)
    outp = _tc_c(agg2[0, :NP8], agg2[1, :NP8], hs2p, invp, b2t, g16)
    return outp.reshape(N, F)

# --- scband reference (transcript-rebuilt; emitter-appended) ---
"""Pipeline reference for scband-improved-gcn-18081812316990 (READ-ONLY COPY).

The authoritative reference and input builder live on the scoring server;
editing this copy changes nothing except your own understanding.
"""

import jax, jax.numpy as jnp
import numpy as np

N = 10000
E = 160000
D = 256
H = 16
C = 16


def gcn_conv(x, edge_index, W, b):
    # Faithful GCNConv: x' = D^{-1/2} (A + I) D^{-1/2} (x W) + b, with self-loops
    n = x.shape[0]
    loop = jnp.arange(n, dtype=edge_index.dtype)
    src = jnp.concatenate([edge_index[0], loop])
    dst = jnp.concatenate([edge_index[1], loop])
    deg = jnp.zeros((n,), dtype=x.dtype).at[dst].add(1.0)
    inv_sqrt = jnp.where(deg > 0, deg ** -0.5, 0.0)
    coeff = inv_sqrt[src] * inv_sqrt[dst]
    h = x @ W
    msg = h[src] * coeff[:, None]
    out = jnp.zeros((n, W.shape[1]), dtype=x.dtype).at[dst].add(msg)
    return out + b


def setup_inputs(seed: int = 0):
    key = jax.random.key(seed)
    k1, k2, k3, k4, k5, k6 = jax.random.split(key, 6)
    x = jax.random.normal(k1, (N, D), dtype=jnp.float32)
    edge_index = jax.random.randint(k2, (2, E), 0, N, dtype=jnp.int32)
    W1 = jax.random.normal(k3, (D, H), dtype=jnp.float32) * (1.0 / np.sqrt(D))
    b1 = jnp.zeros((H,), dtype=jnp.float32)
    W2 = jax.random.normal(k4, (H, C), dtype=jnp.float32) * (1.0 / np.sqrt(H))
    b2 = jnp.zeros((C,), dtype=jnp.float32)
    return {"x": x, "edge_index": edge_index, "W1": W1, "b1": b1, "W2": W2, "b2": b2}


def reference(x, edge_index, W1, b1, W2, b2):
    # conv1 -> relu -> (dropout is identity in eval) -> conv2 -> log_softmax
    h = gcn_conv(x, edge_index, W1, b1)
    h = jax.nn.relu(h)
    out = gcn_conv(h, edge_index, W2, b2)
    return jax.nn.log_softmax(out, axis=1)

if __name__ == "__main__":
    import jax
    _d = setup_inputs()
    print(jax.jit(kernel)(*tuple(_d.values())))

</pallas_src>

<mosaic_0001>
#map = affine_map<(d0, d1) -> (0, 0, 0)>
module attributes {stable_mosaic.version = 14 : i64} {
  func.func @_sc_deg(%arg0: i32, %arg1: i32, %arg2: memref<32x40x128xi32, #tpu.memory_space<hbm>>, %arg3: memref<2x10112x16xf32, #tpu.memory_space<hbm>>, %arg4: memref<40x128xi32, #tpu.memory_space<vmem>>, %arg5: memref<128x16xf32, #tpu.memory_space<vmem>>, %arg6: memref<632x16xf32, #tpu.memory_space<vmem>>, %arg7: memref<10112x16xf32, #tpu.memory_space<vmem_shared>>) attributes {dimension_semantics = [#tpu.dimension_semantics<core_parallel>, #tpu.dimension_semantics<subcore_parallel>], iteration_bounds = array<i64: 2, 16>, scalar_prefetch = 0 : i64, scratch_operands = 4 : i64, tpu.core_type = #tpu.core_type<sc_vector_subcore>, window_params = [{transform_indices = #map}, {transform_indices = #map}]} {
    %mul3A = arith.constant 2 : i32
    %mul3A_0 = arith.muli %arg1, %mul3A : i32
    %add3A = arith.addi %mul3A_0, %arg0 : i32
    %scan3A = arith.constant 0 : i32
    %scan3A_1 = arith.constant 0 : i32
    %scan3A_2 = arith.constant 632 : i32
    %scan3A_3 = arith.addi %scan3A_1, %scan3A_2 : i32
    %scan3A_4 = arith.constant 1 : i32
    scf.for %scan3A_25 = %scan3A_1 to %scan3A_3 step %scan3A_4  : i32 {
      %broadcast_in_dim3A = arith.constant 0.000000e+00 : f32
      %broadcast_in_dim3A_26 = vector.broadcast %broadcast_in_dim3A : f32 to vector<16xf32>
      %swap3A = arith.index_cast %scan3A_25 : i32 to index
      %swap3A_27 = arith.constant 0 : index
      %swap3A_28 = tpu.vector_load %arg6[%swap3A, %swap3A_27] {strides = array<i32>} : memref<632x16xf32, #tpu.memory_space<vmem>>, vector<1x16xf32>,
      %swap3A_29 = vector.shape_cast %swap3A_28 : vector<1x16xf32> to vector<16xf32>
      %swap3A_30 = vector.shape_cast %broadcast_in_dim3A_26 : vector<16xf32> to vector<1x16xf32>
      tpu.vector_store %arg6[%swap3A, %swap3A_27], %swap3A_30 {strides = array<i32>} : memref<632x16xf32, #tpu.memory_space<vmem>>, vector<1x16xf32>,
    }
    %scan3A_5 = arith.constant 632 : i32
    %scan3A_6 = arith.constant 0 : i32
    %scan3A_7 = arith.constant 0 : i32
    %scan3A_8 = arith.constant 128 : i32
    %scan3A_9 = arith.addi %scan3A_7, %scan3A_8 : i32
    %scan3A_10 = arith.constant 1 : i32
    scf.for %scan3A_25 = %scan3A_7 to %scan3A_9 step %scan3A_10  : i32 {
      %broadcast_in_dim3A = arith.constant 1.000000e+00 : f32
      %broadcast_in_dim3A_26 = vector.broadcast %broadcast_in_dim3A : f32 to vector<16xf32>
      %swap3A = arith.index_cast %scan3A_25 : i32 to index
      %swap3A_27 = arith.constant 0 : index
      %swap3A_28 = tpu.vector_load %arg5[%swap3A, %swap3A_27] {strides = array<i32>} : memref<128x16xf32, #tpu.memory_space<vmem>>, vector<1x16xf32>,
      %swap3A_29 = vector.shape_cast %swap3A_28 : vector<1x16xf32> to vector<16xf32>
      %swap3A_30 = vector.shape_cast %broadcast_in_dim3A_26 : vector<16xf32> to vector<1x16xf32>
      tpu.vector_store %arg5[%swap3A, %swap3A_27], %swap3A_30 {strides = array<i32>} : memref<128x16xf32, #tpu.memory_space<vmem>>, vector<1x16xf32>,
    }
    %scan3A_11 = arith.constant 128 : i32
    %mul3A_12 = arith.constant 632 : i32
    %mul3A_13 = arith.muli %arg1, %mul3A_12 : i32
    "tpu.region"() ({
      %run_scoped3A = tpu.sem_alloc : memref<!tpu.dma_semaphore, #tpu.memory_space<semaphore_mem>>
      %dma_start3A = arith.constant 0 : i32
      %dma_start3A_25 = tpu.memref_slice %arg7[%mul3A_13, %dma_start3A] : memref<10112x16xf32, #tpu.memory_space<vmem_shared>> -> memref<632x16xf32, #tpu.memory_space<vmem_shared>>
      %dma_start3A_26 = arith.constant 0 : i32
      %dma_start3A_27 = tpu.memref_slice %arg7[%mul3A_13, %dma_start3A_26] : memref<10112x16xf32, #tpu.memory_space<vmem_shared>> -> memref<632x16xf32, #tpu.memory_space<vmem_shared>>
      tpu.enqueue_dma source(%arg6 : memref<632x16xf32, #tpu.memory_space<vmem>>) target(%dma_start3A_27 : memref<632x16xf32, #tpu.memory_space<vmem_shared>>) target_semaphore(%run_scoped3A : memref<!tpu.dma_semaphore, #tpu.memory_space<semaphore_mem>>)
      %dma_wait3A = arith.constant 0 : i32
      %dma_wait3A_28 = tpu.memref_slice %arg7[%mul3A_13, %dma_wait3A] : memref<10112x16xf32, #tpu.memory_space<vmem_shared>> -> memref<632x16xf32, #tpu.memory_space<vmem_shared>>
      %dma_wait3A_29 = arith.constant 0 : i32
      %dma_wait3A_30 = tpu.memref_slice %arg7[%mul3A_13, %dma_wait3A_29] : memref<10112x16xf32, #tpu.memory_space<vmem_shared>> -> memref<632x16xf32, #tpu.memory_space<vmem_shared>>
      tpu.wait_dma2 semaphore(%run_scoped3A : memref<!tpu.dma_semaphore, #tpu.memory_space<semaphore_mem>>) src(%arg6 : memref<632x16xf32, #tpu.memory_space<vmem>>) dst(%dma_wait3A_30 : memref<632x16xf32, #tpu.memory_space<vmem_shared>>)
      tpu.yield
    }) : () -> ()
    %barrier3A = arith.constant 0 : index
    tpu.barrier barrier_id(%barrier3A)
    "tpu.region"() ({
      %run_scoped3A = tpu.sem_alloc : memref<!tpu.dma_semaphore, #tpu.memory_space<semaphore_mem>>
      %dma_start3A = arith.constant 0 : i32
      %dma_start3A_25 = arith.constant 0 : i32
      %dma_start3A_26 = tpu.memref_slice %arg2[%add3A, %dma_start3A, %dma_start3A_25] : memref<32x40x128xi32, #tpu.memory_space<hbm>> -> memref<1x40x128xi32, #tpu.memory_space<hbm>>
      %dma_start3A_27 = tpu.memref_squeeze %dma_start3A_26 : memref<1x40x128xi32, #tpu.memory_space<hbm>> -> memref<40x128xi32, #tpu.memory_space<hbm>>
      %dma_start3A_28 = arith.constant 0 : i32
      %dma_start3A_29 = arith.constant 0 : i32
      %dma_start3A_30 = tpu.memref_slice %arg2[%add3A, %dma_start3A_28, %dma_start3A_29] : memref<32x40x128xi32, #tpu.memory_space<hbm>> -> memref<1x40x128xi32, #tpu.memory_space<hbm>>
      %dma_start3A_31 = tpu.memref_squeeze %dma_start3A_30 : memref<1x40x128xi32, #tpu.memory_space<hbm>> -> memref<40x128xi32, #tpu.memory_space<hbm>>
      tpu.enqueue_dma source(%dma_start3A_31 : memref<40x128xi32, #tpu.memory_space<hbm>>) target(%arg4 : memref<40x128xi32, #tpu.memory_space<vmem>>) target_semaphore(%run_scoped3A : memref<!tpu.dma_semaphore, #tpu.memory_space<semaphore_mem>>)
      %dma_wait3A = arith.constant 0 : i32
      %dma_wait3A_32 = arith.constant 0 : i32
      %dma_wait3A_33 = tpu.memref_slice %arg2[%add3A, %dma_wait3A, %dma_wait3A_32] : memref<32x40x128xi32, #tpu.memory_space<hbm>> -> memref<1x40x128xi32, #tpu.memory_space<hbm>>
      %dma_wait3A_34 = tpu.memref_squeeze %dma_wait3A_33 : memref<1x40x128xi32, #tpu.memory_space<hbm>> -> memref<40x128xi32, #tpu.memory_space<hbm>>
      %dma_wait3A_35 = arith.constant 0 : i32
      %dma_wait3A_36 = arith.constant 0 : i32
      %dma_wait3A_37 = tpu.memref_slice %arg2[%add3A, %dma_wait3A_35, %dma_wait3A_36] : memref<32x40x128xi32, #tpu.memory_space<hbm>> -> memref<1x40x128xi32, #tpu.memory_space<hbm>>
      %dma_wait3A_38 = tpu.memref_squeeze %dma_wait3A_37 : memref<1x40x128xi32, #tpu.memory_space<hbm>> -> memref<40x128xi32, #tpu.memory_space<hbm>>
      tpu.wait_dma2 semaphore(%run_scoped3A : memref<!tpu.dma_semaphore, #tpu.memory_space<semaphore_mem>>) src(%dma_wait3A_38 : memref<40x128xi32, #tpu.memory_space<hbm>>) dst(%arg4 : memref<40x128xi32, #tpu.memory_space<vmem>>)
      tpu.yield
    }) : () -> ()
    %scan3A_14 = arith.constant 0 : i32
    %scan3A_15 = arith.constant 0 : i32
    %scan3A_16 = arith.constant 40 : i32
    %scan3A_17 = arith.addi %scan3A_15, %scan3A_16 : i32
    %scan3A_18 = arith.constant 1 : i32
    scf.for %scan3A_25 = %scan3A_15 to %scan3A_17 step %scan3A_18  : i32 {
      "tpu.region"() ({
        %run_scoped3A = tpu.sem_alloc : memref<!tpu.dma_semaphore, #tpu.memory_space<semaphore_mem>>
        %dma_start3A = arith.constant 0 : i32
        %dma_start3A_26 = tpu.memref_slice %arg4[%scan3A_25, %dma_start3A] : memref<40x128xi32, #tpu.memory_space<vmem>> -> memref<1x128xi32, #tpu.memory_space<vmem>>
        %dma_start3A_27 = tpu.memref_squeeze %dma_start3A_26 : memref<1x128xi32, #tpu.memory_space<vmem>> -> memref<128xi32, #tpu.memory_space<vmem>>
        %dma_start3A_28 = arith.constant 0 : i32
        %dma_start3A_29 = arith.constant 0 : i32
        %dma_start3A_30 = tpu.memref_slice %arg7[%dma_start3A_28, %dma_start3A_29] : memref<10112x16xf32, #tpu.memory_space<vmem_shared>> -> memref<10112x16xf32, #tpu.memory_space<vmem_shared>>
        tpu.enqueue_indirect_dma source(%arg5 : memref<128x16xf32, #tpu.memory_space<vmem>>) target(%dma_start3A_30 : memref<10112x16xf32, #tpu.memory_space<vmem_shared>>) offsets(%dma_start3A_27 : memref<128xi32, #tpu.memory_space<vmem>>) semaphore(%run_scoped3A : memref<!tpu.dma_semaphore, #tpu.memory_space<semaphore_mem>>) {add = true}
        %dma_wait3A = arith.constant 0 : i32
        %dma_wait3A_31 = tpu.memref_slice %arg4[%scan3A_25, %dma_wait3A] : memref<40x128xi32, #tpu.memory_space<vmem>> -> memref<1x128xi32, #tpu.memory_space<vmem>>
        %dma_wait3A_32 = tpu.memref_squeeze %dma_wait3A_31 : memref<1x128xi32, #tpu.memory_space<vmem>> -> memref<128xi32, #tpu.memory_space<vmem>>
        %dma_wait3A_33 = arith.constant 0 : i32
        %dma_wait3A_34 = arith.constant 0 : i32
        %dma_wait3A_35 = tpu.memref_slice %arg7[%dma_wait3A_33, %dma_wait3A_34] : memref<10112x16xf32, #tpu.memory_space<vmem_shared>> -> memref<10112x16xf32, #tpu.memory_space<vmem_shared>>
        tpu.wait_indirect_dma semaphore(%run_scoped3A : memref<!tpu.dma_semaphore, #tpu.memory_space<semaphore_mem>>) src(%arg5 : memref<128x16xf32, #tpu.memory_space<vmem>>) dst(%dma_wait3A_35 : memref<10112x16xf32, #tpu.memory_space<vmem_shared>>)
        tpu.yield
      }) : () -> ()
    }
    %scan3A_19 = arith.constant 40 : i32
    %barrier3A_20 = arith.constant 0 : index
    tpu.barrier barrier_id(%barrier3A_20)
    %mul3A_21 = arith.constant 632 : i32
    %mul3A_22 = arith.muli %arg1, %mul3A_21 : i32
    "tpu.region"() ({
      %run_scoped3A = tpu.sem_alloc : memref<!tpu.dma_semaphore, #tpu.memory_space<semaphore_mem>>
      %dma_start3A = arith.constant 0 : i32
      %dma_start3A_25 = tpu.memref_slice %arg7[%mul3A_22, %dma_start3A] : memref<10112x16xf32, #tpu.memory_space<vmem_shared>> -> memref<632x16xf32, #tpu.memory_space<vmem_shared>>
      %dma_start3A_26 = arith.constant 0 : i32
      %dma_start3A_27 = tpu.memref_slice %arg7[%mul3A_22, %dma_start3A_26] : memref<10112x16xf32, #tpu.memory_space<vmem_shared>> -> memref<632x16xf32, #tpu.memory_space<vmem_shared>>
      tpu.enqueue_dma source(%dma_start3A_27 : memref<632x16xf32, #tpu.memory_space<vmem_shared>>) target(%arg6 : memref<632x16xf32, #tpu.memory_space<vmem>>) target_semaphore(%run_scoped3A : memref<!tpu.dma_semaphore, #tpu.memory_space<semaphore_mem>>)
      %dma_wait3A = arith.constant 0 : i32
      %dma_wait3A_28 = tpu.memref_slice %arg7[%mul3A_22, %dma_wait3A] : memref<10112x16xf32, #tpu.memory_space<vmem_shared>> -> memref<632x16xf32, #tpu.memory_space<vmem_shared>>
      %dma_wait3A_29 = arith.constant 0 : i32
      %dma_wait3A_30 = tpu.memref_slice %arg7[%mul3A_22, %dma_wait3A_29] : memref<10112x16xf32, #tpu.memory_space<vmem_shared>> -> memref<632x16xf32, #tpu.memory_space<vmem_shared>>
      tpu.wait_dma2 semaphore(%run_scoped3A : memref<!tpu.dma_semaphore, #tpu.memory_space<semaphore_mem>>) src(%dma_wait3A_30 : memref<632x16xf32, #tpu.memory_space<vmem_shared>>) dst(%arg6 : memref<632x16xf32, #tpu.memory_space<vmem>>)
      tpu.yield
    }) : () -> ()
    %mul3A_23 = arith.constant 632 : i32
    %mul3A_24 = arith.muli %arg1, %mul3A_23 : i32
    "tpu.region"() ({
      %run_scoped3A = tpu.sem_alloc : memref<!tpu.dma_semaphore, #tpu.memory_space<semaphore_mem>>
      %dma_start3A = arith.constant 0 : i32
      %dma_start3A_25 = tpu.memref_slice %arg3[%arg0, %mul3A_24, %dma_start3A] : memref<2x10112x16xf32, #tpu.memory_space<hbm>> -> memref<1x632x16xf32, #tpu.memory_space<hbm>>
      %dma_start3A_26 = tpu.memref_squeeze %dma_start3A_25 : memref<1x632x16xf32, #tpu.memory_space<hbm>> -> memref<632x16xf32, #tpu.memory_space<hbm>>
      %dma_start3A_27 = arith.constant 0 : i32
      %dma_start3A_28 = tpu.memref_slice %arg3[%arg0, %mul3A_24, %dma_start3A_27] : memref<2x10112x16xf32, #tpu.memory_space<hbm>> -> memref<1x632x16xf32, #tpu.memory_space<hbm>>
      %dma_start3A_29 = tpu.memref_squeeze %dma_start3A_28 : memref<1x632x16xf32, #tpu.memory_space<hbm>> -> memref<632x16xf32, #tpu.memory_space<hbm>>
      tpu.enqueue_dma source(%arg6 : memref<632x16xf32, #tpu.memory_space<vmem>>) target(%dma_start3A_29 : memref<632x16xf32, #tpu.memory_space<hbm>>) target_semaphore(%run_scoped3A : memref<!tpu.dma_semaphore, #tpu.memory_space<semaphore_mem>>)
      %dma_wait3A = arith.constant 0 : i32
      %dma_wait3A_30 = tpu.memref_slice %arg3[%arg0, %mul3A_24, %dma_wait3A] : memref<2x10112x16xf32, #tpu.memory_space<hbm>> -> memref<1x632x16xf32, #tpu.memory_space<hbm>>
      %dma_wait3A_31 = tpu.memref_squeeze %dma_wait3A_30 : memref<1x632x16xf32, #tpu.memory_space<hbm>> -> memref<632x16xf32, #tpu.memory_space<hbm>>
      %dma_wait3A_32 = arith.constant 0 : i32
      %dma_wait3A_33 = tpu.memref_slice %arg3[%arg0, %mul3A_24, %dma_wait3A_32] : memref<2x10112x16xf32, #tpu.memory_space<hbm>> -> memref<1x632x16xf32, #tpu.memory_space<hbm>>
      %dma_wait3A_34 = tpu.memref_squeeze %dma_wait3A_33 : memref<1x632x16xf32, #tpu.memory_space<hbm>> -> memref<632x16xf32, #tpu.memory_space<hbm>>
      tpu.wait_dma2 semaphore(%run_scoped3A : memref<!tpu.dma_semaphore, #tpu.memory_space<semaphore_mem>>) src(%arg6 : memref<632x16xf32, #tpu.memory_space<vmem>>) dst(%dma_wait3A_34 : memref<632x16xf32, #tpu.memory_space<hbm>>)
      tpu.yield
    }) : () -> ()
    return
  }
}

#map = affine_map<(d0, d1) -> (0, 0)>
#map1 = affine_map<(d0, d1) -> (0, 0, 0)>
module attributes {stable_mosaic.version = 14 : i64} {
  func.func @_sc_agg(%arg0: i32, %arg1: i32, %arg2: memref<10000x16xf32, #tpu.memory_space<hbm>>, %arg3: memref<32x40x128xi32, #tpu.memory_space<hbm>>, %arg4: memref<32x40x128xi32, #tpu.memory_space<hbm>>, %arg5: memref<2x10112x16xf32, #tpu.memory_space<hbm>>, %arg6: memref<40x128xi32, #tpu.memory_space<vmem>>, %arg7: memref<40x128xi32, #tpu.memory_space<vmem>>, %arg8: memref<10x128x16xf32, #tpu.memory_space<vmem>>, %arg9: memref<632x16xf32, #tpu.memory_space<vmem>>, %arg10: memref<10112x16xf32, #tpu.memory_space<vmem_shared>>, %arg11: memref<!tpu.dma_semaphore, #tpu.memory_space<semaphore_mem>>, %arg12: memref<!tpu.dma_semaphore, #tpu.memory_space<semaphore_mem>>, %arg13: memref<!tpu.dma_semaphore, #tpu.memory_space<semaphore_mem>>, %arg14: memref<!tpu.dma_semaphore, #tpu.memory_space<semaphore_mem>>, %arg15: memref<!tpu.dma_semaphore, #tpu.memory_space<semaphore_mem>>, %arg16: memref<!tpu.dma_semaphore, #tpu.memory_space<semaphore_mem>>, %arg17: memref<!tpu.dma_semaphore, #tpu.memory_space<semaphore_mem>>, %arg18: memref<!tpu.dma_semaphore, #tpu.memory_space<semaphore_mem>>, %arg19: memref<!tpu.dma_semaphore, #tpu.memory_space<semaphore_mem>>, %arg20: memref<!tpu.dma_semaphore, #tpu.memory_space<semaphore_mem>>) attributes {dimension_semantics = [#tpu.dimension_semantics<core_parallel>, #tpu.dimension_semantics<subcore_parallel>], iteration_bounds = array<i64: 2, 16>, scalar_prefetch = 0 : i64, scratch_operands = 15 : i64, tpu.core_type = #tpu.core_type<sc_vector_subcore>, window_params = [{transform_indices = #map}, {transform_indices = #map1}, {transform_indices = #map1}, {transform_indices = #map1}]} {
    %mul3A = arith.constant 2 : i32
    %mul3A_0 = arith.muli %arg1, %mul3A : i32
    %add3A = arith.addi %mul3A_0, %arg0 : i32
    %scan3A = arith.constant 0 : i32
    %scan3A_1 = arith.constant 0 : i32
    %scan3A_2 = arith.constant 632 : i32
    %scan3A_3 = arith.addi %scan3A_1, %scan3A_2 : i32
    %scan3A_4 = arith.constant 1 : i32
    scf.for %scan3A_138 = %scan3A_1 to %scan3A_3 step %scan3A_4  : i32 {
      %broadcast_in_dim3A = arith.constant 0.000000e+00 : f32
      %broadcast_in_dim3A_139 = vector.broadcast %broadcast_in_dim3A : f32 to vector<16xf32>
      %swap3A = arith.index_cast %scan3A_138 : i32 to index
      %swap3A_140 = arith.constant 0 : index
      %swap3A_141 = tpu.vector_load %arg9[%swap3A, %swap3A_140] {strides = array<i32>} : memref<632x16xf32, #tpu.memory_space<vmem>>, vector<1x16xf32>,
      %swap3A_142 = vector.shape_cast %swap3A_141 : vector<1x16xf32> to vector<16xf32>
      %swap3A_143 = vector.shape_cast %broadcast_in_dim3A_139 : vector<16xf32> to vector<1x16xf32>
      tpu.vector_store %arg9[%swap3A, %swap3A_140], %swap3A_143 {strides = array<i32>} : memref<632x16xf32, #tpu.memory_space<vmem>>, vector<1x16xf32>,
    }
    %scan3A_5 = arith.constant 632 : i32
    %mul3A_6 = arith.constant 632 : i32
    %mul3A_7 = arith.muli %arg1, %mul3A_6 : i32
    "tpu.region"() ({
      %run_scoped3A = tpu.sem_alloc : memref<!tpu.dma_semaphore, #tpu.memory_space<semaphore_mem>>
      %dma_start3A_138 = arith.constant 0 : i32
      %dma_start3A_139 = tpu.memref_slice %arg10[%mul3A_7, %dma_start3A_138] : memref<10112x16xf32, #tpu.memory_space<vmem_shared>> -> memref<632x16xf32, #tpu.memory_space<vmem_shared>>
      %dma_start3A_140 = arith.constant 0 : i32
      %dma_start3A_141 = tpu.memref_slice %arg10[%mul3A_7, %dma_start3A_140] : memref<10112x16xf32, #tpu.memory_space<vmem_shared>> -> memref<632x16xf32, #tpu.memory_space<vmem_shared>>
      tpu.enqueue_dma source(%arg9 : memref<632x16xf32, #tpu.memory_space<vmem>>) target(%dma_start3A_141 : memref<632x16xf32, #tpu.memory_space<vmem_shared>>) target_semaphore(%run_scoped3A : memref<!tpu.dma_semaphore, #tpu.memory_space<semaphore_mem>>)
      %dma_wait3A = arith.constant 0 : i32
      %dma_wait3A_142 = tpu.memref_slice %arg10[%mul3A_7, %dma_wait3A] : memref<10112x16xf32, #tpu.memory_space<vmem_shared>> -> memref<632x16xf32, #tpu.memory_space<vmem_shared>>
      %dma_wait3A_143 = arith.constant 0 : i32
      %dma_wait3A_144 = tpu.memref_slice %arg10[%mul3A_7, %dma_wait3A_143] : memref<10112x16xf32, #tpu.memory_space<vmem_shared>> -> memref<632x16xf32, #tpu.memory_space<vmem_shared>>
      tpu.wait_dma2 semaphore(%run_scoped3A : memref<!tpu.dma_semaphore, #tpu.memory_space<semaphore_mem>>) src(%arg9 : memref<632x16xf32, #tpu.memory_space<vmem>>) dst(%dma_wait3A_144 : memref<632x16xf32, #tpu.memory_space<vmem_shared>>)
      tpu.yield
    }) : () -> ()
    %barrier3A = arith.constant 0 : index
    tpu.barrier barrier_id(%barrier3A)
    "tpu.region"() ({
      %run_scoped3A = tpu.sem_alloc : memref<!tpu.dma_semaphore, #tpu.memory_space<semaphore_mem>>
      %dma_start3A_138 = arith.constant 0 : i32
      %dma_start3A_139 = arith.constant 0 : i32
      %dma_start3A_140 = tpu.memref_slice %arg3[%add3A, %dma_start3A_138, %dma_start3A_139] : memref<32x40x128xi32, #tpu.memory_space<hbm>> -> memref<1x40x128xi32, #tpu.memory_space<hbm>>
      %dma_start3A_141 = tpu.memref_squeeze %dma_start3A_140 : memref<1x40x128xi32, #tpu.memory_space<hbm>> -> memref<40x128xi32, #tpu.memory_space<hbm>>
      %dma_start3A_142 = arith.constant 0 : i32
      %dma_start3A_143 = arith.constant 0 : i32
      %dma_start3A_144 = tpu.memref_slice %arg3[%add3A, %dma_start3A_142, %dma_start3A_143] : memref<32x40x128xi32, #tpu.memory_space<hbm>> -> memref<1x40x128xi32, #tpu.memory_space<hbm>>
      %dma_start3A_145 = tpu.memref_squeeze %dma_start3A_144 : memref<1x40x128xi32, #tpu.memory_space<hbm>> -> memref<40x128xi32, #tpu.memory_space<hbm>>
      tpu.enqueue_dma source(%dma_start3A_145 : memref<40x128xi32, #tpu.memory_space<hbm>>) target(%arg6 : memref<40x128xi32, #tpu.memory_space<vmem>>) target_semaphore(%run_scoped3A : memref<!tpu.dma_semaphore, #tpu.memory_space<semaphore_mem>>)
      %dma_wait3A = arith.constant 0 : i32
      %dma_wait3A_146 = arith.constant 0 : i32
      %dma_wait3A_147 = tpu.memref_slice %arg3[%add3A, %dma_wait3A, %dma_wait3A_146] : memref<32x40x128xi32, #tpu.memory_space<hbm>> -> memref<1x40x128xi32, #tpu.memory_space<hbm>>
      %dma_wait3A_148 = tpu.memref_squeeze %dma_wait3A_147 : memref<1x40x128xi32, #tpu.memory_space<hbm>> -> memref<40x128xi32, #tpu.memory_space<hbm>>
      %dma_wait3A_149 = arith.constant 0 : i32
      %dma_wait3A_150 = arith.constant 0 : i32
      %dma_wait3A_151 = tpu.memref_slice %arg3[%add3A, %dma_wait3A_149, %dma_wait3A_150] : memref<32x40x128xi32, #tpu.memory_space<hbm>> -> memref<1x40x128xi32, #tpu.memory_space<hbm>>
      %dma_wait3A_152 = tpu.memref_squeeze %dma_wait3A_151 : memref<1x40x128xi32, #tpu.memory_space<hbm>> -> memref<40x128xi32, #tpu.memory_space<hbm>>
      tpu.wait_dma2 semaphore(%run_scoped3A : memref<!tpu.dma_semaphore, #tpu.memory_space<semaphore_mem>>) src(%dma_wait3A_152 : memref<40x128xi32, #tpu.memory_space<hbm>>) dst(%arg6 : memref<40x128xi32, #tpu.memory_space<vmem>>)
      tpu.yield
    }) : () -> ()
    "tpu.region"() ({
      %run_scoped3A = tpu.sem_alloc : memref<!tpu.dma_semaphore, #tpu.memory_space<semaphore_mem>>
      %dma_start3A_138 = arith.constant 0 : i32
      %dma_start3A_139 = arith.constant 0 : i32
      %dma_start3A_140 = tpu.memref_slice %arg4[%add3A, %dma_start3A_138, %dma_start3A_139] : memref<32x40x128xi32, #tpu.memory_space<hbm>> -> memref<1x40x128xi32, #tpu.memory_space<hbm>>
      %dma_start3A_141 = tpu.memref_squeeze %dma_start3A_140 : memref<1x40x128xi32, #tpu.memory_space<hbm>> -> memref<40x128xi32, #tpu.memory_space<hbm>>
      %dma_start3A_142 = arith.constant 0 : i32
      %dma_start3A_143 = arith.constant 0 : i32
      %dma_start3A_144 = tpu.memref_slice %arg4[%add3A, %dma_start3A_142, %dma_start3A_143] : memref<32x40x128xi32, #tpu.memory_space<hbm>> -> memref<1x40x128xi32, #tpu.memory_space<hbm>>
      %dma_start3A_145 = tpu.memref_squeeze %dma_start3A_144 : memref<1x40x128xi32, #tpu.memory_space<hbm>> -> memref<40x128xi32, #tpu.memory_space<hbm>>
      tpu.enqueue_dma source(%dma_start3A_145 : memref<40x128xi32, #tpu.memory_space<hbm>>) target(%arg7 : memref<40x128xi32, #tpu.memory_space<vmem>>) target_semaphore(%run_scoped3A : memref<!tpu.dma_semaphore, #tpu.memory_space<semaphore_mem>>)
      %dma_wait3A = arith.constant 0 : i32
      %dma_wait3A_146 = arith.constant 0 : i32
      %dma_wait3A_147 = tpu.memref_slice %arg4[%add3A, %dma_wait3A, %dma_wait3A_146] : memref<32x40x128xi32, #tpu.memory_space<hbm>> -> memref<1x40x128xi32, #tpu.memory_space<hbm>>
      %dma_wait3A_148 = tpu.memref_squeeze %dma_wait3A_147 : memref<1x40x128xi32, #tpu.memory_space<hbm>> -> memref<40x128xi32, #tpu.memory_space<hbm>>
      %dma_wait3A_149 = arith.constant 0 : i32
      %dma_wait3A_150 = arith.constant 0 : i32
      %dma_wait3A_151 = tpu.memref_slice %arg4[%add3A, %dma_wait3A_149, %dma_wait3A_150] : memref<32x40x128xi32, #tpu.memory_space<hbm>> -> memref<1x40x128xi32, #tpu.memory_space<hbm>>
      %dma_wait3A_152 = tpu.memref_squeeze %dma_wait3A_151 : memref<1x40x128xi32, #tpu.memory_space<hbm>> -> memref<40x128xi32, #tpu.memory_space<hbm>>
      tpu.wait_dma2 semaphore(%run_scoped3A : memref<!tpu.dma_semaphore, #tpu.memory_space<semaphore_mem>>) src(%dma_wait3A_152 : memref<40x128xi32, #tpu.memory_space<hbm>>) dst(%arg7 : memref<40x128xi32, #tpu.memory_space<vmem>>)
      tpu.yield
    }) : () -> ()
    %dma_start3A = arith.constant 0 : i32
    %dma_start3A_8 = arith.constant 0 : i32
    %dma_start3A_9 = arith.constant 0 : i32
    %dma_start3A_10 = arith.constant 0 : i32
    %dma_start3A_11 = tpu.memref_slice %arg8[%dma_start3A_8, %dma_start3A_9, %dma_start3A_10] : memref<10x128x16xf32, #tpu.memory_space<vmem>> -> memref<1x128x16xf32, #tpu.memory_space<vmem>>
    %dma_start3A_12 = tpu.memref_squeeze %dma_start3A_11 : memref<1x128x16xf32, #tpu.memory_space<vmem>> -> memref<128x16xf32, #tpu.memory_space<vmem>>
    %dma_start3A_13 = arith.constant 0 : i32
    %dma_start3A_14 = tpu.memref_slice %arg6[%dma_start3A, %dma_start3A_13] : memref<40x128xi32, #tpu.memory_space<vmem>> -> memref<1x128xi32, #tpu.memory_space<vmem>>
    %dma_start3A_15 = tpu.memref_squeeze %dma_start3A_14 : memref<1x128xi32, #tpu.memory_space<vmem>> -> memref<128xi32, #tpu.memory_space<vmem>>
    %dma_start3A_16 = arith.constant 0 : i32
    %dma_start3A_17 = arith.constant 0 : i32
    %dma_start3A_18 = tpu.memref_slice %arg2[%dma_start3A_16, %dma_start3A_17] : memref<10000x16xf32, #tpu.memory_space<hbm>> -> memref<10000x16xf32, #tpu.memory_space<hbm>>
    tpu.enqueue_indirect_dma source(%dma_start3A_18 : memref<10000x16xf32, #tpu.memory_space<hbm>>) target(%dma_start3A_12 : memref<128x16xf32, #tpu.memory_space<vmem>>) offsets(%dma_start3A_15 : memref<128xi32, #tpu.memory_space<vmem>>) semaphore(%arg11 : memref<!tpu.dma_semaphore, #tpu.memory_space<semaphore_mem>>)
    %dma_start3A_19 = arith.constant 1 : i32
    %dma_start3A_20 = arith.constant 1 : i32
    %dma_start3A_21 = arith.constant 0 : i32
    %dma_start3A_22 = arith.constant 0 : i32
    %dma_start3A_23 = tpu.memref_slice %arg8[%dma_start3A_20, %dma_start3A_21, %dma_start3A_22] : memref<10x128x16xf32, #tpu.memory_space<vmem>> -> memref<1x128x16xf32, #tpu.memory_space<vmem>>
    %dma_start3A_24 = tpu.memref_squeeze %dma_start3A_23 : memref<1x128x16xf32, #tpu.memory_space<vmem>> -> memref<128x16xf32, #tpu.memory_space<vmem>>
    %dma_start3A_25 = arith.constant 0 : i32
    %dma_start3A_26 = tpu.memref_slice %arg6[%dma_start3A_19, %dma_start3A_25] : memref<40x128xi32, #tpu.memory_space<vmem>> -> memref<1x128xi32, #tpu.memory_space<vmem>>
    %dma_start3A_27 = tpu.memref_squeeze %dma_start3A_26 : memref<1x128xi32, #tpu.memory_space<vmem>> -> memref<128xi32, #tpu.memory_space<vmem>>
    %dma_start3A_28 = arith.constant 0 : i32
    %dma_start3A_29 = arith.constant 0 : i32
    %dma_start3A_30 = tpu.memref_slice %arg2[%dma_start3A_28, %dma_start3A_29] : memref<10000x16xf32, #tpu.memory_space<hbm>> -> memref<10000x16xf32, #tpu.memory_space<hbm>>
    tpu.enqueue_indirect_dma source(%dma_start3A_30 : memref<10000x16xf32, #tpu.memory_space<hbm>>) target(%dma_start3A_24 : memref<128x16xf32, #tpu.memory_space<vmem>>) offsets(%dma_start3A_27 : memref<128xi32, #tpu.memory_space<vmem>>) semaphore(%arg12 : memref<!tpu.dma_semaphore, #tpu.memory_space<semaphore_mem>>)
    %dma_start3A_31 = arith.constant 2 : i32
    %dma_start3A_32 = arith.constant 2 : i32
    %dma_start3A_33 = arith.constant 0 : i32
    %dma_start3A_34 = arith.constant 0 : i32
    %dma_start3A_35 = tpu.memref_slice %arg8[%dma_start3A_32, %dma_start3A_33, %dma_start3A_34] : memref<10x128x16xf32, #tpu.memory_space<vmem>> -> memref<1x128x16xf32, #tpu.memory_space<vmem>>
    %dma_start3A_36 = tpu.memref_squeeze %dma_start3A_35 : memref<1x128x16xf32, #tpu.memory_space<vmem>> -> memref<128x16xf32, #tpu.memory_space<vmem>>
    %dma_start3A_37 = arith.constant 0 : i32
    %dma_start3A_38 = tpu.memref_slice %arg6[%dma_start3A_31, %dma_start3A_37] : memref<40x128xi32, #tpu.memory_space<vmem>> -> memref<1x128xi32, #tpu.memory_space<vmem>>
    %dma_start3A_39 = tpu.memref_squeeze %dma_start3A_38 : memref<1x128xi32, #tpu.memory_space<vmem>> -> memref<128xi32, #tpu.memory_space<vmem>>
    %dma_start3A_40 = arith.constant 0 : i32
    %dma_start3A_41 = arith.constant 0 : i32
    %dma_start3A_42 = tpu.memref_slice %arg2[%dma_start3A_40, %dma_start3A_41] : memref<10000x16xf32, #tpu.memory_space<hbm>> -> memref<10000x16xf32, #tpu.memory_space<hbm>>
    tpu.enqueue_indirect_dma source(%dma_start3A_42 : memref<10000x16xf32, #tpu.memory_space<hbm>>) target(%dma_start3A_36 : memref<128x16xf32, #tpu.memory_space<vmem>>) offsets(%dma_start3A_39 : memref<128xi32, #tpu.memory_space<vmem>>) semaphore(%arg13 : memref<!tpu.dma_semaphore, #tpu.memory_space<semaphore_mem>>)
    %dma_start3A_43 = arith.constant 3 : i32
    %dma_start3A_44 = arith.constant 3 : i32
    %dma_start3A_45 = arith.constant 0 : i32
    %dma_start3A_46 = arith.constant 0 : i32
    %dma_start3A_47 = tpu.memref_slice %arg8[%dma_start3A_44, %dma_start3A_45, %dma_start3A_46] : memref<10x128x16xf32, #tpu.memory_space<vmem>> -> memref<1x128x16xf32, #tpu.memory_space<vmem>>
    %dma_start3A_48 = tpu.memref_squeeze %dma_start3A_47 : memref<1x128x16xf32, #tpu.memory_space<vmem>> -> memref<128x16xf32, #tpu.memory_space<vmem>>
    %dma_start3A_49 = arith.constant 0 : i32
    %dma_start3A_50 = tpu.memref_slice %arg6[%dma_start3A_43, %dma_start3A_49] : memref<40x128xi32, #tpu.memory_space<vmem>> -> memref<1x128xi32, #tpu.memory_space<vmem>>
    %dma_start3A_51 = tpu.memref_squeeze %dma_start3A_50 : memref<1x128xi32, #tpu.memory_space<vmem>> -> memref<128xi32, #tpu.memory_space<vmem>>
    %dma_start3A_52 = arith.constant 0 : i32
    %dma_start3A_53 = arith.constant 0 : i32
    %dma_start3A_54 = tpu.memref_slice %arg2[%dma_start3A_52, %dma_start3A_53] : memref<10000x16xf32, #tpu.memory_space<hbm>> -> memref<10000x16xf32, #tpu.memory_space<hbm>>
    tpu.enqueue_indirect_dma source(%dma_start3A_54 : memref<10000x16xf32, #tpu.memory_space<hbm>>) target(%dma_start3A_48 : memref<128x16xf32, #tpu.memory_space<vmem>>) offsets(%dma_start3A_51 : memref<128xi32, #tpu.memory_space<vmem>>) semaphore(%arg14 : memref<!tpu.dma_semaphore, #tpu.memory_space<semaphore_mem>>)
    %dma_start3A_55 = arith.constant 4 : i32
    %dma_start3A_56 = arith.constant 4 : i32
    %dma_start3A_57 = arith.constant 0 : i32
    %dma_start3A_58 = arith.constant 0 : i32
    %dma_start3A_59 = tpu.memref_slice %arg8[%dma_start3A_56, %dma_start3A_57, %dma_start3A_58] : memref<10x128x16xf32, #tpu.memory_space<vmem>> -> memref<1x128x16xf32, #tpu.memory_space<vmem>>
    %dma_start3A_60 = tpu.memref_squeeze %dma_start3A_59 : memref<1x128x16xf32, #tpu.memory_space<vmem>> -> memref<128x16xf32, #tpu.memory_space<vmem>>
    %dma_start3A_61 = arith.constant 0 : i32
    %dma_start3A_62 = tpu.memref_slice %arg6[%dma_start3A_55, %dma_start3A_61] : memref<40x128xi32, #tpu.memory_space<vmem>> -> memref<1x128xi32, #tpu.memory_space<vmem>>
    %dma_start3A_63 = tpu.memref_squeeze %dma_start3A_62 : memref<1x128xi32, #tpu.memory_space<vmem>> -> memref<128xi32, #tpu.memory_space<vmem>>
    %dma_start3A_64 = arith.constant 0 : i32
    %dma_start3A_65 = arith.constant 0 : i32
    %dma_start3A_66 = tpu.memref_slice %arg2[%dma_start3A_64, %dma_start3A_65] : memref<10000x16xf32, #tpu.memory_space<hbm>> -> memref<10000x16xf32, #tpu.memory_space<hbm>>
    tpu.enqueue_indirect_dma source(%dma_start3A_66 : memref<10000x16xf32, #tpu.memory_space<hbm>>) target(%dma_start3A_60 : memref<128x16xf32, #tpu.memory_space<vmem>>) offsets(%dma_start3A_63 : memref<128xi32, #tpu.memory_space<vmem>>) semaphore(%arg15 : memref<!tpu.dma_semaphore, #tpu.memory_space<semaphore_mem>>)
    %dma_start3A_67 = arith.constant 5 : i32
    %dma_start3A_68 = arith.constant 5 : i32
    %dma_start3A_69 = arith.constant 0 : i32
    %dma_start3A_70 = arith.constant 0 : i32
    %dma_start3A_71 = tpu.memref_slice %arg8[%dma_start3A_68, %dma_start3A_69, %dma_start3A_70] : memref<10x128x16xf32, #tpu.memory_space<vmem>> -> memref<1x128x16xf32, #tpu.memory_space<vmem>>
    %dma_start3A_72 = tpu.memref_squeeze %dma_start3A_71 : memref<1x128x16xf32, #tpu.memory_space<vmem>> -> memref<128x16xf32, #tpu.memory_space<vmem>>
    %dma_start3A_73 = arith.constant 0 : i32
    %dma_start3A_74 = tpu.memref_slice %arg6[%dma_start3A_67, %dma_start3A_73] : memref<40x128xi32, #tpu.memory_space<vmem>> -> memref<1x128xi32, #tpu.memory_space<vmem>>
    %dma_start3A_75 = tpu.memref_squeeze %dma_start3A_74 : memref<1x128xi32, #tpu.memory_space<vmem>> -> memref<128xi32, #tpu.memory_space<vmem>>
    %dma_start3A_76 = arith.constant 0 : i32
    %dma_start3A_77 = arith.constant 0 : i32
    %dma_start3A_78 = tpu.memref_slice %arg2[%dma_start3A_76, %dma_start3A_77] : memref<10000x16xf32, #tpu.memory_space<hbm>> -> memref<10000x16xf32, #tpu.memory_space<hbm>>
    tpu.enqueue_indirect_dma source(%dma_start3A_78 : memref<10000x16xf32, #tpu.memory_space<hbm>>) target(%dma_start3A_72 : memref<128x16xf32, #tpu.memory_space<vmem>>) offsets(%dma_start3A_75 : memref<128xi32, #tpu.memory_space<vmem>>) semaphore(%arg16 : memref<!tpu.dma_semaphore, #tpu.memory_space<semaphore_mem>>)
    %dma_start3A_79 = arith.constant 6 : i32
    %dma_start3A_80 = arith.constant 6 : i32
    %dma_start3A_81 = arith.constant 0 : i32
    %dma_start3A_82 = arith.constant 0 : i32
    %dma_start3A_83 = tpu.memref_slice %arg8[%dma_start3A_80, %dma_start3A_81, %dma_start3A_82] : memref<10x128x16xf32, #tpu.memory_space<vmem>> -> memref<1x128x16xf32, #tpu.memory_space<vmem>>
    %dma_start3A_84 = tpu.memref_squeeze %dma_start3A_83 : memref<1x128x16xf32, #tpu.memory_space<vmem>> -> memref<128x16xf32, #tpu.memory_space<vmem>>
    %dma_start3A_85 = arith.constant 0 : i32
    %dma_start3A_86 = tpu.memref_slice %arg6[%dma_start3A_79, %dma_start3A_85] : memref<40x128xi32, #tpu.memory_space<vmem>> -> memref<1x128xi32, #tpu.memory_space<vmem>>
    %dma_start3A_87 = tpu.memref_squeeze %dma_start3A_86 : memref<1x128xi32, #tpu.memory_space<vmem>> -> memref<128xi32, #tpu.memory_space<vmem>>
    %dma_start3A_88 = arith.constant 0 : i32
    %dma_start3A_89 = arith.constant 0 : i32
    %dma_start3A_90 = tpu.memref_slice %arg2[%dma_start3A_88, %dma_start3A_89] : memref<10000x16xf32, #tpu.memory_space<hbm>> -> memref<10000x16xf32, #tpu.memory_space<hbm>>
    tpu.enqueue_indirect_dma source(%dma_start3A_90 : memref<10000x16xf32, #tpu.memory_space<hbm>>) target(%dma_start3A_84 : memref<128x16xf32, #tpu.memory_space<vmem>>) offsets(%dma_start3A_87 : memref<128xi32, #tpu.memory_space<vmem>>) semaphore(%arg17 : memref<!tpu.dma_semaphore, #tpu.memory_space<semaphore_mem>>)
    %dma_start3A_91 = arith.constant 7 : i32
    %dma_start3A_92 = arith.constant 7 : i32
    %dma_start3A_93 = arith.constant 0 : i32
    %dma_start3A_94 = arith.constant 0 : i32
    %dma_start3A_95 = tpu.memref_slice %arg8[%dma_start3A_92, %dma_start3A_93, %dma_start3A_94] : memref<10x128x16xf32, #tpu.memory_space<vmem>> -> memref<1x128x16xf32, #tpu.memory_space<vmem>>
    %dma_start3A_96 = tpu.memref_squeeze %dma_start3A_95 : memref<1x128x16xf32, #tpu.memory_space<vmem>> -> memref<128x16xf32, #tpu.memory_space<vmem>>
    %dma_start3A_97 = arith.constant 0 : i32
    %dma_start3A_98 = tpu.memref_slice %arg6[%dma_start3A_91, %dma_start3A_97] : memref<40x128xi32, #tpu.memory_space<vmem>> -> memref<1x128xi32, #tpu.memory_space<vmem>>
    %dma_start3A_99 = tpu.memref_squeeze %dma_start3A_98 : memref<1x128xi32, #tpu.memory_space<vmem>> -> memref<128xi32, #tpu.memory_space<vmem>>
    %dma_start3A_100 = arith.constant 0 : i32
    %dma_start3A_101 = arith.constant 0 : i32
    %dma_start3A_102 = tpu.memref_slice %arg2[%dma_start3A_100, %dma_start3A_101] : memref<10000x16xf32, #tpu.memory_space<hbm>> -> memref<10000x16xf32, #tpu.memory_space<hbm>>
    tpu.enqueue_indirect_dma source(%dma_start3A_102 : memref<10000x16xf32, #tpu.memory_space<hbm>>) target(%dma_start3A_96 : memref<128x16xf32, #tpu.memory_space<vmem>>) offsets(%dma_start3A_99 : memref<128xi32, #tpu.memory_space<vmem>>) semaphore(%arg18 : memref<!tpu.dma_semaphore, #tpu.memory_space<semaphore_mem>>)
    %dma_start3A_103 = arith.constant 8 : i32
    %dma_start3A_104 = arith.constant 8 : i32
    %dma_start3A_105 = arith.constant 0 : i32
    %dma_start3A_106 = arith.constant 0 : i32
    %dma_start3A_107 = tpu.memref_slice %arg8[%dma_start3A_104, %dma_start3A_105, %dma_start3A_106] : memref<10x128x16xf32, #tpu.memory_space<vmem>> -> memref<1x128x16xf32, #tpu.memory_space<vmem>>
    %dma_start3A_108 = tpu.memref_squeeze %dma_start3A_107 : memref<1x128x16xf32, #tpu.memory_space<vmem>> -> memref<128x16xf32, #tpu.memory_space<vmem>>
    %dma_start3A_109 = arith.constant 0 : i32
    %dma_start3A_110 = tpu.memref_slice %arg6[%dma_start3A_103, %dma_start3A_109] : memref<40x128xi32, #tpu.memory_space<vmem>> -> memref<1x128xi32, #tpu.memory_space<vmem>>
    %dma_start3A_111 = tpu.memref_squeeze %dma_start3A_110 : memref<1x128xi32, #tpu.memory_space<vmem>> -> memref<128xi32, #tpu.memory_space<vmem>>
    %dma_start3A_112 = arith.constant 0 : i32
    %dma_start3A_113 = arith.constant 0 : i32
    %dma_start3A_114 = tpu.memref_slice %arg2[%dma_start3A_112, %dma_start3A_113] : memref<10000x16xf32, #tpu.memory_space<hbm>> -> memref<10000x16xf32, #tpu.memory_space<hbm>>
    tpu.enqueue_indirect_dma source(%dma_start3A_114 : memref<10000x16xf32, #tpu.memory_space<hbm>>) target(%dma_start3A_108 : memref<128x16xf32, #tpu.memory_space<vmem>>) offsets(%dma_start3A_111 : memref<128xi32, #tpu.memory_space<vmem>>) semaphore(%arg19 : memref<!tpu.dma_semaphore, #tpu.memory_space<semaphore_mem>>)
    %dma_start3A_115 = arith.constant 9 : i32
    %dma_start3A_116 = arith.constant 9 : i32
    %dma_start3A_117 = arith.constant 0 : i32
    %dma_start3A_118 = arith.constant 0 : i32
    %dma_start3A_119 = tpu.memref_slice %arg8[%dma_start3A_116, %dma_start3A_117, %dma_start3A_118] : memref<10x128x16xf32, #tpu.memory_space<vmem>> -> memref<1x128x16xf32, #tpu.memory_space<vmem>>
    %dma_start3A_120 = tpu.memref_squeeze %dma_start3A_119 : memref<1x128x16xf32, #tpu.memory_space<vmem>> -> memref<128x16xf32, #tpu.memory_space<vmem>>
    %dma_start3A_121 = arith.constant 0 : i32
    %dma_start3A_122 = tpu.memref_slice %arg6[%dma_start3A_115, %dma_start3A_121] : memref<40x128xi32, #tpu.memory_space<vmem>> -> memref<1x128xi32, #tpu.memory_space<vmem>>
    %dma_start3A_123 = tpu.memref_squeeze %dma_start3A_122 : memref<1x128xi32, #tpu.memory_space<vmem>> -> memref<128xi32, #tpu.memory_space<vmem>>
    %dma_start3A_124 = arith.constant 0 : i32
    %dma_start3A_125 = arith.constant 0 : i32
    %dma_start3A_126 = tpu.memref_slice %arg2[%dma_start3A_124, %dma_start3A_125] : memref<10000x16xf32, #tpu.memory_space<hbm>> -> memref<10000x16xf32, #tpu.memory_space<hbm>>
    tpu.enqueue_indirect_dma source(%dma_start3A_126 : memref<10000x16xf32, #tpu.memory_space<hbm>>) target(%dma_start3A_120 : memref<128x16xf32, #tpu.memory_space<vmem>>) offsets(%dma_start3A_123 : memref<128xi32, #tpu.memory_space<vmem>>) semaphore(%arg20 : memref<!tpu.dma_semaphore, #tpu.memory_space<semaphore_mem>>)
    %scan3A_127 = arith.constant 0 : i32
    %scan3A_128 = arith.constant 0 : i32
    %scan3A_129 = arith.constant 4 : i32
    %scan3A_130 = arith.addi %scan3A_128, %scan3A_129 : i32
    %scan3A_131 = arith.constant 1 : i32
    scf.for %scan3A_138 = %scan3A_128 to %scan3A_130 step %scan3A_131  : i32 {
      %mul3A_139 = arith.constant 10 : i32
      %mul3A_140 = arith.muli %scan3A_138, %mul3A_139 : i32
      %add3A_141 = arith.constant 0 : i32
      %add3A_142 = arith.addi %mul3A_140, %add3A_141 : i32
      %dma_wait3A = arith.constant 0 : i32
      %dma_wait3A_143 = arith.constant 0 : i32
      %dma_wait3A_144 = arith.constant 0 : i32
      %dma_wait3A_145 = tpu.memref_slice %arg8[%dma_wait3A, %dma_wait3A_143, %dma_wait3A_144] : memref<10x128x16xf32, #tpu.memory_space<vmem>> -> memref<1x128x16xf32, #tpu.memory_space<vmem>>
      %dma_wait3A_146 = tpu.memref_squeeze %dma_wait3A_145 : memref<1x128x16xf32, #tpu.memory_space<vmem>> -> memref<128x16xf32, #tpu.memory_space<vmem>>
      %dma_wait3A_147 = arith.constant 0 : i32
      %dma_wait3A_148 = tpu.memref_slice %arg6[%add3A_142, %dma_wait3A_147] : memref<40x128xi32, #tpu.memory_space<vmem>> -> memref<1x128xi32, #tpu.memory_space<vmem>>
      %dma_wait3A_149 = tpu.memref_squeeze %dma_wait3A_148 : memref<1x128xi32, #tpu.memory_space<vmem>> -> memref<128xi32, #tpu.memory_space<vmem>>
      %dma_wait3A_150 = arith.constant 0 : i32
      %dma_wait3A_151 = arith.constant 0 : i32
      %dma_wait3A_152 = tpu.memref_slice %arg2[%dma_wait3A_150, %dma_wait3A_151] : memref<10000x16xf32, #tpu.memory_space<hbm>> -> memref<10000x16xf32, #tpu.memory_space<hbm>>
      tpu.wait_indirect_dma semaphore(%arg11 : memref<!tpu.dma_semaphore, #tpu.memory_space<semaphore_mem>>) src(%dma_wait3A_152 : memref<10000x16xf32, #tpu.memory_space<hbm>>) dst(%dma_wait3A_146 : memref<128x16xf32, #tpu.memory_space<vmem>>)
      %run_scoped3A = arith.constant 0 : i32
      "tpu.region"() ({
        %run_scoped3A_364 = tpu.sem_alloc : memref<!tpu.dma_semaphore, #tpu.memory_space<semaphore_mem>>
        %dma_start3A_365 = arith.constant 0 : i32
        %dma_start3A_366 = arith.constant 0 : i32
        %dma_start3A_367 = tpu.memref_slice %arg8[%run_scoped3A, %dma_start3A_365, %dma_start3A_366] : memref<10x128x16xf32, #tpu.memory_space<vmem>> -> memref<1x128x16xf32, #tpu.memory_space<vmem>>
        %dma_start3A_368 = tpu.memref_squeeze %dma_start3A_367 : memref<1x128x16xf32, #tpu.memory_space<vmem>> -> memref<128x16xf32, #tpu.memory_space<vmem>>
        %dma_start3A_369 = arith.constant 0 : i32
        %dma_start3A_370 = tpu.memref_slice %arg7[%add3A_142, %dma_start3A_369] : memref<40x128xi32, #tpu.memory_space<vmem>> -> memref<1x128xi32, #tpu.memory_space<vmem>>
        %dma_start3A_371 = tpu.memref_squeeze %dma_start3A_370 : memref<1x128xi32, #tpu.memory_space<vmem>> -> memref<128xi32, #tpu.memory_space<vmem>>
        %dma_start3A_372 = arith.constant 0 : i32
        %dma_start3A_373 = arith.constant 0 : i32
        %dma_start3A_374 = tpu.memref_slice %arg10[%dma_start3A_372, %dma_start3A_373] : memref<10112x16xf32, #tpu.memory_space<vmem_shared>> -> memref<10112x16xf32, #tpu.memory_space<vmem_shared>>
        tpu.enqueue_indirect_dma source(%dma_start3A_368 : memref<128x16xf32, #tpu.memory_space<vmem>>) target(%dma_start3A_374 : memref<10112x16xf32, #tpu.memory_space<vmem_shared>>) offsets(%dma_start3A_371 : memref<128xi32, #tpu.memory_space<vmem>>) semaphore(%run_scoped3A_364 : memref<!tpu.dma_semaphore, #tpu.memory_space<semaphore_mem>>) {add = true}
        %dma_wait3A_375 = arith.constant 0 : i32
        %dma_wait3A_376 = arith.constant 0 : i32
        %dma_wait3A_377 = tpu.memref_slice %arg8[%run_scoped3A, %dma_wait3A_375, %dma_wait3A_376] : memref<10x128x16xf32, #tpu.memory_space<vmem>> -> memref<1x128x16xf32, #tpu.memory_space<vmem>>
        %dma_wait3A_378 = tpu.memref_squeeze %dma_wait3A_377 : memref<1x128x16xf32, #tpu.memory_space<vmem>> -> memref<128x16xf32, #tpu.memory_space<vmem>>
        %dma_wait3A_379 = arith.constant 0 : i32
        %dma_wait3A_380 = tpu.memref_slice %arg7[%add3A_142, %dma_wait3A_379] : memref<40x128xi32, #tpu.memory_space<vmem>> -> memref<1x128xi32, #tpu.memory_space<vmem>>
        %dma_wait3A_381 = tpu.memref_squeeze %dma_wait3A_380 : memref<1x128xi32, #tpu.memory_space<vmem>> -> memref<128xi32, #tpu.memory_space<vmem>>
        %dma_wait3A_382 = arith.constant 0 : i32
        %dma_wait3A_383 = arith.constant 0 : i32
        %dma_wait3A_384 = tpu.memref_slice %arg10[%dma_wait3A_382, %dma_wait3A_383] : memref<10112x16xf32, #tpu.memory_space<vmem_shared>> -> memref<10112x16xf32, #tpu.memory_space<vmem_shared>>
        tpu.wait_indirect_dma semaphore(%run_scoped3A_364 : memref<!tpu.dma_semaphore, #tpu.memory_space<semaphore_mem>>) src(%dma_wait3A_378 : memref<128x16xf32, #tpu.memory_space<vmem>>) dst(%dma_wait3A_384 : memref<10112x16xf32, #tpu.memory_space<vmem_shared>>)
        tpu.yield
      }) : () -> ()
      %add3A_153 = arith.constant 10 : i32
      %add3A_154 = arith.addi %add3A_142, %add3A_153 : i32
      %lt3A = arith.constant 40 : i32
      %lt3A_155 = arith.cmpi slt, %add3A_154, %lt3A : i32
      %convert_element_type3A = arith.extui %lt3A_155 : i1 to i32
      %cond3A = arith.constant 0 : i32
      %cond3A_156 = arith.cmpi ne, %convert_element_type3A, %cond3A : i32
      scf.if %cond3A_156 {
        %dma_start3A_364 = arith.constant 0 : i32
        %dma_start3A_365 = arith.constant 0 : i32
        %dma_start3A_366 = arith.constant 0 : i32
        %dma_start3A_367 = tpu.memref_slice %arg8[%dma_start3A_364, %dma_start3A_365, %dma_start3A_366] : memref<10x128x16xf32, #tpu.memory_space<vmem>> -> memref<1x128x16xf32, #tpu.memory_space<vmem>>
        %dma_start3A_368 = tpu.memref_squeeze %dma_start3A_367 : memref<1x128x16xf32, #tpu.memory_space<vmem>> -> memref<128x16xf32, #tpu.memory_space<vmem>>
        %dma_start3A_369 = arith.constant 0 : i32
        %dma_start3A_370 = tpu.memref_slice %arg6[%add3A_154, %dma_start3A_369] : memref<40x128xi32, #tpu.memory_space<vmem>> -> memref<1x128xi32, #tpu.memory_space<vmem>>
        %dma_start3A_371 = tpu.memref_squeeze %dma_start3A_370 : memref<1x128xi32, #tpu.memory_space<vmem>> -> memref<128xi32, #tpu.memory_space<vmem>>
        %dma_start3A_372 = arith.constant 0 : i32
        %dma_start3A_373 = arith.constant 0 : i32
        %dma_start3A_374 = tpu.memref_slice %arg2[%dma_start3A_372, %dma_start3A_373] : memref<10000x16xf32, #tpu.memory_space<hbm>> -> memref<10000x16xf32, #tpu.memory_space<hbm>>
        tpu.enqueue_indirect_dma source(%dma_start3A_374 : memref<10000x16xf32, #tpu.memory_space<hbm>>) target(%dma_start3A_368 : memref<128x16xf32, #tpu.memory_space<vmem>>) offsets(%dma_start3A_371 : memref<128xi32, #tpu.memory_space<vmem>>) semaphore(%arg11 : memref<!tpu.dma_semaphore, #tpu.memory_space<semaphore_mem>>)
      } else {
      }
      %mul3A_157 = arith.constant 10 : i32
      %mul3A_158 = arith.muli %scan3A_138, %mul3A_157 : i32
      %add3A_159 = arith.constant 1 : i32
      %add3A_160 = arith.addi %mul3A_158, %add3A_159 : i32
      %dma_wait3A_161 = arith.constant 1 : i32
      %dma_wait3A_162 = arith.constant 0 : i32
      %dma_wait3A_163 = arith.constant 0 : i32
      %dma_wait3A_164 = tpu.memref_slice %arg8[%dma_wait3A_161, %dma_wait3A_162, %dma_wait3A_163] : memref<10x128x16xf32, #tpu.memory_space<vmem>> -> memref<1x128x16xf32, #tpu.memory_space<vmem>>
      %dma_wait3A_165 = tpu.memref_squeeze %dma_wait3A_164 : memref<1x128x16xf32, #tpu.memory_space<vmem>> -> memref<128x16xf32, #tpu.memory_space<vmem>>
      %dma_wait3A_166 = arith.constant 0 : i32
      %dma_wait3A_167 = tpu.memref_slice %arg6[%add3A_160, %dma_wait3A_166] : memref<40x128xi32, #tpu.memory_space<vmem>> -> memref<1x128xi32, #tpu.memory_space<vmem>>
      %dma_wait3A_168 = tpu.memref_squeeze %dma_wait3A_167 : memref<1x128xi32, #tpu.memory_space<vmem>> -> memref<128xi32, #tpu.memory_space<vmem>>
      %dma_wait3A_169 = arith.constant 0 : i32
      %dma_wait3A_170 = arith.constant 0 : i32
      %dma_wait3A_171 = tpu.memref_slice %arg2[%dma_wait3A_169, %dma_wait3A_170] : memref<10000x16xf32, #tpu.memory_space<hbm>> -> memref<10000x16xf32, #tpu.memory_space<hbm>>
      tpu.wait_indirect_dma semaphore(%arg12 : memref<!tpu.dma_semaphore, #tpu.memory_space<semaphore_mem>>) src(%dma_wait3A_171 : memref<10000x16xf32, #tpu.memory_space<hbm>>) dst(%dma_wait3A_165 : memref<128x16xf32, #tpu.memory_space<vmem>>)
      %run_scoped3A_172 = arith.constant 1 : i32
      "tpu.region"() ({
        %run_scoped3A_364 = tpu.sem_alloc : memref<!tpu.dma_semaphore, #tpu.memory_space<semaphore_mem>>
        %dma_start3A_365 = arith.constant 0 : i32
        %dma_start3A_366 = arith.constant 0 : i32
        %dma_start3A_367 = tpu.memref_slice %arg8[%run_scoped3A_172, %dma_start3A_365, %dma_start3A_366] : memref<10x128x16xf32, #tpu.memory_space<vmem>> -> memref<1x128x16xf32, #tpu.memory_space<vmem>>
        %dma_start3A_368 = tpu.memref_squeeze %dma_start3A_367 : memref<1x128x16xf32, #tpu.memory_space<vmem>> -> memref<128x16xf32, #tpu.memory_space<vmem>>
        %dma_start3A_369 = arith.constant 0 : i32
        %dma_start3A_370 = tpu.memref_slice %arg7[%add3A_160, %dma_start3A_369] : memref<40x128xi32, #tpu.memory_space<vmem>> -> memref<1x128xi32, #tpu.memory_space<vmem>>
        %dma_start3A_371 = tpu.memref_squeeze %dma_start3A_370 : memref<1x128xi32, #tpu.memory_space<vmem>> -> memref<128xi32, #tpu.memory_space<vmem>>
        %dma_start3A_372 = arith.constant 0 : i32
        %dma_start3A_373 = arith.constant 0 : i32
        %dma_start3A_374 = tpu.memref_slice %arg10[%dma_start3A_372, %dma_start3A_373] : memref<10112x16xf32, #tpu.memory_space<vmem_shared>> -> memref<10112x16xf32, #tpu.memory_space<vmem_shared>>
        tpu.enqueue_indirect_dma source(%dma_start3A_368 : memref<128x16xf32, #tpu.memory_space<vmem>>) target(%dma_start3A_374 : memref<10112x16xf32, #tpu.memory_space<vmem_shared>>) offsets(%dma_start3A_371 : memref<128xi32, #tpu.memory_space<vmem>>) semaphore(%run_scoped3A_364 : memref<!tpu.dma_semaphore, #tpu.memory_space<semaphore_mem>>) {add = true}
        %dma_wait3A_375 = arith.constant 0 : i32
        %dma_wait3A_376 = arith.constant 0 : i32
        %dma_wait3A_377 = tpu.memref_slice %arg8[%run_scoped3A_172, %dma_wait3A_375, %dma_wait3A_376] : memref<10x128x16xf32, #tpu.memory_space<vmem>> -> memref<1x128x16xf32, #tpu.memory_space<vmem>>
        %dma_wait3A_378 = tpu.memref_squeeze %dma_wait3A_377 : memref<1x128x16xf32, #tpu.memory_space<vmem>> -> memref<128x16xf32, #tpu.memory_space<vmem>>
        %dma_wait3A_379 = arith.constant 0 : i32
        %dma_wait3A_380 = tpu.memref_slice %arg7[%add3A_160, %dma_wait3A_379] : memref<40x128xi32, #tpu.memory_space<vmem>> -> memref<1x128xi32, #tpu.memory_space<vmem>>
        %dma_wait3A_381 = tpu.memref_squeeze %dma_wait3A_380 : memref<1x128xi32, #tpu.memory_space<vmem>> -> memref<128xi32, #tpu.memory_space<vmem>>
        %dma_wait3A_382 = arith.constant 0 : i32
        %dma_wait3A_383 = arith.constant 0 : i32
        %dma_wait3A_384 = tpu.memref_slice %arg10[%dma_wait3A_382, %dma_wait3A_383] : memref<10112x16xf32, #tpu.memory_space<vmem_shared>> -> memref<10112x16xf32, #tpu.memory_space<vmem_shared>>
        tpu.wait_indirect_dma semaphore(%run_scoped3A_364 : memref<!tpu.dma_semaphore, #tpu.memory_space<semaphore_mem>>) src(%dma_wait3A_378 : memref<128x16xf32, #tpu.memory_space<vmem>>) dst(%dma_wait3A_384 : memref<10112x16xf32, #tpu.memory_space<vmem_shared>>)
        tpu.yield
      }) : () -> ()
      %add3A_173 = arith.constant 10 : i32
      %add3A_174 = arith.addi %add3A_160, %add3A_173 : i32
      %lt3A_175 = arith.constant 40 : i32
      %lt3A_176 = arith.cmpi slt, %add3A_174, %lt3A_175 : i32
      %convert_element_type3A_177 = arith.extui %lt3A_176 : i1 to i32
      %cond3A_178 = arith.constant 0 : i32
      %cond3A_179 = arith.cmpi ne, %convert_element_type3A_177, %cond3A_178 : i32
      scf.if %cond3A_179 {
        %dma_start3A_364 = arith.constant 1 : i32
        %dma_start3A_365 = arith.constant 0 : i32
        %dma_start3A_366 = arith.constant 0 : i32
        %dma_start3A_367 = tpu.memref_slice %arg8[%dma_start3A_364, %dma_start3A_365, %dma_start3A_366] : memref<10x128x16xf32, #tpu.memory_space<vmem>> -> memref<1x128x16xf32, #tpu.memory_space<vmem>>
        %dma_start3A_368 = tpu.memref_squeeze %dma_start3A_367 : memref<1x128x16xf32, #tpu.memory_space<vmem>> -> memref<128x16xf32, #tpu.memory_space<vmem>>
        %dma_start3A_369 = arith.constant 0 : i32
        %dma_start3A_370 = tpu.memref_slice %arg6[%add3A_174, %dma_start3A_369] : memref<40x128xi32, #tpu.memory_space<vmem>> -> memref<1x128xi32, #tpu.memory_space<vmem>>
        %dma_start3A_371 = tpu.memref_squeeze %dma_start3A_370 : memref<1x128xi32, #tpu.memory_space<vmem>> -> memref<128xi32, #tpu.memory_space<vmem>>
        %dma_start3A_372 = arith.constant 0 : i32
        %dma_start3A_373 = arith.constant 0 : i32
        %dma_start3A_374 = tpu.memref_slice %arg2[%dma_start3A_372, %dma_start3A_373] : memref<10000x16xf32, #tpu.memory_space<hbm>> -> memref<10000x16xf32, #tpu.memory_space<hbm>>
        tpu.enqueue_indirect_dma source(%dma_start3A_374 : memref<10000x16xf32, #tpu.memory_space<hbm>>) target(%dma_start3A_368 : memref<128x16xf32, #tpu.memory_space<vmem>>) offsets(%dma_start3A_371 : memref<128xi32, #tpu.memory_space<vmem>>) semaphore(%arg12 : memref<!tpu.dma_semaphore, #tpu.memory_space<semaphore_mem>>)
      } else {
      }
      %mul3A_180 = arith.constant 10 : i32
      %mul3A_181 = arith.muli %scan3A_138, %mul3A_180 : i32
      %add3A_182 = arith.constant 2 : i32
      %add3A_183 = arith.addi %mul3A_181, %add3A_182 : i32
      %dma_wait3A_184 = arith.constant 2 : i32
      %dma_wait3A_185 = arith.constant 0 : i32
      %dma_wait3A_186 = arith.constant 0 : i32
      %dma_wait3A_187 = tpu.memref_slice %arg8[%dma_wait3A_184, %dma_wait3A_185, %dma_wait3A_186] : memref<10x128x16xf32, #tpu.memory_space<vmem>> -> memref<1x128x16xf32, #tpu.memory_space<vmem>>
      %dma_wait3A_188 = tpu.memref_squeeze %dma_wait3A_187 : memref<1x128x16xf32, #tpu.memory_space<vmem>> -> memref<128x16xf32, #tpu.memory_space<vmem>>
      %dma_wait3A_189 = arith.constant 0 : i32
      %dma_wait3A_190 = tpu.memref_slice %arg6[%add3A_183, %dma_wait3A_189] : memref<40x128xi32, #tpu.memory_space<vmem>> -> memref<1x128xi32, #tpu.memory_space<vmem>>
      %dma_wait3A_191 = tpu.memref_squeeze %dma_wait3A_190 : memref<1x128xi32, #tpu.memory_space<vmem>> -> memref<128xi32, #tpu.memory_space<vmem>>
      %dma_wait3A_192 = arith.constant 0 : i32
      %dma_wait3A_193 = arith.constant 0 : i32
      %dma_wait3A_194 = tpu.memref_slice %arg2[%dma_wait3A_192, %dma_wait3A_193] : memref<10000x16xf32, #tpu.memory_space<hbm>> -> memref<10000x16xf32, #tpu.memory_space<hbm>>
      tpu.wait_indirect_dma semaphore(%arg13 : memref<!tpu.dma_semaphore, #tpu.memory_space<semaphore_mem>>) src(%dma_wait3A_194 : memref<10000x16xf32, #tpu.memory_space<hbm>>) dst(%dma_wait3A_188 : memref<128x16xf32, #tpu.memory_space<vmem>>)
      %run_scoped3A_195 = arith.constant 2 : i32
      "tpu.region"() ({
        %run_scoped3A_364 = tpu.sem_alloc : memref<!tpu.dma_semaphore, #tpu.memory_space<semaphore_mem>>
        %dma_start3A_365 = arith.constant 0 : i32
        %dma_start3A_366 = arith.constant 0 : i32
        %dma_start3A_367 = tpu.memref_slice %arg8[%run_scoped3A_195, %dma_start3A_365, %dma_start3A_366] : memref<10x128x16xf32, #tpu.memory_space<vmem>> -> memref<1x128x16xf32, #tpu.memory_space<vmem>>
        %dma_start3A_368 = tpu.memref_squeeze %dma_start3A_367 : memref<1x128x16xf32, #tpu.memory_space<vmem>> -> memref<128x16xf32, #tpu.memory_space<vmem>>
        %dma_start3A_369 = arith.constant 0 : i32
        %dma_start3A_370 = tpu.memref_slice %arg7[%add3A_183, %dma_start3A_369] : memref<40x128xi32, #tpu.memory_space<vmem>> -> memref<1x128xi32, #tpu.memory_space<vmem>>
        %dma_start3A_371 = tpu.memref_squeeze %dma_start3A_370 : memref<1x128xi32, #tpu.memory_space<vmem>> -> memref<128xi32, #tpu.memory_space<vmem>>
        %dma_start3A_372 = arith.constant 0 : i32
        %dma_start3A_373 = arith.constant 0 : i32
        %dma_start3A_374 = tpu.memref_slice %arg10[%dma_start3A_372, %dma_start3A_373] : memref<10112x16xf32, #tpu.memory_space<vmem_shared>> -> memref<10112x16xf32, #tpu.memory_space<vmem_shared>>
        tpu.enqueue_indirect_dma source(%dma_start3A_368 : memref<128x16xf32, #tpu.memory_space<vmem>>) target(%dma_start3A_374 : memref<10112x16xf32, #tpu.memory_space<vmem_shared>>) offsets(%dma_start3A_371 : memref<128xi32, #tpu.memory_space<vmem>>) semaphore(%run_scoped3A_364 : memref<!tpu.dma_semaphore, #tpu.memory_space<semaphore_mem>>) {add = true}
        %dma_wait3A_375 = arith.constant 0 : i32
        %dma_wait3A_376 = arith.constant 0 : i32
        %dma_wait3A_377 = tpu.memref_slice %arg8[%run_scoped3A_195, %dma_wait3A_375, %dma_wait3A_376] : memref<10x128x16xf32, #tpu.memory_space<vmem>> -> memref<1x128x16xf32, #tpu.memory_space<vmem>>
        %dma_wait3A_378 = tpu.memref_squeeze %dma_wait3A_377 : memref<1x128x16xf32, #tpu.memory_space<vmem>> -> memref<128x16xf32, #tpu.memory_space<vmem>>
        %dma_wait3A_379 = arith.constant 0 : i32
        %dma_wait3A_380 = tpu.memref_slice %arg7[%add3A_183, %dma_wait3A_379] : memref<40x128xi32, #tpu.memory_space<vmem>> -> memref<1x128xi32, #tpu.memory_space<vmem>>
        %dma_wait3A_381 = tpu.memref_squeeze %dma_wait3A_380 : memref<1x128xi32, #tpu.memory_space<vmem>> -> memref<128xi32, #tpu.memory_space<vmem>>
        %dma_wait3A_382 = arith.constant 0 : i32
        %dma_wait3A_383 = arith.constant 0 : i32
        %dma_wait3A_384 = tpu.memref_slice %arg10[%dma_wait3A_382, %dma_wait3A_383] : memref<10112x16xf32, #tpu.memory_space<vmem_shared>> -> memref<10112x16xf32, #tpu.memory_space<vmem_shared>>
        tpu.wait_indirect_dma semaphore(%run_scoped3A_364 : memref<!tpu.dma_semaphore, #tpu.memory_space<semaphore_mem>>) src(%dma_wait3A_378 : memref<128x16xf32, #tpu.memory_space<vmem>>) dst(%dma_wait3A_384 : memref<10112x16xf32, #tpu.memory_space<vmem_shared>>)
        tpu.yield
      }) : () -> ()
      %add3A_196 = arith.constant 10 : i32
      %add3A_197 = arith.addi %add3A_183, %add3A_196 : i32
      %lt3A_198 = arith.constant 40 : i32
      %lt3A_199 = arith.cmpi slt, %add3A_197, %lt3A_198 : i32
      %convert_element_type3A_200 = arith.extui %lt3A_199 : i1 to i32
      %cond3A_201 = arith.constant 0 : i32
      %cond3A_202 = arith.cmpi ne, %convert_element_type3A_200, %cond3A_201 : i32
      scf.if %cond3A_202 {
        %dma_start3A_364 = arith.constant 2 : i32
        %dma_start3A_365 = arith.constant 0 : i32
        %dma_start3A_366 = arith.constant 0 : i32
        %dma_start3A_367 = tpu.memref_slice %arg8[%dma_start3A_364, %dma_start3A_365, %dma_start3A_366] : memref<10x128x16xf32, #tpu.memory_space<vmem>> -> memref<1x128x16xf32, #tpu.memory_space<vmem>>
        %dma_start3A_368 = tpu.memref_squeeze %dma_start3A_367 : memref<1x128x16xf32, #tpu.memory_space<vmem>> -> memref<128x16xf32, #tpu.memory_space<vmem>>
        %dma_start3A_369 = arith.constant 0 : i32
        %dma_start3A_370 = tpu.memref_slice %arg6[%add3A_197, %dma_start3A_369] : memref<40x128xi32, #tpu.memory_space<vmem>> -> memref<1x128xi32, #tpu.memory_space<vmem>>
        %dma_start3A_371 = tpu.memref_squeeze %dma_start3A_370 : memref<1x128xi32, #tpu.memory_space<vmem>> -> memref<128xi32, #tpu.memory_space<vmem>>
        %dma_start3A_372 = arith.constant 0 : i32
        %dma_start3A_373 = arith.constant 0 : i32
        %dma_start3A_374 = tpu.memref_slice %arg2[%dma_start3A_372, %dma_start3A_373] : memref<10000x16xf32, #tpu.memory_space<hbm>> -> memref<10000x16xf32, #tpu.memory_space<hbm>>
        tpu.enqueue_indirect_dma source(%dma_start3A_374 : memref<10000x16xf32, #tpu.memory_space<hbm>>) target(%dma_start3A_368 : memref<128x16xf32, #tpu.memory_space<vmem>>) offsets(%dma_start3A_371 : memref<128xi32, #tpu.memory_space<vmem>>) semaphore(%arg13 : memref<!tpu.dma_semaphore, #tpu.memory_space<semaphore_mem>>)
      } else {
      }
      %mul3A_203 = arith.constant 10 : i32
      %mul3A_204 = arith.muli %scan3A_138, %mul3A_203 : i32
      %add3A_205 = arith.constant 3 : i32
      %add3A_206 = arith.addi %mul3A_204, %add3A_205 : i32
      %dma_wait3A_207 = arith.constant 3 : i32
      %dma_wait3A_208 = arith.constant 0 : i32
      %dma_wait3A_209 = arith.constant 0 : i32
      %dma_wait3A_210 = tpu.memref_slice %arg8[%dma_wait3A_207, %dma_wait3A_208, %dma_wait3A_209] : memref<10x128x16xf32, #tpu.memory_space<vmem>> -> memref<1x128x16xf32, #tpu.memory_space<vmem>>
      %dma_wait3A_211 = tpu.memref_squeeze %dma_wait3A_210 : memref<1x128x16xf32, #tpu.memory_space<vmem>> -> memref<128x16xf32, #tpu.memory_space<vmem>>
      %dma_wait3A_212 = arith.constant 0 : i32
      %dma_wait3A_213 = tpu.memref_slice %arg6[%add3A_206, %dma_wait3A_212] : memref<40x128xi32, #tpu.memory_space<vmem>> -> memref<1x128xi32, #tpu.memory_space<vmem>>
      %dma_wait3A_214 = tpu.memref_squeeze %dma_wait3A_213 : memref<1x128xi32, #tpu.memory_space<vmem>> -> memref<128xi32, #tpu.memory_space<vmem>>
      %dma_wait3A_215 = arith.constant 0 : i32
      %dma_wait3A_216 = arith.constant 0 : i32
      %dma_wait3A_217 = tpu.memref_slice %arg2[%dma_wait3A_215, %dma_wait3A_216] : memref<10000x16xf32, #tpu.memory_space<hbm>> -> memref<10000x16xf32, #tpu.memory_space<hbm>>
      tpu.wait_indirect_dma semaphore(%arg14 : memref<!tpu.dma_semaphore, #tpu.memory_space<semaphore_mem>>) src(%dma_wait3A_217 : memref<10000x16xf32, #tpu.memory_space<hbm>>) dst(%dma_wait3A_211 : memref<128x16xf32, #tpu.memory_space<vmem>>)
      %run_scoped3A_218 = arith.constant 3 : i32
      "tpu.region"() ({
        %run_scoped3A_364 = tpu.sem_alloc : memref<!tpu.dma_semaphore, #tpu.memory_space<semaphore_mem>>
        %dma_start3A_365 = arith.constant 0 : i32
        %dma_start3A_366 = arith.constant 0 : i32
        %dma_start3A_367 = tpu.memref_slice %arg8[%run_scoped3A_218, %dma_start3A_365, %dma_start3A_366] : memref<10x128x16xf32, #tpu.memory_space<vmem>> -> memref<1x128x16xf32, #tpu.memory_space<vmem>>
        %dma_start3A_368 = tpu.memref_squeeze %dma_start3A_367 : memref<1x128x16xf32, #tpu.memory_space<vmem>> -> memref<128x16xf32, #tpu.memory_space<vmem>>
        %dma_start3A_369 = arith.constant 0 : i32
        %dma_start3A_370 = tpu.memref_slice %arg7[%add3A_206, %dma_start3A_369] : memref<40x128xi32, #tpu.memory_space<vmem>> -> memref<1x128xi32, #tpu.memory_space<vmem>>
        %dma_start3A_371 = tpu.memref_squeeze %dma_start3A_370 : memref<1x128xi32, #tpu.memory_space<vmem>> -> memref<128xi32, #tpu.memory_space<vmem>>
        %dma_start3A_372 = arith.constant 0 : i32
        %dma_start3A_373 = arith.constant 0 : i32
        %dma_start3A_374 = tpu.memref_slice %arg10[%dma_start3A_372, %dma_start3A_373] : memref<10112x16xf32, #tpu.memory_space<vmem_shared>> -> memref<10112x16xf32, #tpu.memory_space<vmem_shared>>
        tpu.enqueue_indirect_dma source(%dma_start3A_368 : memref<128x16xf32, #tpu.memory_space<vmem>>) target(%dma_start3A_374 : memref<10112x16xf32, #tpu.memory_space<vmem_shared>>) offsets(%dma_start3A_371 : memref<128xi32, #tpu.memory_space<vmem>>) semaphore(%run_scoped3A_364 : memref<!tpu.dma_semaphore, #tpu.memory_space<semaphore_mem>>) {add = true}
        %dma_wait3A_375 = arith.constant 0 : i32
        %dma_wait3A_376 = arith.constant 0 : i32
        %dma_wait3A_377 = tpu.memref_slice %arg8[%run_scoped3A_218, %dma_wait3A_375, %dma_wait3A_376] : memref<10x128x16xf32, #tpu.memory_space<vmem>> -> memref<1x128x16xf32, #tpu.memory_space<vmem>>
        %dma_wait3A_378 = tpu.memref_squeeze %dma_wait3A_377 : memref<1x128x16xf32, #tpu.memory_space<vmem>> -> memref<128x16xf32, #tpu.memory_space<vmem>>
        %dma_wait3A_379 = arith.constant 0 : i32
        %dma_wait3A_380 = tpu.memref_slice %arg7[%add3A_206, %dma_wait3A_379] : memref<40x128xi32, #tpu.memory_space<vmem>> -> memref<1x128xi32, #tpu.memory_space<vmem>>
        %dma_wait3A_381 = tpu.memref_squeeze %dma_wait3A_380 : memref<1x128xi32, #tpu.memory_space<vmem>> -> memref<128xi32, #tpu.memory_space<vmem>>
        %dma_wait3A_382 = arith.constant 0 : i32
        %dma_wait3A_383 = arith.constant 0 : i32
        %dma_wait3A_384 = tpu.memref_slice %arg10[%dma_wait3A_382, %dma_wait3A_383] : memref<10112x16xf32, #tpu.memory_space<vmem_shared>> -> memref<10112x16xf32, #tpu.memory_space<vmem_shared>>
        tpu.wait_indirect_dma semaphore(%run_scoped3A_364 : memref<!tpu.dma_semaphore, #tpu.memory_space<semaphore_mem>>) src(%dma_wait3A_378 : memref<128x16xf32, #tpu.memory_space<vmem>>) dst(%dma_wait3A_384 : memref<10112x16xf32, #tpu.memory_space<vmem_shared>>)
        tpu.yield
      }) : () -> ()
      %add3A_219 = arith.constant 10 : i32
      %add3A_220 = arith.addi %add3A_206, %add3A_219 : i32
      %lt3A_221 = arith.constant 40 : i32
      %lt3A_222 = arith.cmpi slt, %add3A_220, %lt3A_221 : i32
      %convert_element_type3A_223 = arith.extui %lt3A_222 : i1 to i32
      %cond3A_224 = arith.constant 0 : i32
      %cond3A_225 = arith.cmpi ne, %convert_element_type3A_223, %cond3A_224 : i32
      scf.if %cond3A_225 {
        %dma_start3A_364 = arith.constant 3 : i32
        %dma_start3A_365 = arith.constant 0 : i32
        %dma_start3A_366 = arith.constant 0 : i32
        %dma_start3A_367 = tpu.memref_slice %arg8[%dma_start3A_364, %dma_start3A_365, %dma_start3A_366] : memref<10x128x16xf32, #tpu.memory_space<vmem>> -> memref<1x128x16xf32, #tpu.memory_space<vmem>>
        %dma_start3A_368 = tpu.memref_squeeze %dma_start3A_367 : memref<1x128x16xf32, #tpu.memory_space<vmem>> -> memref<128x16xf32, #tpu.memory_space<vmem>>
        %dma_start3A_369 = arith.constant 0 : i32
        %dma_start3A_370 = tpu.memref_slice %arg6[%add3A_220, %dma_start3A_369] : memref<40x128xi32, #tpu.memory_space<vmem>> -> memref<1x128xi32, #tpu.memory_space<vmem>>
        %dma_start3A_371 = tpu.memref_squeeze %dma_start3A_370 : memref<1x128xi32, #tpu.memory_space<vmem>> -> memref<128xi32, #tpu.memory_space<vmem>>
        %dma_start3A_372 = arith.constant 0 : i32
        %dma_start3A_373 = arith.constant 0 : i32
        %dma_start3A_374 = tpu.memref_slice %arg2[%dma_start3A_372, %dma_start3A_373] : memref<10000x16xf32, #tpu.memory_space<hbm>> -> memref<10000x16xf32, #tpu.memory_space<hbm>>
        tpu.enqueue_indirect_dma source(%dma_start3A_374 : memref<10000x16xf32, #tpu.memory_space<hbm>>) target(%dma_start3A_368 : memref<128x16xf32, #tpu.memory_space<vmem>>) offsets(%dma_start3A_371 : memref<128xi32, #tpu.memory_space<vmem>>) semaphore(%arg14 : memref<!tpu.dma_semaphore, #tpu.memory_space<semaphore_mem>>)
      } else {
      }
      %mul3A_226 = arith.constant 10 : i32
      %mul3A_227 = arith.muli %scan3A_138, %mul3A_226 : i32
      %add3A_228 = arith.constant 4 : i32
      %add3A_229 = arith.addi %mul3A_227, %add3A_228 : i32
      %dma_wait3A_230 = arith.constant 4 : i32
      %dma_wait3A_231 = arith.constant 0 : i32
      %dma_wait3A_232 = arith.constant 0 : i32
      %dma_wait3A_233 = tpu.memref_slice %arg8[%dma_wait3A_230, %dma_wait3A_231, %dma_wait3A_232] : memref<10x128x16xf32, #tpu.memory_space<vmem>> -> memref<1x128x16xf32, #tpu.memory_space<vmem>>
      %dma_wait3A_234 = tpu.memref_squeeze %dma_wait3A_233 : memref<1x128x16xf32, #tpu.memory_space<vmem>> -> memref<128x16xf32, #tpu.memory_space<vmem>>
      %dma_wait3A_235 = arith.constant 0 : i32
      %dma_wait3A_236 = tpu.memref_slice %arg6[%add3A_229, %dma_wait3A_235] : memref<40x128xi32, #tpu.memory_space<vmem>> -> memref<1x128xi32, #tpu.memory_space<vmem>>
      %dma_wait3A_237 = tpu.memref_squeeze %dma_wait3A_236 : memref<1x128xi32, #tpu.memory_space<vmem>> -> memref<128xi32, #tpu.memory_space<vmem>>
      %dma_wait3A_238 = arith.constant 0 : i32
      %dma_wait3A_239 = arith.constant 0 : i32
      %dma_wait3A_240 = tpu.memref_slice %arg2[%dma_wait3A_238, %dma_wait3A_239] : memref<10000x16xf32, #tpu.memory_space<hbm>> -> memref<10000x16xf32, #tpu.memory_space<hbm>>
      tpu.wait_indirect_dma semaphore(%arg15 : memref<!tpu.dma_semaphore, #tpu.memory_space<semaphore_mem>>) src(%dma_wait3A_240 : memref<10000x16xf32, #tpu.memory_space<hbm>>) dst(%dma_wait3A_234 : memref<128x16xf32, #tpu.memory_space<vmem>>)
      %run_scoped3A_241 = arith.constant 4 : i32
      "tpu.region"() ({
        %run_scoped3A_364 = tpu.sem_alloc : memref<!tpu.dma_semaphore, #tpu.memory_space<semaphore_mem>>
        %dma_start3A_365 = arith.constant 0 : i32
        %dma_start3A_366 = arith.constant 0 : i32
        %dma_start3A_367 = tpu.memref_slice %arg8[%run_scoped3A_241, %dma_start3A_365, %dma_start3A_366] : memref<10x128x16xf32, #tpu.memory_space<vmem>> -> memref<1x128x16xf32, #tpu.memory_space<vmem>>
        %dma_start3A_368 = tpu.memref_squeeze %dma_start3A_367 : memref<1x128x16xf32, #tpu.memory_space<vmem>> -> memref<128x16xf32, #tpu.memory_space<vmem>>
        %dma_start3A_369 = arith.constant 0 : i32
        %dma_start3A_370 = tpu.memref_slice %arg7[%add3A_229, %dma_start3A_369] : memref<40x128xi32, #tpu.memory_space<vmem>> -> memref<1x128xi32, #tpu.memory_space<vmem>>
        %dma_start3A_371 = tpu.memref_squeeze %dma_start3A_370 : memref<1x128xi32, #tpu.memory_space<vmem>> -> memref<128xi32, #tpu.memory_space<vmem>>
        %dma_start3A_372 = arith.constant 0 : i32
        %dma_start3A_373 = arith.constant 0 : i32
        %dma_start3A_374 = tpu.memref_slice %arg10[%dma_start3A_372, %dma_start3A_373] : memref<10112x16xf32, #tpu.memory_space<vmem_shared>> -> memref<10112x16xf32, #tpu.memory_space<vmem_shared>>
        tpu.enqueue_indirect_dma source(%dma_start3A_368 : memref<128x16xf32, #tpu.memory_space<vmem>>) target(%dma_start3A_374 : memref<10112x16xf32, #tpu.memory_space<vmem_shared>>) offsets(%dma_start3A_371 : memref<128xi32, #tpu.memory_space<vmem>>) semaphore(%run_scoped3A_364 : memref<!tpu.dma_semaphore, #tpu.memory_space<semaphore_mem>>) {add = true}
        %dma_wait3A_375 = arith.constant 0 : i32
        %dma_wait3A_376 = arith.constant 0 : i32
        %dma_wait3A_377 = tpu.memref_slice %arg8[%run_scoped3A_241, %dma_wait3A_375, %dma_wait3A_376] : memref<10x128x16xf32, #tpu.memory_space<vmem>> -> memref<1x128x16xf32, #tpu.memory_space<vmem>>
        %dma_wait3A_378 = tpu.memref_squeeze %dma_wait3A_377 : memref<1x128x16xf32, #tpu.memory_space<vmem>> -> memref<128x16xf32, #tpu.memory_space<vmem>>
        %dma_wait3A_379 = arith.constant 0 : i32
        %dma_wait3A_380 = tpu.memref_slice %arg7[%add3A_229, %dma_wait3A_379] : memref<40x128xi32, #tpu.memory_space<vmem>> -> memref<1x128xi32, #tpu.memory_space<vmem>>
        %dma_wait3A_381 = tpu.memref_squeeze %dma_wait3A_380 : memref<1x128xi32, #tpu.memory_space<vmem>> -> memref<128xi32, #tpu.memory_space<vmem>>
        %dma_wait3A_382 = arith.constant 0 : i32
        %dma_wait3A_383 = arith.constant 0 : i32
        %dma_wait3A_384 = tpu.memref_slice %arg10[%dma_wait3A_382, %dma_wait3A_383] : memref<10112x16xf32, #tpu.memory_space<vmem_shared>> -> memref<10112x16xf32, #tpu.memory_space<vmem_shared>>
        tpu.wait_indirect_dma semaphore(%run_scoped3A_364 : memref<!tpu.dma_semaphore, #tpu.memory_space<semaphore_mem>>) src(%dma_wait3A_378 : memref<128x16xf32, #tpu.memory_space<vmem>>) dst(%dma_wait3A_384 : memref<10112x16xf32, #tpu.memory_space<vmem_shared>>)
        tpu.yield
      }) : () -> ()
      %add3A_242 = arith.constant 10 : i32
      %add3A_243 = arith.addi %add3A_229, %add3A_242 : i32
      %lt3A_244 = arith.constant 40 : i32
      %lt3A_245 = arith.cmpi slt, %add3A_243, %lt3A_244 : i32
      %convert_element_type3A_246 = arith.extui %lt3A_245 : i1 to i32
      %cond3A_247 = arith.constant 0 : i32
      %cond3A_248 = arith.cmpi ne, %convert_element_type3A_246, %cond3A_247 : i32
      scf.if %cond3A_248 {
        %dma_start3A_364 = arith.constant 4 : i32
        %dma_start3A_365 = arith.constant 0 : i32
        %dma_start3A_366 = arith.constant 0 : i32
        %dma_start3A_367 = tpu.memref_slice %arg8[%dma_start3A_364, %dma_start3A_365, %dma_start3A_366] : memref<10x128x16xf32, #tpu.memory_space<vmem>> -> memref<1x128x16xf32, #tpu.memory_space<vmem>>
        %dma_start3A_368 = tpu.memref_squeeze %dma_start3A_367 : memref<1x128x16xf32, #tpu.memory_space<vmem>> -> memref<128x16xf32, #tpu.memory_space<vmem>>
        %dma_start3A_369 = arith.constant 0 : i32
        %dma_start3A_370 = tpu.memref_slice %arg6[%add3A_243, %dma_start3A_369] : memref<40x128xi32, #tpu.memory_space<vmem>> -> memref<1x128xi32, #tpu.memory_space<vmem>>
        %dma_start3A_371 = tpu.memref_squeeze %dma_start3A_370 : memref<1x128xi32, #tpu.memory_space<vmem>> -> memref<128xi32, #tpu.memory_space<vmem>>
        %dma_start3A_372 = arith.constant 0 : i32
        %dma_start3A_373 = arith.constant 0 : i32
        %dma_start3A_374 = tpu.memref_slice %arg2[%dma_start3A_372, %dma_start3A_373] : memref<10000x16xf32, #tpu.memory_space<hbm>> -> memref<10000x16xf32, #tpu.memory_space<hbm>>
        tpu.enqueue_indirect_dma source(%dma_start3A_374 : memref<10000x16xf32, #tpu.memory_space<hbm>>) target(%dma_start3A_368 : memref<128x16xf32, #tpu.memory_space<vmem>>) offsets(%dma_start3A_371 : memref<128xi32, #tpu.memory_space<vmem>>) semaphore(%arg15 : memref<!tpu.dma_semaphore, #tpu.memory_space<semaphore_mem>>)
      } else {
      }
      %mul3A_249 = arith.constant 10 : i32
      %mul3A_250 = arith.muli %scan3A_138, %mul3A_249 : i32
      %add3A_251 = arith.constant 5 : i32
      %add3A_252 = arith.addi %mul3A_250, %add3A_251 : i32
      %dma_wait3A_253 = arith.constant 5 : i32
      %dma_wait3A_254 = arith.constant 0 : i32
      %dma_wait3A_255 = arith.constant 0 : i32
      %dma_wait3A_256 = tpu.memref_slice %arg8[%dma_wait3A_253, %dma_wait3A_254, %dma_wait3A_255] : memref<10x128x16xf32, #tpu.memory_space<vmem>> -> memref<1x128x16xf32, #tpu.memory_space<vmem>>
      %dma_wait3A_257 = tpu.memref_squeeze %dma_wait3A_256 : memref<1x128x16xf32, #tpu.memory_space<vmem>> -> memref<128x16xf32, #tpu.memory_space<vmem>>
      %dma_wait3A_258 = arith.constant 0 : i32
      %dma_wait3A_259 = tpu.memref_slice %arg6[%add3A_252, %dma_wait3A_258] : memref<40x128xi32, #tpu.memory_space<vmem>> -> memref<1x128xi32, #tpu.memory_space<vmem>>
      %dma_wait3A_260 = tpu.memref_squeeze %dma_wait3A_259 : memref<1x128xi32, #tpu.memory_space<vmem>> -> memref<128xi32, #tpu.memory_space<vmem>>
      %dma_wait3A_261 = arith.constant 0 : i32
      %dma_wait3A_262 = arith.constant 0 : i32
      %dma_wait3A_263 = tpu.memref_slice %arg2[%dma_wait3A_261, %dma_wait3A_262] : memref<10000x16xf32, #tpu.memory_space<hbm>> -> memref<10000x16xf32, #tpu.memory_space<hbm>>
      tpu.wait_indirect_dma semaphore(%arg16 : memref<!tpu.dma_semaphore, #tpu.memory_space<semaphore_mem>>) src(%dma_wait3A_263 : memref<10000x16xf32, #tpu.memory_space<hbm>>) dst(%dma_wait3A_257 : memref<128x16xf32, #tpu.memory_space<vmem>>)
      %run_scoped3A_264 = arith.constant 5 : i32
      "tpu.region"() ({
        %run_scoped3A_364 = tpu.sem_alloc : memref<!tpu.dma_semaphore, #tpu.memory_space<semaphore_mem>>
        %dma_start3A_365 = arith.constant 0 : i32
        %dma_start3A_366 = arith.constant 0 : i32
        %dma_start3A_367 = tpu.memref_slice %arg8[%run_scoped3A_264, %dma_start3A_365, %dma_start3A_366] : memref<10x128x16xf32, #tpu.memory_space<vmem>> -> memref<1x128x16xf32, #tpu.memory_space<vmem>>
        %dma_start3A_368 = tpu.memref_squeeze %dma_start3A_367 : memref<1x128x16xf32, #tpu.memory_space<vmem>> -> memref<128x16xf32, #tpu.memory_space<vmem>>
        %dma_start3A_369 = arith.constant 0 : i32
        %dma_start3A_370 = tpu.memref_slice %arg7[%add3A_252, %dma_start3A_369] : memref<40x128xi32, #tpu.memory_space<vmem>> -> memref<1x128xi32, #tpu.memory_space<vmem>>
        %dma_start3A_371 = tpu.memref_squeeze %dma_start3A_370 : memref<1x128xi32, #tpu.memory_space<vmem>> -> memref<128xi32, #tpu.memory_space<vmem>>
        %dma_start3A_372 = arith.constant 0 : i32
        %dma_start3A_373 = arith.constant 0 : i32
        %dma_start3A_374 = tpu.memref_slice %arg10[%dma_start3A_372, %dma_start3A_373] : memref<10112x16xf32, #tpu.memory_space<vmem_shared>> -> memref<10112x16xf32, #tpu.memory_space<vmem_shared>>
        tpu.enqueue_indirect_dma source(%dma_start3A_368 : memref<128x16xf32, #tpu.memory_space<vmem>>) target(%dma_start3A_374 : memref<10112x16xf32, #tpu.memory_space<vmem_shared>>) offsets(%dma_start3A_371 : memref<128xi32, #tpu.memory_space<vmem>>) semaphore(%run_scoped3A_364 : memref<!tpu.dma_semaphore, #tpu.memory_space<semaphore_mem>>) {add = true}
        %dma_wait3A_375 = arith.constant 0 : i32
        %dma_wait3A_376 = arith.constant 0 : i32
        %dma_wait3A_377 = tpu.memref_slice %arg8[%run_scoped3A_264, %dma_wait3A_375, %dma_wait3A_376] : memref<10x128x16xf32, #tpu.memory_space<vmem>> -> memref<1x128x16xf32, #tpu.memory_space<vmem>>
        %dma_wait3A_378 = tpu.memref_squeeze %dma_wait3A_377 : memref<1x128x16xf32, #tpu.memory_space<vmem>> -> memref<128x16xf32, #tpu.memory_space<vmem>>
        %dma_wait3A_379 = arith.constant 0 : i32
        %dma_wait3A_380 = tpu.memref_slice %arg7[%add3A_252, %dma_wait3A_379] : memref<40x128xi32, #tpu.memory_space<vmem>> -> memref<1x128xi32, #tpu.memory_space<vmem>>
        %dma_wait3A_381 = tpu.memref_squeeze %dma_wait3A_380 : memref<1x128xi32, #tpu.memory_space<vmem>> -> memref<128xi32, #tpu.memory_space<vmem>>
        %dma_wait3A_382 = arith.constant 0 : i32
        %dma_wait3A_383 = arith.constant 0 : i32
        %dma_wait3A_384 = tpu.memref_slice %arg10[%dma_wait3A_382, %dma_wait3A_383] : memref<10112x16xf32, #tpu.memory_space<vmem_shared>> -> memref<10112x16xf32, #tpu.memory_space<vmem_shared>>
        tpu.wait_indirect_dma semaphore(%run_scoped3A_364 : memref<!tpu.dma_semaphore, #tpu.memory_space<semaphore_mem>>) src(%dma_wait3A_378 : memref<128x16xf32, #tpu.memory_space<vmem>>) dst(%dma_wait3A_384 : memref<10112x16xf32, #tpu.memory_space<vmem_shared>>)
        tpu.yield
      }) : () -> ()
      %add3A_265 = arith.constant 10 : i32
      %add3A_266 = arith.addi %add3A_252, %add3A_265 : i32
      %lt3A_267 = arith.constant 40 : i32
      %lt3A_268 = arith.cmpi slt, %add3A_266, %lt3A_267 : i32
      %convert_element_type3A_269 = arith.extui %lt3A_268 : i1 to i32
      %cond3A_270 = arith.constant 0 : i32
      %cond3A_271 = arith.cmpi ne, %convert_element_type3A_269, %cond3A_270 : i32
      scf.if %cond3A_271 {
        %dma_start3A_364 = arith.constant 5 : i32
        %dma_start3A_365 = arith.constant 0 : i32
        %dma_start3A_366 = arith.constant 0 : i32
        %dma_start3A_367 = tpu.memref_slice %arg8[%dma_start3A_364, %dma_start3A_365, %dma_start3A_366] : memref<10x128x16xf32, #tpu.memory_space<vmem>> -> memref<1x128x16xf32, #tpu.memory_space<vmem>>
        %dma_start3A_368 = tpu.memref_squeeze %dma_start3A_367 : memref<1x128x16xf32, #tpu.memory_space<vmem>> -> memref<128x16xf32, #tpu.memory_space<vmem>>
        %dma_start3A_369 = arith.constant 0 : i32
        %dma_start3A_370 = tpu.memref_slice %arg6[%add3A_266, %dma_start3A_369] : memref<40x128xi32, #tpu.memory_space<vmem>> -> memref<1x128xi32, #tpu.memory_space<vmem>>
        %dma_start3A_371 = tpu.memref_squeeze %dma_start3A_370 : memref<1x128xi32, #tpu.memory_space<vmem>> -> memref<128xi32, #tpu.memory_space<vmem>>
        %dma_start3A_372 = arith.constant 0 : i32
        %dma_start3A_373 = arith.constant 0 : i32
        %dma_start3A_374 = tpu.memref_slice %arg2[%dma_start3A_372, %dma_start3A_373] : memref<10000x16xf32, #tpu.memory_space<hbm>> -> memref<10000x16xf32, #tpu.memory_space<hbm>>
        tpu.enqueue_indirect_dma source(%dma_start3A_374 : memref<10000x16xf32, #tpu.memory_space<hbm>>) target(%dma_start3A_368 : memref<128x16xf32, #tpu.memory_space<vmem>>) offsets(%dma_start3A_371 : memref<128xi32, #tpu.memory_space<vmem>>) semaphore(%arg16 : memref<!tpu.dma_semaphore, #tpu.memory_space<semaphore_mem>>)
      } else {
      }
      %mul3A_272 = arith.constant 10 : i32
      %mul3A_273 = arith.muli %scan3A_138, %mul3A_272 : i32
      %add3A_274 = arith.constant 6 : i32
      %add3A_275 = arith.addi %mul3A_273, %add3A_274 : i32
      %dma_wait3A_276 = arith.constant 6 : i32
      %dma_wait3A_277 = arith.constant 0 : i32
      %dma_wait3A_278 = arith.constant 0 : i32
      %dma_wait3A_279 = tpu.memref_slice %arg8[%dma_wait3A_276, %dma_wait3A_277, %dma_wait3A_278] : memref<10x128x16xf32, #tpu.memory_space<vmem>> -> memref<1x128x16xf32, #tpu.memory_space<vmem>>
      %dma_wait3A_280 = tpu.memref_squeeze %dma_wait3A_279 : memref<1x128x16xf32, #tpu.memory_space<vmem>> -> memref<128x16xf32, #tpu.memory_space<vmem>>
      %dma_wait3A_281 = arith.constant 0 : i32
      %dma_wait3A_282 = tpu.memref_slice %arg6[%add3A_275, %dma_wait3A_281] : memref<40x128xi32, #tpu.memory_space<vmem>> -> memref<1x128xi32, #tpu.memory_space<vmem>>
      %dma_wait3A_283 = tpu.memref_squeeze %dma_wait3A_282 : memref<1x128xi32, #tpu.memory_space<vmem>> -> memref<128xi32, #tpu.memory_space<vmem>>
      %dma_wait3A_284 = arith.constant 0 : i32
      %dma_wait3A_285 = arith.constant 0 : i32
      %dma_wait3A_286 = tpu.memref_slice %arg2[%dma_wait3A_284, %dma_wait3A_285] : memref<10000x16xf32, #tpu.memory_space<hbm>> -> memref<10000x16xf32, #tpu.memory_space<hbm>>
      tpu.wait_indirect_dma semaphore(%arg17 : memref<!tpu.dma_semaphore, #tpu.memory_space<semaphore_mem>>) src(%dma_wait3A_286 : memref<10000x16xf32, #tpu.memory_space<hbm>>) dst(%dma_wait3A_280 : memref<128x16xf32, #tpu.memory_space<vmem>>)
      %run_scoped3A_287 = arith.constant 6 : i32
      "tpu.region"() ({
        %run_scoped3A_364 = tpu.sem_alloc : memref<!tpu.dma_semaphore, #tpu.memory_space<semaphore_mem>>
        %dma_start3A_365 = arith.constant 0 : i32
        %dma_start3A_366 = arith.constant 0 : i32
        %dma_start3A_367 = tpu.memref_slice %arg8[%run_scoped3A_287, %dma_start3A_365, %dma_start3A_366] : memref<10x128x16xf32, #tpu.memory_space<vmem>> -> memref<1x128x16xf32, #tpu.memory_space<vmem>>
        %dma_start3A_368 = tpu.memref_squeeze %dma_start3A_367 : memref<1x128x16xf32, #tpu.memory_space<vmem>> -> memref<128x16xf32, #tpu.memory_space<vmem>>
        %dma_start3A_369 = arith.constant 0 : i32
        %dma_start3A_370 = tpu.memref_slice %arg7[%add3A_275, %dma_start3A_369] : memref<40x128xi32, #tpu.memory_space<vmem>> -> memref<1x128xi32, #tpu.memory_space<vmem>>
        %dma_start3A_371 = tpu.memref_squeeze %dma_start3A_370 : memref<1x128xi32, #tpu.memory_space<vmem>> -> memref<128xi32, #tpu.memory_space<vmem>>
        %dma_start3A_372 = arith.constant 0 : i32
        %dma_start3A_373 = arith.constant 0 : i32
        %dma_start3A_374 = tpu.memref_slice %arg10[%dma_start3A_372, %dma_start3A_373] : memref<10112x16xf32, #tpu.memory_space<vmem_shared>> -> memref<10112x16xf32, #tpu.memory_space<vmem_shared>>
        tpu.enqueue_indirect_dma source(%dma_start3A_368 : memref<128x16xf32, #tpu.memory_space<vmem>>) target(%dma_start3A_374 : memref<10112x16xf32, #tpu.memory_space<vmem_shared>>) offsets(%dma_start3A_371 : memref<128xi32, #tpu.memory_space<vmem>>) semaphore(%run_scoped3A_364 : memref<!tpu.dma_semaphore, #tpu.memory_space<semaphore_mem>>) {add = true}
        %dma_wait3A_375 = arith.constant 0 : i32
        %dma_wait3A_376 = arith.constant 0 : i32
        %dma_wait3A_377 = tpu.memref_slice %arg8[%run_scoped3A_287, %dma_wait3A_375, %dma_wait3A_376] : memref<10x128x16xf32, #tpu.memory_space<vmem>> -> memref<1x128x16xf32, #tpu.memory_space<vmem>>
        %dma_wait3A_378 = tpu.memref_squeeze %dma_wait3A_377 : memref<1x128x16xf32, #tpu.memory_space<vmem>> -> memref<128x16xf32, #tpu.memory_space<vmem>>
        %dma_wait3A_379 = arith.constant 0 : i32
        %dma_wait3A_380 = tpu.memref_slice %arg7[%add3A_275, %dma_wait3A_379] : memref<40x128xi32, #tpu.memory_space<vmem>> -> memref<1x128xi32, #tpu.memory_space<vmem>>
        %dma_wait3A_381 = tpu.memref_squeeze %dma_wait3A_380 : memref<1x128xi32, #tpu.memory_space<vmem>> -> memref<128xi32, #tpu.memory_space<vmem>>
        %dma_wait3A_382 = arith.constant 0 : i32
        %dma_wait3A_383 = arith.constant 0 : i32
        %dma_wait3A_384 = tpu.memref_slice %arg10[%dma_wait3A_382, %dma_wait3A_383] : memref<10112x16xf32, #tpu.memory_space<vmem_shared>> -> memref<10112x16xf32, #tpu.memory_space<vmem_shared>>
        tpu.wait_indirect_dma semaphore(%run_scoped3A_364 : memref<!tpu.dma_semaphore, #tpu.memory_space<semaphore_mem>>) src(%dma_wait3A_378 : memref<128x16xf32, #tpu.memory_space<vmem>>) dst(%dma_wait3A_384 : memref<10112x16xf32, #tpu.memory_space<vmem_shared>>)
        tpu.yield
      }) : () -> ()
      %add3A_288 = arith.constant 10 : i32
      %add3A_289 = arith.addi %add3A_275, %add3A_288 : i32
      %lt3A_290 = arith.constant 40 : i32
      %lt3A_291 = arith.cmpi slt, %add3A_289, %lt3A_290 : i32
      %convert_element_type3A_292 = arith.extui %lt3A_291 : i1 to i32
      %cond3A_293 = arith.constant 0 : i32
      %cond3A_294 = arith.cmpi ne, %convert_element_type3A_292, %cond3A_293 : i32
      scf.if %cond3A_294 {
        %dma_start3A_364 = arith.constant 6 : i32
        %dma_start3A_365 = arith.constant 0 : i32
        %dma_start3A_366 = arith.constant 0 : i32
        %dma_start3A_367 = tpu.memref_slice %arg8[%dma_start3A_364, %dma_start3A_365, %dma_start3A_366] : memref<10x128x16xf32, #tpu.memory_space<vmem>> -> memref<1x128x16xf32, #tpu.memory_space<vmem>>
        %dma_start3A_368 = tpu.memref_squeeze %dma_start3A_367 : memref<1x128x16xf32, #tpu.memory_space<vmem>> -> memref<128x16xf32, #tpu.memory_space<vmem>>
        %dma_start3A_369 = arith.constant 0 : i32
        %dma_start3A_370 = tpu.memref_slice %arg6[%add3A_289, %dma_start3A_369] : memref<40x128xi32, #tpu.memory_space<vmem>> -> memref<1x128xi32, #tpu.memory_space<vmem>>
        %dma_start3A_371 = tpu.memref_squeeze %dma_start3A_370 : memref<1x128xi32, #tpu.memory_space<vmem>> -> memref<128xi32, #tpu.memory_space<vmem>>
        %dma_start3A_372 = arith.constant 0 : i32
        %dma_start3A_373 = arith.constant 0 : i32
        %dma_start3A_374 = tpu.memref_slice %arg2[%dma_start3A_372, %dma_start3A_373] : memref<10000x16xf32, #tpu.memory_space<hbm>> -> memref<10000x16xf32, #tpu.memory_space<hbm>>
        tpu.enqueue_indirect_dma source(%dma_start3A_374 : memref<10000x16xf32, #tpu.memory_space<hbm>>) target(%dma_start3A_368 : memref<128x16xf32, #tpu.memory_space<vmem>>) offsets(%dma_start3A_371 : memref<128xi32, #tpu.memory_space<vmem>>) semaphore(%arg17 : memref<!tpu.dma_semaphore, #tpu.memory_space<semaphore_mem>>)
      } else {
      }
      %mul3A_295 = arith.constant 10 : i32
      %mul3A_296 = arith.muli %scan3A_138, %mul3A_295 : i32
      %add3A_297 = arith.constant 7 : i32
      %add3A_298 = arith.addi %mul3A_296, %add3A_297 : i32
      %dma_wait3A_299 = arith.constant 7 : i32
      %dma_wait3A_300 = arith.constant 0 : i32
      %dma_wait3A_301 = arith.constant 0 : i32
      %dma_wait3A_302 = tpu.memref_slice %arg8[%dma_wait3A_299, %dma_wait3A_300, %dma_wait3A_301] : memref<10x128x16xf32, #tpu.memory_space<vmem>> -> memref<1x128x16xf32, #tpu.memory_space<vmem>>
      %dma_wait3A_303 = tpu.memref_squeeze %dma_wait3A_302 : memref<1x128x16xf32, #tpu.memory_space<vmem>> -> memref<128x16xf32, #tpu.memory_space<vmem>>
      %dma_wait3A_304 = arith.constant 0 : i32
      %dma_wait3A_305 = tpu.memref_slice %arg6[%add3A_298, %dma_wait3A_304] : memref<40x128xi32, #tpu.memory_space<vmem>> -> memref<1x128xi32, #tpu.memory_space<vmem>>
      %dma_wait3A_306 = tpu.memref_squeeze %dma_wait3A_305 : memref<1x128xi32, #tpu.memory_space<vmem>> -> memref<128xi32, #tpu.memory_space<vmem>>
      %dma_wait3A_307 = arith.constant 0 : i32
      %dma_wait3A_308 = arith.constant 0 : i32
      %dma_wait3A_309 = tpu.memref_slice %arg2[%dma_wait3A_307, %dma_wait3A_308] : memref<10000x16xf32, #tpu.memory_space<hbm>> -> memref<10000x16xf32, #tpu.memory_space<hbm>>
      tpu.wait_indirect_dma semaphore(%arg18 : memref<!tpu.dma_semaphore, #tpu.memory_space<semaphore_mem>>) src(%dma_wait3A_309 : memref<10000x16xf32, #tpu.memory_space<hbm>>) dst(%dma_wait3A_303 : memref<128x16xf32, #tpu.memory_space<vmem>>)
      %run_scoped3A_310 = arith.constant 7 : i32
      "tpu.region"() ({
        %run_scoped3A_364 = tpu.sem_alloc : memref<!tpu.dma_semaphore, #tpu.memory_space<semaphore_mem>>
        %dma_start3A_365 = arith.constant 0 : i32
        %dma_start3A_366 = arith.constant 0 : i32
        %dma_start3A_367 = tpu.memref_slice %arg8[%run_scoped3A_310, %dma_start3A_365, %dma_start3A_366] : memref<10x128x16xf32, #tpu.memory_space<vmem>> -> memref<1x128x16xf32, #tpu.memory_space<vmem>>
        %dma_start3A_368 = tpu.memref_squeeze %dma_start3A_367 : memref<1x128x16xf32, #tpu.memory_space<vmem>> -> memref<128x16xf32, #tpu.memory_space<vmem>>
        %dma_start3A_369 = arith.constant 0 : i32
        %dma_start3A_370 = tpu.memref_slice %arg7[%add3A_298, %dma_start3A_369] : memref<40x128xi32, #tpu.memory_space<vmem>> -> memref<1x128xi32, #tpu.memory_space<vmem>>
        %dma_start3A_371 = tpu.memref_squeeze %dma_start3A_370 : memref<1x128xi32, #tpu.memory_space<vmem>> -> memref<128xi32, #tpu.memory_space<vmem>>
        %dma_start3A_372 = arith.constant 0 : i32
        %dma_start3A_373 = arith.constant 0 : i32
        %dma_start3A_374 = tpu.memref_slice %arg10[%dma_start3A_372, %dma_start3A_373] : memref<10112x16xf32, #tpu.memory_space<vmem_shared>> -> memref<10112x16xf32, #tpu.memory_space<vmem_shared>>
        tpu.enqueue_indirect_dma source(%dma_start3A_368 : memref<128x16xf32, #tpu.memory_space<vmem>>) target(%dma_start3A_374 : memref<10112x16xf32, #tpu.memory_space<vmem_shared>>) offsets(%dma_start3A_371 : memref<128xi32, #tpu.memory_space<vmem>>) semaphore(%run_scoped3A_364 : memref<!tpu.dma_semaphore, #tpu.memory_space<semaphore_mem>>) {add = true}
        %dma_wait3A_375 = arith.constant 0 : i32
        %dma_wait3A_376 = arith.constant 0 : i32
        %dma_wait3A_377 = tpu.memref_slice %arg8[%run_scoped3A_310, %dma_wait3A_375, %dma_wait3A_376] : memref<10x128x16xf32, #tpu.memory_space<vmem>> -> memref<1x128x16xf32, #tpu.memory_space<vmem>>
        %dma_wait3A_378 = tpu.memref_squeeze %dma_wait3A_377 : memref<1x128x16xf32, #tpu.memory_space<vmem>> -> memref<128x16xf32, #tpu.memory_space<vmem>>
        %dma_wait3A_379 = arith.constant 0 : i32
        %dma_wait3A_380 = tpu.memref_slice %arg7[%add3A_298, %dma_wait3A_379] : memref<40x128xi32, #tpu.memory_space<vmem>> -> memref<1x128xi32, #tpu.memory_space<vmem>>
        %dma_wait3A_381 = tpu.memref_squeeze %dma_wait3A_380 : memref<1x128xi32, #tpu.memory_space<vmem>> -> memref<128xi32, #tpu.memory_space<vmem>>
        %dma_wait3A_382 = arith.constant 0 : i32
        %dma_wait3A_383 = arith.constant 0 : i32
        %dma_wait3A_384 = tpu.memref_slice %arg10[%dma_wait3A_382, %dma_wait3A_383] : memref<10112x16xf32, #tpu.memory_space<vmem_shared>> -> memref<10112x16xf32, #tpu.memory_space<vmem_shared>>
        tpu.wait_indirect_dma semaphore(%run_scoped3A_364 : memref<!tpu.dma_semaphore, #tpu.memory_space<semaphore_mem>>) src(%dma_wait3A_378 : memref<128x16xf32, #tpu.memory_space<vmem>>) dst(%dma_wait3A_384 : memref<10112x16xf32, #tpu.memory_space<vmem_shared>>)
        tpu.yield
      }) : () -> ()
      %add3A_311 = arith.constant 10 : i32
      %add3A_312 = arith.addi %add3A_298, %add3A_311 : i32
      %lt3A_313 = arith.constant 40 : i32
      %lt3A_314 = arith.cmpi slt, %add3A_312, %lt3A_313 : i32
      %convert_element_type3A_315 = arith.extui %lt3A_314 : i1 to i32
      %cond3A_316 = arith.constant 0 : i32
      %cond3A_317 = arith.cmpi ne, %convert_element_type3A_315, %cond3A_316 : i32
      scf.if %cond3A_317 {
        %dma_start3A_364 = arith.constant 7 : i32
        %dma_start3A_365 = arith.constant 0 : i32
        %dma_start3A_366 = arith.constant 0 : i32
        %dma_start3A_367 = tpu.memref_slice %arg8[%dma_start3A_364, %dma_start3A_365, %dma_start3A_366] : memref<10x128x16xf32, #tpu.memory_space<vmem>> -> memref<1x128x16xf32, #tpu.memory_space<vmem>>
        %dma_start3A_368 = tpu.memref_squeeze %dma_start3A_367 : memref<1x128x16xf32, #tpu.memory_space<vmem>> -> memref<128x16xf32, #tpu.memory_space<vmem>>
        %dma_start3A_369 = arith.constant 0 : i32
        %dma_start3A_370 = tpu.memref_slice %arg6[%add3A_312, %dma_start3A_369] : memref<40x128xi32, #tpu.memory_space<vmem>> -> memref<1x128xi32, #tpu.memory_space<vmem>>
        %dma_start3A_371 = tpu.memref_squeeze %dma_start3A_370 : memref<1x128xi32, #tpu.memory_space<vmem>> -> memref<128xi32, #tpu.memory_space<vmem>>
        %dma_start3A_372 = arith.constant 0 : i32
        %dma_start3A_373 = arith.constant 0 : i32
        %dma_start3A_374 = tpu.memref_slice %arg2[%dma_start3A_372, %dma_start3A_373] : memref<10000x16xf32, #tpu.memory_space<hbm>> -> memref<10000x16xf32, #tpu.memory_space<hbm>>
        tpu.enqueue_indirect_dma source(%dma_start3A_374 : memref<10000x16xf32, #tpu.memory_space<hbm>>) target(%dma_start3A_368 : memref<128x16xf32, #tpu.memory_space<vmem>>) offsets(%dma_start3A_371 : memref<128xi32, #tpu.memory_space<vmem>>) semaphore(%arg18 : memref<!tpu.dma_semaphore, #tpu.memory_space<semaphore_mem>>)
      } else {
      }
      %mul3A_318 = arith.constant 10 : i32
      %mul3A_319 = arith.muli %scan3A_138, %mul3A_318 : i32
      %add3A_320 = arith.constant 8 : i32
      %add3A_321 = arith.addi %mul3A_319, %add3A_320 : i32
      %dma_wait3A_322 = arith.constant 8 : i32
      %dma_wait3A_323 = arith.constant 0 : i32
      %dma_wait3A_324 = arith.constant 0 : i32
      %dma_wait3A_325 = tpu.memref_slice %arg8[%dma_wait3A_322, %dma_wait3A_323, %dma_wait3A_324] : memref<10x128x16xf32, #tpu.memory_space<vmem>> -> memref<1x128x16xf32, #tpu.memory_space<vmem>>
      %dma_wait3A_326 = tpu.memref_squeeze %dma_wait3A_325 : memref<1x128x16xf32, #tpu.memory_space<vmem>> -> memref<128x16xf32, #tpu.memory_space<vmem>>
      %dma_wait3A_327 = arith.constant 0 : i32
      %dma_wait3A_328 = tpu.memref_slice %arg6[%add3A_321, %dma_wait3A_327] : memref<40x128xi32, #tpu.memory_space<vmem>> -> memref<1x128xi32, #tpu.memory_space<vmem>>
      %dma_wait3A_329 = tpu.memref_squeeze %dma_wait3A_328 : memref<1x128xi32, #tpu.memory_space<vmem>> -> memref<128xi32, #tpu.memory_space<vmem>>
      %dma_wait3A_330 = arith.constant 0 : i32
      %dma_wait3A_331 = arith.constant 0 : i32
      %dma_wait3A_332 = tpu.memref_slice %arg2[%dma_wait3A_330, %dma_wait3A_331] : memref<10000x16xf32, #tpu.memory_space<hbm>> -> memref<10000x16xf32, #tpu.memory_space<hbm>>
      tpu.wait_indirect_dma semaphore(%arg19 : memref<!tpu.dma_semaphore, #tpu.memory_space<semaphore_mem>>) src(%dma_wait3A_332 : memref<10000x16xf32, #tpu.memory_space<hbm>>) dst(%dma_wait3A_326 : memref<128x16xf32, #tpu.memory_space<vmem>>)
      %run_scoped3A_333 = arith.constant 8 : i32
      "tpu.region"() ({
        %run_scoped3A_364 = tpu.sem_alloc : memref<!tpu.dma_semaphore, #tpu.memory_space<semaphore_mem>>
        %dma_start3A_365 = arith.constant 0 : i32
        %dma_start3A_366 = arith.constant 0 : i32
        %dma_start3A_367 = tpu.memref_slice %arg8[%run_scoped3A_333, %dma_start3A_365, %dma_start3A_366] : memref<10x128x16xf32, #tpu.memory_space<vmem>> -> memref<1x128x16xf32, #tpu.memory_space<vmem>>
        %dma_start3A_368 = tpu.memref_squeeze %dma_start3A_367 : memref<1x128x16xf32, #tpu.memory_space<vmem>> -> memref<128x16xf32, #tpu.memory_space<vmem>>
        %dma_start3A_369 = arith.constant 0 : i32
        %dma_start3A_370 = tpu.memref_slice %arg7[%add3A_321, %dma_start3A_369] : memref<40x128xi32, #tpu.memory_space<vmem>> -> memref<1x128xi32, #tpu.memory_space<vmem>>
        %dma_start3A_371 = tpu.memref_squeeze %dma_start3A_370 : memref<1x128xi32, #tpu.memory_space<vmem>> -> memref<128xi32, #tpu.memory_space<vmem>>
        %dma_start3A_372 = arith.constant 0 : i32
        %dma_start3A_373 = arith.constant 0 : i32
        %dma_start3A_374 = tpu.memref_slice %arg10[%dma_start3A_372, %dma_start3A_373] : memref<10112x16xf32, #tpu.memory_space<vmem_shared>> -> memref<10112x16xf32, #tpu.memory_space<vmem_shared>>
        tpu.enqueue_indirect_dma source(%dma_start3A_368 : memref<128x16xf32, #tpu.memory_space<vmem>>) target(%dma_start3A_374 : memref<10112x16xf32, #tpu.memory_space<vmem_shared>>) offsets(%dma_start3A_371 : memref<128xi32, #tpu.memory_space<vmem>>) semaphore(%run_scoped3A_364 : memref<!tpu.dma_semaphore, #tpu.memory_space<semaphore_mem>>) {add = true}
        %dma_wait3A_375 = arith.constant 0 : i32
        %dma_wait3A_376 = arith.constant 0 : i32
        %dma_wait3A_377 = tpu.memref_slice %arg8[%run_scoped3A_333, %dma_wait3A_375, %dma_wait3A_376] : memref<10x128x16xf32, #tpu.memory_space<vmem>> -> memref<1x128x16xf32, #tpu.memory_space<vmem>>
        %dma_wait3A_378 = tpu.memref_squeeze %dma_wait3A_377 : memref<1x128x16xf32, #tpu.memory_space<vmem>> -> memref<128x16xf32, #tpu.memory_space<vmem>>
        %dma_wait3A_379 = arith.constant 0 : i32
        %dma_wait3A_380 = tpu.memref_slice %arg7[%add3A_321, %dma_wait3A_379] : memref<40x128xi32, #tpu.memory_space<vmem>> -> memref<1x128xi32, #tpu.memory_space<vmem>>
        %dma_wait3A_381 = tpu.memref_squeeze %dma_wait3A_380 : memref<1x128xi32, #tpu.memory_space<vmem>> -> memref<128xi32, #tpu.memory_space<vmem>>
        %dma_wait3A_382 = arith.constant 0 : i32
        %dma_wait3A_383 = arith.constant 0 : i32
        %dma_wait3A_384 = tpu.memref_slice %arg10[%dma_wait3A_382, %dma_wait3A_383] : memref<10112x16xf32, #tpu.memory_space<vmem_shared>> -> memref<10112x16xf32, #tpu.memory_space<vmem_shared>>
        tpu.wait_indirect_dma semaphore(%run_scoped3A_364 : memref<!tpu.dma_semaphore, #tpu.memory_space<semaphore_mem>>) src(%dma_wait3A_378 : memref<128x16xf32, #tpu.memory_space<vmem>>) dst(%dma_wait3A_384 : memref<10112x16xf32, #tpu.memory_space<vmem_shared>>)
        tpu.yield
      }) : () -> ()
      %add3A_334 = arith.constant 10 : i32
      %add3A_335 = arith.addi %add3A_321, %add3A_334 : i32
      %lt3A_336 = arith.constant 40 : i32
      %lt3A_337 = arith.cmpi slt, %add3A_335, %lt3A_336 : i32
      %convert_element_type3A_338 = arith.extui %lt3A_337 : i1 to i32
      %cond3A_339 = arith.constant 0 : i32
      %cond3A_340 = arith.cmpi ne, %convert_element_type3A_338, %cond3A_339 : i32
      scf.if %cond3A_340 {
        %dma_start3A_364 = arith.constant 8 : i32
        %dma_start3A_365 = arith.constant 0 : i32
        %dma_start3A_366 = arith.constant 0 : i32
        %dma_start3A_367 = tpu.memref_slice %arg8[%dma_start3A_364, %dma_start3A_365, %dma_start3A_366] : memref<10x128x16xf32, #tpu.memory_space<vmem>> -> memref<1x128x16xf32, #tpu.memory_space<vmem>>
        %dma_start3A_368 = tpu.memref_squeeze %dma_start3A_367 : memref<1x128x16xf32, #tpu.memory_space<vmem>> -> memref<128x16xf32, #tpu.memory_space<vmem>>
        %dma_start3A_369 = arith.constant 0 : i32
        %dma_start3A_370 = tpu.memref_slice %arg6[%add3A_335, %dma_start3A_369] : memref<40x128xi32, #tpu.memory_space<vmem>> -> memref<1x128xi32, #tpu.memory_space<vmem>>
        %dma_start3A_371 = tpu.memref_squeeze %dma_start3A_370 : memref<1x128xi32, #tpu.memory_space<vmem>> -> memref<128xi32, #tpu.memory_space<vmem>>
        %dma_start3A_372 = arith.constant 0 : i32
        %dma_start3A_373 = arith.constant 0 : i32
        %dma_start3A_374 = tpu.memref_slice %arg2[%dma_start3A_372, %dma_start3A_373] : memref<10000x16xf32, #tpu.memory_space<hbm>> -> memref<10000x16xf32, #tpu.memory_space<hbm>>
        tpu.enqueue_indirect_dma source(%dma_start3A_374 : memref<10000x16xf32, #tpu.memory_space<hbm>>) target(%dma_start3A_368 : memref<128x16xf32, #tpu.memory_space<vmem>>) offsets(%dma_start3A_371 : memref<128xi32, #tpu.memory_space<vmem>>) semaphore(%arg19 : memref<!tpu.dma_semaphore, #tpu.memory_space<semaphore_mem>>)
      } else {
      }
      %mul3A_341 = arith.constant 10 : i32
      %mul3A_342 = arith.muli %scan3A_138, %mul3A_341 : i32
      %add3A_343 = arith.constant 9 : i32
      %add3A_344 = arith.addi %mul3A_342, %add3A_343 : i32
      %dma_wait3A_345 = arith.constant 9 : i32
      %dma_wait3A_346 = arith.constant 0 : i32
      %dma_wait3A_347 = arith.constant 0 : i32
      %dma_wait3A_348 = tpu.memref_slice %arg8[%dma_wait3A_345, %dma_wait3A_346, %dma_wait3A_347] : memref<10x128x16xf32, #tpu.memory_space<vmem>> -> memref<1x128x16xf32, #tpu.memory_space<vmem>>
      %dma_wait3A_349 = tpu.memref_squeeze %dma_wait3A_348 : memref<1x128x16xf32, #tpu.memory_space<vmem>> -> memref<128x16xf32, #tpu.memory_space<vmem>>
      %dma_wait3A_350 = arith.constant 0 : i32
      %dma_wait3A_351 = tpu.memref_slice %arg6[%add3A_344, %dma_wait3A_350] : memref<40x128xi32, #tpu.memory_space<vmem>> -> memref<1x128xi32, #tpu.memory_space<vmem>>
      %dma_wait3A_352 = tpu.memref_squeeze %dma_wait3A_351 : memref<1x128xi32, #tpu.memory_space<vmem>> -> memref<128xi32, #tpu.memory_space<vmem>>
      %dma_wait3A_353 = arith.constant 0 : i32
      %dma_wait3A_354 = arith.constant 0 : i32
      %dma_wait3A_355 = tpu.memref_slice %arg2[%dma_wait3A_353, %dma_wait3A_354] : memref<10000x16xf32, #tpu.memory_space<hbm>> -> memref<10000x16xf32, #tpu.memory_space<hbm>>
      tpu.wait_indirect_dma semaphore(%arg20 : memref<!tpu.dma_semaphore, #tpu.memory_space<semaphore_mem>>) src(%dma_wait3A_355 : memref<10000x16xf32, #tpu.memory_space<hbm>>) dst(%dma_wait3A_349 : memref<128x16xf32, #tpu.memory_space<vmem>>)
      %run_scoped3A_356 = arith.constant 9 : i32
      "tpu.region"() ({
        %run_scoped3A_364 = tpu.sem_alloc : memref<!tpu.dma_semaphore, #tpu.memory_space<semaphore_mem>>
        %dma_start3A_365 = arith.constant 0 : i32
        %dma_start3A_366 = arith.constant 0 : i32
        %dma_start3A_367 = tpu.memref_slice %arg8[%run_scoped3A_356, %dma_start3A_365, %dma_start3A_366] : memref<10x128x16xf32, #tpu.memory_space<vmem>> -> memref<1x128x16xf32, #tpu.memory_space<vmem>>
        %dma_start3A_368 = tpu.memref_squeeze %dma_start3A_367 : memref<1x128x16xf32, #tpu.memory_space<vmem>> -> memref<128x16xf32, #tpu.memory_space<vmem>>
        %dma_start3A_369 = arith.constant 0 : i32
        %dma_start3A_370 = tpu.memref_slice %arg7[%add3A_344, %dma_start3A_369] : memref<40x128xi32, #tpu.memory_space<vmem>> -> memref<1x128xi32, #tpu.memory_space<vmem>>
        %dma_start3A_371 = tpu.memref_squeeze %dma_start3A_370 : memref<1x128xi32, #tpu.memory_space<vmem>> -> memref<128xi32, #tpu.memory_space<vmem>>
        %dma_start3A_372 = arith.constant 0 : i32
        %dma_start3A_373 = arith.constant 0 : i32
        %dma_start3A_374 = tpu.memref_slice %arg10[%dma_start3A_372, %dma_start3A_373] : memref<10112x16xf32, #tpu.memory_space<vmem_shared>> -> memref<10112x16xf32, #tpu.memory_space<vmem_shared>>
        tpu.enqueue_indirect_dma source(%dma_start3A_368 : memref<128x16xf32, #tpu.memory_space<vmem>>) target(%dma_start3A_374 : memref<10112x16xf32, #tpu.memory_space<vmem_shared>>) offsets(%dma_start3A_371 : memref<128xi32, #tpu.memory_space<vmem>>) semaphore(%run_scoped3A_364 : memref<!tpu.dma_semaphore, #tpu.memory_space<semaphore_mem>>) {add = true}
        %dma_wait3A_375 = arith.constant 0 : i32
        %dma_wait3A_376 = arith.constant 0 : i32
        %dma_wait3A_377 = tpu.memref_slice %arg8[%run_scoped3A_356, %dma_wait3A_375, %dma_wait3A_376] : memref<10x128x16xf32, #tpu.memory_space<vmem>> -> memref<1x128x16xf32, #tpu.memory_space<vmem>>
        %dma_wait3A_378 = tpu.memref_squeeze %dma_wait3A_377 : memref<1x128x16xf32, #tpu.memory_space<vmem>> -> memref<128x16xf32, #tpu.memory_space<vmem>>
        %dma_wait3A_379 = arith.constant 0 : i32
        %dma_wait3A_380 = tpu.memref_slice %arg7[%add3A_344, %dma_wait3A_379] : memref<40x128xi32, #tpu.memory_space<vmem>> -> memref<1x128xi32, #tpu.memory_space<vmem>>
        %dma_wait3A_381 = tpu.memref_squeeze %dma_wait3A_380 : memref<1x128xi32, #tpu.memory_space<vmem>> -> memref<128xi32, #tpu.memory_space<vmem>>
        %dma_wait3A_382 = arith.constant 0 : i32
        %dma_wait3A_383 = arith.constant 0 : i32
        %dma_wait3A_384 = tpu.memref_slice %arg10[%dma_wait3A_382, %dma_wait3A_383] : memref<10112x16xf32, #tpu.memory_space<vmem_shared>> -> memref<10112x16xf32, #tpu.memory_space<vmem_shared>>
        tpu.wait_indirect_dma semaphore(%run_scoped3A_364 : memref<!tpu.dma_semaphore, #tpu.memory_space<semaphore_mem>>) src(%dma_wait3A_378 : memref<128x16xf32, #tpu.memory_space<vmem>>) dst(%dma_wait3A_384 : memref<10112x16xf32, #tpu.memory_space<vmem_shared>>)
        tpu.yield
      }) : () -> ()
      %add3A_357 = arith.constant 10 : i32
      %add3A_358 = arith.addi %add3A_344, %add3A_357 : i32
      %lt3A_359 = arith.constant 40 : i32
      %lt3A_360 = arith.cmpi slt, %add3A_358, %lt3A_359 : i32
      %convert_element_type3A_361 = arith.extui %lt3A_360 : i1 to i32
      %cond3A_362 = arith.constant 0 : i32
      %cond3A_363 = arith.cmpi ne, %convert_element_type3A_361, %cond3A_362 : i32
      scf.if %cond3A_363 {
        %dma_start3A_364 = arith.constant 9 : i32
        %dma_start3A_365 = arith.constant 0 : i32
        %dma_start3A_366 = arith.constant 0 : i32
        %dma_start3A_367 = tpu.memref_slice %arg8[%dma_start3A_364, %dma_start3A_365, %dma_start3A_366] : memref<10x128x16xf32, #tpu.memory_space<vmem>> -> memref<1x128x16xf32, #tpu.memory_space<vmem>>
        %dma_start3A_368 = tpu.memref_squeeze %dma_start3A_367 : memref<1x128x16xf32, #tpu.memory_space<vmem>> -> memref<128x16xf32, #tpu.memory_space<vmem>>
        %dma_start3A_369 = arith.constant 0 : i32
        %dma_start3A_370 = tpu.memref_slice %arg6[%add3A_358, %dma_start3A_369] : memref<40x128xi32, #tpu.memory_space<vmem>> -> memref<1x128xi32, #tpu.memory_space<vmem>>
        %dma_start3A_371 = tpu.memref_squeeze %dma_start3A_370 : memref<1x128xi32, #tpu.memory_space<vmem>> -> memref<128xi32, #tpu.memory_space<vmem>>
        %dma_start3A_372 = arith.constant 0 : i32
        %dma_start3A_373 = arith.constant 0 : i32
        %dma_start3A_374 = tpu.memref_slice %arg2[%dma_start3A_372, %dma_start3A_373] : memref<10000x16xf32, #tpu.memory_space<hbm>> -> memref<10000x16xf32, #tpu.memory_space<hbm>>
        tpu.enqueue_indirect_dma source(%dma_start3A_374 : memref<10000x16xf32, #tpu.memory_space<hbm>>) target(%dma_start3A_368 : memref<128x16xf32, #tpu.memory_space<vmem>>) offsets(%dma_start3A_371 : memref<128xi32, #tpu.memory_space<vmem>>) semaphore(%arg20 : memref<!tpu.dma_semaphore, #tpu.memory_space<semaphore_mem>>)
      } else {
      }
    }
    %scan3A_132 = arith.constant 4 : i32
    %barrier3A_133 = arith.constant 0 : index
    tpu.barrier barrier_id(%barrier3A_133)
    %mul3A_134 = arith.constant 632 : i32
    %mul3A_135 = arith.muli %arg1, %mul3A_134 : i32
    "tpu.region"() ({
      %run_scoped3A = tpu.sem_alloc : memref<!tpu.dma_semaphore, #tpu.memory_space<semaphore_mem>>
      %dma_start3A_138 = arith.constant 0 : i32
      %dma_start3A_139 = tpu.memref_slice %arg10[%mul3A_135, %dma_start3A_138] : memref<10112x16xf32, #tpu.memory_space<vmem_shared>> -> memref<632x16xf32, #tpu.memory_space<vmem_shared>>
      %dma_start3A_140 = arith.constant 0 : i32
      %dma_start3A_141 = tpu.memref_slice %arg10[%mul3A_135, %dma_start3A_140] : memref<10112x16xf32, #tpu.memory_space<vmem_shared>> -> memref<632x16xf32, #tpu.memory_space<vmem_shared>>
      tpu.enqueue_dma source(%dma_start3A_141 : memref<632x16xf32, #tpu.memory_space<vmem_shared>>) target(%arg9 : memref<632x16xf32, #tpu.memory_space<vmem>>) target_semaphore(%run_scoped3A : memref<!tpu.dma_semaphore, #tpu.memory_space<semaphore_mem>>)
      %dma_wait3A = arith.constant 0 : i32
      %dma_wait3A_142 = tpu.memref_slice %arg10[%mul3A_135, %dma_wait3A] : memref<10112x16xf32, #tpu.memory_space<vmem_shared>> -> memref<632x16xf32, #tpu.memory_space<vmem_shared>>
      %dma_wait3A_143 = arith.constant 0 : i32
      %dma_wait3A_144 = tpu.memref_slice %arg10[%mul3A_135, %dma_wait3A_143] : memref<10112x16xf32, #tpu.memory_space<vmem_shared>> -> memref<632x16xf32, #tpu.memory_space<vmem_shared>>
      tpu.wait_dma2 semaphore(%run_scoped3A : memref<!tpu.dma_semaphore, #tpu.memory_space<semaphore_mem>>) src(%dma_wait3A_144 : memref<632x16xf32, #tpu.memory_space<vmem_shared>>) dst(%arg9 : memref<632x16xf32, #tpu.memory_space<vmem>>)
      tpu.yield
    }) : () -> ()
    %mul3A_136 = arith.constant 632 : i32
    %mul3A_137 = arith.muli %arg1, %mul3A_136 : i32
    "tpu.region"() ({
      %run_scoped3A = tpu.sem_alloc : memref<!tpu.dma_semaphore, #tpu.memory_space<semaphore_mem>>
      %dma_start3A_138 = arith.constant 0 : i32
      %dma_start3A_139 = tpu.memref_slice %arg5[%arg0, %mul3A_137, %dma_start3A_138] : memref<2x10112x16xf32, #tpu.memory_space<hbm>> -> memref<1x632x16xf32, #tpu.memory_space<hbm>>
      %dma_start3A_140 = tpu.memref_squeeze %dma_start3A_139 : memref<1x632x16xf32, #tpu.memory_space<hbm>> -> memref<632x16xf32, #tpu.memory_space<hbm>>
      %dma_start3A_141 = arith.constant 0 : i32
      %dma_start3A_142 = tpu.memref_slice %arg5[%arg0, %mul3A_137, %dma_start3A_141] : memref<2x10112x16xf32, #tpu.memory_space<hbm>> -> memref<1x632x16xf32, #tpu.memory_space<hbm>>
      %dma_start3A_143 = tpu.memref_squeeze %dma_start3A_142 : memref<1x632x16xf32, #tpu.memory_space<hbm>> -> memref<632x16xf32, #tpu.memory_space<hbm>>
      tpu.enqueue_dma source(%arg9 : memref<632x16xf32, #tpu.memory_space<vmem>>) target(%dma_start3A_143 : memref<632x16xf32, #tpu.memory_space<hbm>>) target_semaphore(%run_scoped3A : memref<!tpu.dma_semaphore, #tpu.memory_space<semaphore_mem>>)
      %dma_wait3A = arith.constant 0 : i32
      %dma_wait3A_144 = tpu.memref_slice %arg5[%arg0, %mul3A_137, %dma_wait3A] : memref<2x10112x16xf32, #tpu.memory_space<hbm>> -> memref<1x632x16xf32, #tpu.memory_space<hbm>>
      %dma_wait3A_145 = tpu.memref_squeeze %dma_wait3A_144 : memref<1x632x16xf32, #tpu.memory_space<hbm>> -> memref<632x16xf32, #tpu.memory_space<hbm>>
      %dma_wait3A_146 = arith.constant 0 : i32
      %dma_wait3A_147 = tpu.memref_slice %arg5[%arg0, %mul3A_137, %dma_wait3A_146] : memref<2x10112x16xf32, #tpu.memory_space<hbm>> -> memref<1x632x16xf32, #tpu.memory_space<hbm>>
      %dma_wait3A_148 = tpu.memref_squeeze %dma_wait3A_147 : memref<1x632x16xf32, #tpu.memory_space<hbm>> -> memref<632x16xf32, #tpu.memory_space<hbm>>
      tpu.wait_dma2 semaphore(%run_scoped3A : memref<!tpu.dma_semaphore, #tpu.memory_space<semaphore_mem>>) src(%arg9 : memref<632x16xf32, #tpu.memory_space<vmem>>) dst(%dma_wait3A_148 : memref<632x16xf32, #tpu.memory_space<hbm>>)
      tpu.yield
    }) : () -> ()
    return
  }
}

#map = affine_map<(d0, d1) -> (0, 0)>
#map1 = affine_map<(d0, d1) -> (0, 0, 0)>
module attributes {stable_mosaic.version = 14 : i64} {
  func.func @_sc_agg(%arg0: i32, %arg1: i32, %arg2: memref<10000x16xf32, #tpu.memory_space<hbm>>, %arg3: memref<32x40x128xi32, #tpu.memory_space<hbm>>, %arg4: memref<32x40x128xi32, #tpu.memory_space<hbm>>, %arg5: memref<2x10112x16xf32, #tpu.memory_space<hbm>>, %arg6: memref<40x128xi32, #tpu.memory_space<vmem>>, %arg7: memref<40x128xi32, #tpu.memory_space<vmem>>, %arg8: memref<10x128x16xf32, #tpu.memory_space<vmem>>, %arg9: memref<632x16xf32, #tpu.memory_space<vmem>>, %arg10: memref<10112x16xf32, #tpu.memory_space<vmem_shared>>, %arg11: memref<!tpu.dma_semaphore, #tpu.memory_space<semaphore_mem>>, %arg12: memref<!tpu.dma_semaphore, #tpu.memory_space<semaphore_mem>>, %arg13: memref<!tpu.dma_semaphore, #tpu.memory_space<semaphore_mem>>, %arg14: memref<!tpu.dma_semaphore, #tpu.memory_space<semaphore_mem>>, %arg15: memref<!tpu.dma_semaphore, #tpu.memory_space<semaphore_mem>>, %arg16: memref<!tpu.dma_semaphore, #tpu.memory_space<semaphore_mem>>, %arg17: memref<!tpu.dma_semaphore, #tpu.memory_space<semaphore_mem>>, %arg18: memref<!tpu.dma_semaphore, #tpu.memory_space<semaphore_mem>>, %arg19: memref<!tpu.dma_semaphore, #tpu.memory_space<semaphore_mem>>, %arg20: memref<!tpu.dma_semaphore, #tpu.memory_space<semaphore_mem>>) attributes {dimension_semantics = [#tpu.dimension_semantics<core_parallel>, #tpu.dimension_semantics<subcore_parallel>], iteration_bounds = array<i64: 2, 16>, scalar_prefetch = 0 : i64, scratch_operands = 15 : i64, tpu.core_type = #tpu.core_type<sc_vector_subcore>, window_params = [{transform_indices = #map}, {transform_indices = #map1}, {transform_indices = #map1}, {transform_indices = #map1}]} {
    %mul3A = arith.constant 2 : i32
    %mul3A_0 = arith.muli %arg1, %mul3A : i32
    %add3A = arith.addi %mul3A_0, %arg0 : i32
    %scan3A = arith.constant 0 : i32
    %scan3A_1 = arith.constant 0 : i32
    %scan3A_2 = arith.constant 632 : i32
    %scan3A_3 = arith.addi %scan3A_1, %scan3A_2 : i32
    %scan3A_4 = arith.constant 1 : i32
    scf.for %scan3A_138 = %scan3A_1 to %scan3A_3 step %scan3A_4  : i32 {
      %broadcast_in_dim3A = arith.constant 0.000000e+00 : f32
      %broadcast_in_dim3A_139 = vector.broadcast %broadcast_in_dim3A : f32 to vector<16xf32>
      %swap3A = arith.index_cast %scan3A_138 : i32 to index
      %swap3A_140 = arith.constant 0 : index
      %swap3A_141 = tpu.vector_load %arg9[%swap3A, %swap3A_140] {strides = array<i32>} : memref<632x16xf32, #tpu.memory_space<vmem>>, vector<1x16xf32>,
      %swap3A_142 = vector.shape_cast %swap3A_141 : vector<1x16xf32> to vector<16xf32>
      %swap3A_143 = vector.shape_cast %broadcast_in_dim3A_139 : vector<16xf32> to vector<1x16xf32>
      tpu.vector_store %arg9[%swap3A, %swap3A_140], %swap3A_143 {strides = array<i32>} : memref<632x16xf32, #tpu.memory_space<vmem>>, vector<1x16xf32>,
    }
    %scan3A_5 = arith.constant 632 : i32
    %mul3A_6 = arith.constant 632 : i32
    %mul3A_7 = arith.muli %arg1, %mul3A_6 : i32
    "tpu.region"() ({
      %run_scoped3A = tpu.sem_alloc : memref<!tpu.dma_semaphore, #tpu.memory_space<semaphore_mem>>
      %dma_start3A_138 = arith.constant 0 : i32
      %dma_start3A_139 = tpu.memref_slice %arg10[%mul3A_7, %dma_start3A_138] : memref<10112x16xf32, #tpu.memory_space<vmem_shared>> -> memref<632x16xf32, #tpu.memory_space<vmem_shared>>
      %dma_start3A_140 = arith.constant 0 : i32
      %dma_start3A_141 = tpu.memref_slice %arg10[%mul3A_7, %dma_start3A_140] : memref<10112x16xf32, #tpu.memory_space<vmem_shared>> -> memref<632x16xf32, #tpu.memory_space<vmem_shared>>
      tpu.enqueue_dma source(%arg9 : memref<632x16xf32, #tpu.memory_space<vmem>>) target(%dma_start3A_141 : memref<632x16xf32, #tpu.memory_space<vmem_shared>>) target_semaphore(%run_scoped3A : memref<!tpu.dma_semaphore, #tpu.memory_space<semaphore_mem>>)
      %dma_wait3A = arith.constant 0 : i32
      %dma_wait3A_142 = tpu.memref_slice %arg10[%mul3A_7, %dma_wait3A] : memref<10112x16xf32, #tpu.memory_space<vmem_shared>> -> memref<632x16xf32, #tpu.memory_space<vmem_shared>>
      %dma_wait3A_143 = arith.constant 0 : i32
      %dma_wait3A_144 = tpu.memref_slice %arg10[%mul3A_7, %dma_wait3A_143] : memref<10112x16xf32, #tpu.memory_space<vmem_shared>> -> memref<632x16xf32, #tpu.memory_space<vmem_shared>>
      tpu.wait_dma2 semaphore(%run_scoped3A : memref<!tpu.dma_semaphore, #tpu.memory_space<semaphore_mem>>) src(%arg9 : memref<632x16xf32, #tpu.memory_space<vmem>>) dst(%dma_wait3A_144 : memref<632x16xf32, #tpu.memory_space<vmem_shared>>)
      tpu.yield
    }) : () -> ()
    %barrier3A = arith.constant 0 : index
    tpu.barrier barrier_id(%barrier3A)
    "tpu.region"() ({
      %run_scoped3A = tpu.sem_alloc : memref<!tpu.dma_semaphore, #tpu.memory_space<semaphore_mem>>
      %dma_start3A_138 = arith.constant 0 : i32
      %dma_start3A_139 = arith.constant 0 : i32
      %dma_start3A_140 = tpu.memref_slice %arg3[%add3A, %dma_start3A_138, %dma_start3A_139] : memref<32x40x128xi32, #tpu.memory_space<hbm>> -> memref<1x40x128xi32, #tpu.memory_space<hbm>>
      %dma_start3A_141 = tpu.memref_squeeze %dma_start3A_140 : memref<1x40x128xi32, #tpu.memory_space<hbm>> -> memref<40x128xi32, #tpu.memory_space<hbm>>
      %dma_start3A_142 = arith.constant 0 : i32
      %dma_start3A_143 = arith.constant 0 : i32
      %dma_start3A_144 = tpu.memref_slice %arg3[%add3A, %dma_start3A_142, %dma_start3A_143] : memref<32x40x128xi32, #tpu.memory_space<hbm>> -> memref<1x40x128xi32, #tpu.memory_space<hbm>>
      %dma_start3A_145 = tpu.memref_squeeze %dma_start3A_144 : memref<1x40x128xi32, #tpu.memory_space<hbm>> -> memref<40x128xi32, #tpu.memory_space<hbm>>
      tpu.enqueue_dma source(%dma_start3A_145 : memref<40x128xi32, #tpu.memory_space<hbm>>) target(%arg6 : memref<40x128xi32, #tpu.memory_space<vmem>>) target_semaphore(%run_scoped3A : memref<!tpu.dma_semaphore, #tpu.memory_space<semaphore_mem>>)
      %dma_wait3A = arith.constant 0 : i32
      %dma_wait3A_146 = arith.constant 0 : i32
      %dma_wait3A_147 = tpu.memref_slice %arg3[%add3A, %dma_wait3A, %dma_wait3A_146] : memref<32x40x128xi32, #tpu.memory_space<hbm>> -> memref<1x40x128xi32, #tpu.memory_space<hbm>>
      %dma_wait3A_148 = tpu.memref_squeeze %dma_wait3A_147 : memref<1x40x128xi32, #tpu.memory_space<hbm>> -> memref<40x128xi32, #tpu.memory_space<hbm>>
      %dma_wait3A_149 = arith.constant 0 : i32
      %dma_wait3A_150 = arith.constant 0 : i32
      %dma_wait3A_151 = tpu.memref_slice %arg3[%add3A, %dma_wait3A_149, %dma_wait3A_150] : memref<32x40x128xi32, #tpu.memory_space<hbm>> -> memref<1x40x128xi32, #tpu.memory_space<hbm>>
      %dma_wait3A_152 = tpu.memref_squeeze %dma_wait3A_151 : memref<1x40x128xi32, #tpu.memory_space<hbm>> -> memref<40x128xi32, #tpu.memory_space<hbm>>
      tpu.wait_dma2 semaphore(%run_scoped3A : memref<!tpu.dma_semaphore, #tpu.memory_space<semaphore_mem>>) src(%dma_wait3A_152 : memref<40x128xi32, #tpu.memory_space<hbm>>) dst(%arg6 : memref<40x128xi32, #tpu.memory_space<vmem>>)
      tpu.yield
    }) : () -> ()
    "tpu.region"() ({
      %run_scoped3A = tpu.sem_alloc : memref<!tpu.dma_semaphore, #tpu.memory_space<semaphore_mem>>
      %dma_start3A_138 = arith.constant 0 : i32
      %dma_start3A_139 = arith.constant 0 : i32
      %dma_start3A_140 = tpu.memref_slice %arg4[%add3A, %dma_start3A_138, %dma_start3A_139] : memref<32x40x128xi32, #tpu.memory_space<hbm>> -> memref<1x40x128xi32, #tpu.memory_space<hbm>>
      %dma_start3A_141 = tpu.memref_squeeze %dma_start3A_140 : memref<1x40x128xi32, #tpu.memory_space<hbm>> -> memref<40x128xi32, #tpu.memory_space<hbm>>
      %dma_start3A_142 = arith.constant 0 : i32
      %dma_start3A_143 = arith.constant 0 : i32
      %dma_start3A_144 = tpu.memref_slice %arg4[%add3A, %dma_start3A_142, %dma_start3A_143] : memref<32x40x128xi32, #tpu.memory_space<hbm>> -> memref<1x40x128xi32, #tpu.memory_space<hbm>>
      %dma_start3A_145 = tpu.memref_squeeze %dma_start3A_144 : memref<1x40x128xi32, #tpu.memory_space<hbm>> -> memref<40x128xi32, #tpu.memory_space<hbm>>
      tpu.enqueue_dma source(%dma_start3A_145 : memref<40x128xi32, #tpu.memory_space<hbm>>) target(%arg7 : memref<40x128xi32, #tpu.memory_space<vmem>>) target_semaphore(%run_scoped3A : memref<!tpu.dma_semaphore, #tpu.memory_space<semaphore_mem>>)
      %dma_wait3A = arith.constant 0 : i32
      %dma_wait3A_146 = arith.constant 0 : i32
      %dma_wait3A_147 = tpu.memref_slice %arg4[%add3A, %dma_wait3A, %dma_wait3A_146] : memref<32x40x128xi32, #tpu.memory_space<hbm>> -> memref<1x40x128xi32, #tpu.memory_space<hbm>>
      %dma_wait3A_148 = tpu.memref_squeeze %dma_wait3A_147 : memref<1x40x128xi32, #tpu.memory_space<hbm>> -> memref<40x128xi32, #tpu.memory_space<hbm>>
      %dma_wait3A_149 = arith.constant 0 : i32
      %dma_wait3A_150 = arith.constant 0 : i32
      %dma_wait3A_151 = tpu.memref_slice %arg4[%add3A, %dma_wait3A_149, %dma_wait3A_150] : memref<32x40x128xi32, #tpu.memory_space<hbm>> -> memref<1x40x128xi32, #tpu.memory_space<hbm>>
      %dma_wait3A_152 = tpu.memref_squeeze %dma_wait3A_151 : memref<1x40x128xi32, #tpu.memory_space<hbm>> -> memref<40x128xi32, #tpu.memory_space<hbm>>
      tpu.wait_dma2 semaphore(%run_scoped3A : memref<!tpu.dma_semaphore, #tpu.memory_space<semaphore_mem>>) src(%dma_wait3A_152 : memref<40x128xi32, #tpu.memory_space<hbm>>) dst(%arg7 : memref<40x128xi32, #tpu.memory_space<vmem>>)
      tpu.yield
    }) : () -> ()
    %dma_start3A = arith.constant 0 : i32
    %dma_start3A_8 = arith.constant 0 : i32
    %dma_start3A_9 = arith.constant 0 : i32
    %dma_start3A_10 = arith.constant 0 : i32
    %dma_start3A_11 = tpu.memref_slice %arg8[%dma_start3A_8, %dma_start3A_9, %dma_start3A_10] : memref<10x128x16xf32, #tpu.memory_space<vmem>> -> memref<1x128x16xf32, #tpu.memory_space<vmem>>
    %dma_start3A_12 = tpu.memref_squeeze %dma_start3A_11 : memref<1x128x16xf32, #tpu.memory_space<vmem>> -> memref<128x16xf32, #tpu.memory_space<vmem>>
    %dma_start3A_13 = arith.constant 0 : i32
    %dma_start3A_14 = tpu.memref_slice %arg6[%dma_start3A, %dma_start3A_13] : memref<40x128xi32, #tpu.memory_space<vmem>> -> memref<1x128xi32, #tpu.memory_space<vmem>>
    %dma_start3A_15 = tpu.memref_squeeze %dma_start3A_14 : memref<1x128xi32, #tpu.memory_space<vmem>> -> memref<128xi32, #tpu.memory_space<vmem>>
    %dma_start3A_16 = arith.constant 0 : i32
    %dma_start3A_17 = arith.constant 0 : i32
    %dma_start3A_18 = tpu.memref_slice %arg2[%dma_start3A_16, %dma_start3A_17] : memref<10000x16xf32, #tpu.memory_space<hbm>> -> memref<10000x16xf32, #tpu.memory_space<hbm>>
    tpu.enqueue_indirect_dma source(%dma_start3A_18 : memref<10000x16xf32, #tpu.memory_space<hbm>>) target(%dma_start3A_12 : memref<128x16xf32, #tpu.memory_space<vmem>>) offsets(%dma_start3A_15 : memref<128xi32, #tpu.memory_space<vmem>>) semaphore(%arg11 : memref<!tpu.dma_semaphore, #tpu.memory_space<semaphore_mem>>)
    %dma_start3A_19 = arith.constant 1 : i32
    %dma_start3A_20 = arith.constant 1 : i32
    %dma_start3A_21 = arith.constant 0 : i32
    %dma_start3A_22 = arith.constant 0 : i32
    %dma_start3A_23 = tpu.memref_slice %arg8[%dma_start3A_20, %dma_start3A_21, %dma_start3A_22] : memref<10x128x16xf32, #tpu.memory_space<vmem>> -> memref<1x128x16xf32, #tpu.memory_space<vmem>>
    %dma_start3A_24 = tpu.memref_squeeze %dma_start3A_23 : memref<1x128x16xf32, #tpu.memory_space<vmem>> -> memref<128x16xf32, #tpu.memory_space<vmem>>
    %dma_start3A_25 = arith.constant 0 : i32
    %dma_start3A_26 = tpu.memref_slice %arg6[%dma_start3A_19, %dma_start3A_25] : memref<40x128xi32, #tpu.memory_space<vmem>> -> memref<1x128xi32, #tpu.memory_space<vmem>>
    %dma_start3A_27 = tpu.memref_squeeze %dma_start3A_26 : memref<1x128xi32, #tpu.memory_space<vmem>> -> memref<128xi32, #tpu.memory_space<vmem>>
    %dma_start3A_28 = arith.constant 0 : i32
    %dma_start3A_29 = arith.constant 0 : i32
    %dma_start3A_30 = tpu.memref_slice %arg2[%dma_start3A_28, %dma_start3A_29] : memref<10000x16xf32, #tpu.memory_space<hbm>> -> memref<10000x16xf32, #tpu.memory_space<hbm>>
    tpu.enqueue_indirect_dma source(%dma_start3A_30 : memref<10000x16xf32, #tpu.memory_space<hbm>>) target(%dma_start3A_24 : memref<128x16xf32, #tpu.memory_space<vmem>>) offsets(%dma_start3A_27 : memref<128xi32, #tpu.memory_space<vmem>>) semaphore(%arg12 : memref<!tpu.dma_semaphore, #tpu.memory_space<semaphore_mem>>)
    %dma_start3A_31 = arith.constant 2 : i32
    %dma_start3A_32 = arith.constant 2 : i32
    %dma_start3A_33 = arith.constant 0 : i32
    %dma_start3A_34 = arith.constant 0 : i32
    %dma_start3A_35 = tpu.memref_slice %arg8[%dma_start3A_32, %dma_start3A_33, %dma_start3A_34] : memref<10x128x16xf32, #tpu.memory_space<vmem>> -> memref<1x128x16xf32, #tpu.memory_space<vmem>>
    %dma_start3A_36 = tpu.memref_squeeze %dma_start3A_35 : memref<1x128x16xf32, #tpu.memory_space<vmem>> -> memref<128x16xf32, #tpu.memory_space<vmem>>
    %dma_start3A_37 = arith.constant 0 : i32
    %dma_start3A_38 = tpu.memref_slice %arg6[%dma_start3A_31, %dma_start3A_37] : memref<40x128xi32, #tpu.memory_space<vmem>> -> memref<1x128xi32, #tpu.memory_space<vmem>>
    %dma_start3A_39 = tpu.memref_squeeze %dma_start3A_38 : memref<1x128xi32, #tpu.memory_space<vmem>> -> memref<128xi32, #tpu.memory_space<vmem>>
    %dma_start3A_40 = arith.constant 0 : i32
    %dma_start3A_41 = arith.constant 0 : i32
    %dma_start3A_42 = tpu.memref_slice %arg2[%dma_start3A_40, %dma_start3A_41] : memref<10000x16xf32, #tpu.memory_space<hbm>> -> memref<10000x16xf32, #tpu.memory_space<hbm>>
    tpu.enqueue_indirect_dma source(%dma_start3A_42 : memref<10000x16xf32, #tpu.memory_space<hbm>>) target(%dma_start3A_36 : memref<128x16xf32, #tpu.memory_space<vmem>>) offsets(%dma_start3A_39 : memref<128xi32, #tpu.memory_space<vmem>>) semaphore(%arg13 : memref<!tpu.dma_semaphore, #tpu.memory_space<semaphore_mem>>)
    %dma_start3A_43 = arith.constant 3 : i32
    %dma_start3A_44 = arith.constant 3 : i32
    %dma_start3A_45 = arith.constant 0 : i32
    %dma_start3A_46 = arith.constant 0 : i32
    %dma_start3A_47 = tpu.memref_slice %arg8[%dma_start3A_44, %dma_start3A_45, %dma_start3A_46] : memref<10x128x16xf32, #tpu.memory_space<vmem>> -> memref<1x128x16xf32, #tpu.memory_space<vmem>>
    %dma_start3A_48 = tpu.memref_squeeze %dma_start3A_47 : memref<1x128x16xf32, #tpu.memory_space<vmem>> -> memref<128x16xf32, #tpu.memory_space<vmem>>
    %dma_start3A_49 = arith.constant 0 : i32
    %dma_start3A_50 = tpu.memref_slice %arg6[%dma_start3A_43, %dma_start3A_49] : memref<40x128xi32, #tpu.memory_space<vmem>> -> memref<1x128xi32, #tpu.memory_space<vmem>>
    %dma_start3A_51 = tpu.memref_squeeze %dma_start3A_50 : memref<1x128xi32, #tpu.memory_space<vmem>> -> memref<128xi32, #tpu.memory_space<vmem>>
    %dma_start3A_52 = arith.constant 0 : i32
    %dma_start3A_53 = arith.constant 0 : i32
    %dma_start3A_54 = tpu.memref_slice %arg2[%dma_start3A_52, %dma_start3A_53] : memref<10000x16xf32, #tpu.memory_space<hbm>> -> memref<10000x16xf32, #tpu.memory_space<hbm>>
    tpu.enqueue_indirect_dma source(%dma_start3A_54 : memref<10000x16xf32, #tpu.memory_space<hbm>>) target(%dma_start3A_48 : memref<128x16xf32, #tpu.memory_space<vmem>>) offsets(%dma_start3A_51 : memref<128xi32, #tpu.memory_space<vmem>>) semaphore(%arg14 : memref<!tpu.dma_semaphore, #tpu.memory_space<semaphore_mem>>)
    %dma_start3A_55 = arith.constant 4 : i32
    %dma_start3A_56 = arith.constant 4 : i32
    %dma_start3A_57 = arith.constant 0 : i32
    %dma_start3A_58 = arith.constant 0 : i32
    %dma_start3A_59 = tpu.memref_slice %arg8[%dma_start3A_56, %dma_start3A_57, %dma_start3A_58] : memref<10x128x16xf32, #tpu.memory_space<vmem>> -> memref<1x128x16xf32, #tpu.memory_space<vmem>>
    %dma_start3A_60 = tpu.memref_squeeze %dma_start3A_59 : memref<1x128x16xf32, #tpu.memory_space<vmem>> -> memref<128x16xf32, #tpu.memory_space<vmem>>
    %dma_start3A_61 = arith.constant 0 : i32
    %dma_start3A_62 = tpu.memref_slice %arg6[%dma_start3A_55, %dma_start3A_61] : memref<40x128xi32, #tpu.memory_space<vmem>> -> memref<1x128xi32, #tpu.memory_space<vmem>>
    %dma_start3A_63 = tpu.memref_squeeze %dma_start3A_62 : memref<1x128xi32, #tpu.memory_space<vmem>> -> memref<128xi32, #tpu.memory_space<vmem>>
    %dma_start3A_64 = arith.constant 0 : i32
    %dma_start3A_65 = arith.constant 0 : i32
    %dma_start3A_66 = tpu.memref_slice %arg2[%dma_start3A_64, %dma_start3A_65] : memref<10000x16xf32, #tpu.memory_space<hbm>> -> memref<10000x16xf32, #tpu.memory_space<hbm>>
    tpu.enqueue_indirect_dma source(%dma_start3A_66 : memref<10000x16xf32, #tpu.memory_space<hbm>>) target(%dma_start3A_60 : memref<128x16xf32, #tpu.memory_space<vmem>>) offsets(%dma_start3A_63 : memref<128xi32, #tpu.memory_space<vmem>>) semaphore(%arg15 : memref<!tpu.dma_semaphore, #tpu.memory_space<semaphore_mem>>)
    %dma_start3A_67 = arith.constant 5 : i32
    %dma_start3A_68 = arith.constant 5 : i32
    %dma_start3A_69 = arith.constant 0 : i32
    %dma_start3A_70 = arith.constant 0 : i32
    %dma_start3A_71 = tpu.memref_slice %arg8[%dma_start3A_68, %dma_start3A_69, %dma_start3A_70] : memref<10x128x16xf32, #tpu.memory_space<vmem>> -> memref<1x128x16xf32, #tpu.memory_space<vmem>>
    %dma_start3A_72 = tpu.memref_squeeze %dma_start3A_71 : memref<1x128x16xf32, #tpu.memory_space<vmem>> -> memref<128x16xf32, #tpu.memory_space<vmem>>
    %dma_start3A_73 = arith.constant 0 : i32
    %dma_start3A_74 = tpu.memref_slice %arg6[%dma_start3A_67, %dma_start3A_73] : memref<40x128xi32, #tpu.memory_space<vmem>> -> memref<1x128xi32, #tpu.memory_space<vmem>>
    %dma_start3A_75 = tpu.memref_squeeze %dma_start3A_74 : memref<1x128xi32, #tpu.memory_space<vmem>> -> memref<128xi32, #tpu.memory_space<vmem>>
    %dma_start3A_76 = arith.constant 0 : i32
    %dma_start3A_77 = arith.constant 0 : i32
    %dma_start3A_78 = tpu.memref_slice %arg2[%dma_start3A_76, %dma_start3A_77] : memref<10000x16xf32, #tpu.memory_space<hbm>> -> memref<10000x16xf32, #tpu.memory_space<hbm>>
    tpu.enqueue_indirect_dma source(%dma_start3A_78 : memref<10000x16xf32, #tpu.memory_space<hbm>>) target(%dma_start3A_72 : memref<128x16xf32, #tpu.memory_space<vmem>>) offsets(%dma_start3A_75 : memref<128xi32, #tpu.memory_space<vmem>>) semaphore(%arg16 : memref<!tpu.dma_semaphore, #tpu.memory_space<semaphore_mem>>)
    %dma_start3A_79 = arith.constant 6 : i32
    %dma_start3A_80 = arith.constant 6 : i32
    %dma_start3A_81 = arith.constant 0 : i32
    %dma_start3A_82 = arith.constant 0 : i32
    %dma_start3A_83 = tpu.memref_slice %arg8[%dma_start3A_80, %dma_start3A_81, %dma_start3A_82] : memref<10x128x16xf32, #tpu.memory_space<vmem>> -> memref<1x128x16xf32, #tpu.memory_space<vmem>>
    %dma_start3A_84 = tpu.memref_squeeze %dma_start3A_83 : memref<1x128x16xf32, #tpu.memory_space<vmem>> -> memref<128x16xf32, #tpu.memory_space<vmem>>
    %dma_start3A_85 = arith.constant 0 : i32
    %dma_start3A_86 = tpu.memref_slice %arg6[%dma_start3A_79, %dma_start3A_85] : memref<40x128xi32, #tpu.memory_space<vmem>> -> memref<1x128xi32, #tpu.memory_space<vmem>>
    %dma_start3A_87 = tpu.memref_squeeze %dma_start3A_86 : memref<1x128xi32, #tpu.memory_space<vmem>> -> memref<128xi32, #tpu.memory_space<vmem>>
    %dma_start3A_88 = arith.constant 0 : i32
    %dma_start3A_89 = arith.constant 0 : i32
    %dma_start3A_90 = tpu.memref_slice %arg2[%dma_start3A_88, %dma_start3A_89] : memref<10000x16xf32, #tpu.memory_space<hbm>> -> memref<10000x16xf32, #tpu.memory_space<hbm>>
    tpu.enqueue_indirect_dma source(%dma_start3A_90 : memref<10000x16xf32, #tpu.memory_space<hbm>>) target(%dma_start3A_84 : memref<128x16xf32, #tpu.memory_space<vmem>>) offsets(%dma_start3A_87 : memref<128xi32, #tpu.memory_space<vmem>>) semaphore(%arg17 : memref<!tpu.dma_semaphore, #tpu.memory_space<semaphore_mem>>)
    %dma_start3A_91 = arith.constant 7 : i32
    %dma_start3A_92 = arith.constant 7 : i32
    %dma_start3A_93 = arith.constant 0 : i32
    %dma_start3A_94 = arith.constant 0 : i32
    %dma_start3A_95 = tpu.memref_slice %arg8[%dma_start3A_92, %dma_start3A_93, %dma_start3A_94] : memref<10x128x16xf32, #tpu.memory_space<vmem>> -> memref<1x128x16xf32, #tpu.memory_space<vmem>>
    %dma_start3A_96 = tpu.memref_squeeze %dma_start3A_95 : memref<1x128x16xf32, #tpu.memory_space<vmem>> -> memref<128x16xf32, #tpu.memory_space<vmem>>
    %dma_start3A_97 = arith.constant 0 : i32
    %dma_start3A_98 = tpu.memref_slice %arg6[%dma_start3A_91, %dma_start3A_97] : memref<40x128xi32, #tpu.memory_space<vmem>> -> memref<1x128xi32, #tpu.memory_space<vmem>>
    %dma_start3A_99 = tpu.memref_squeeze %dma_start3A_98 : memref<1x128xi32, #tpu.memory_space<vmem>> -> memref<128xi32, #tpu.memory_space<vmem>>
    %dma_start3A_100 = arith.constant 0 : i32
    %dma_start3A_101 = arith.constant 0 : i32
    %dma_start3A_102 = tpu.memref_slice %arg2[%dma_start3A_100, %dma_start3A_101] : memref<10000x16xf32, #tpu.memory_space<hbm>> -> memref<10000x16xf32, #tpu.memory_space<hbm>>
    tpu.enqueue_indirect_dma source(%dma_start3A_102 : memref<10000x16xf32, #tpu.memory_space<hbm>>) target(%dma_start3A_96 : memref<128x16xf32, #tpu.memory_space<vmem>>) offsets(%dma_start3A_99 : memref<128xi32, #tpu.memory_space<vmem>>) semaphore(%arg18 : memref<!tpu.dma_semaphore, #tpu.memory_space<semaphore_mem>>)
    %dma_start3A_103 = arith.constant 8 : i32
    %dma_start3A_104 = arith.constant 8 : i32
    %dma_start3A_105 = arith.constant 0 : i32
    %dma_start3A_106 = arith.constant 0 : i32
    %dma_start3A_107 = tpu.memref_slice %arg8[%dma_start3A_104, %dma_start3A_105, %dma_start3A_106] : memref<10x128x16xf32, #tpu.memory_space<vmem>> -> memref<1x128x16xf32, #tpu.memory_space<vmem>>
    %dma_start3A_108 = tpu.memref_squeeze %dma_start3A_107 : memref<1x128x16xf32, #tpu.memory_space<vmem>> -> memref<128x16xf32, #tpu.memory_space<vmem>>
    %dma_start3A_109 = arith.constant 0 : i32
    %dma_start3A_110 = tpu.memref_slice %arg6[%dma_start3A_103, %dma_start3A_109] : memref<40x128xi32, #tpu.memory_space<vmem>> -> memref<1x128xi32, #tpu.memory_space<vmem>>
    %dma_start3A_111 = tpu.memref_squeeze %dma_start3A_110 : memref<1x128xi32, #tpu.memory_space<vmem>> -> memref<128xi32, #tpu.memory_space<vmem>>
    %dma_start3A_112 = arith.constant 0 : i32
    %dma_start3A_113 = arith.constant 0 : i32
    %dma_start3A_114 = tpu.memref_slice %arg2[%dma_start3A_112, %dma_start3A_113] : memref<10000x16xf32, #tpu.memory_space<hbm>> -> memref<10000x16xf32, #tpu.memory_space<hbm>>
    tpu.enqueue_indirect_dma source(%dma_start3A_114 : memref<10000x16xf32, #tpu.memory_space<hbm>>) target(%dma_start3A_108 : memref<128x16xf32, #tpu.memory_space<vmem>>) offsets(%dma_start3A_111 : memref<128xi32, #tpu.memory_space<vmem>>) semaphore(%arg19 : memref<!tpu.dma_semaphore, #tpu.memory_space<semaphore_mem>>)
    %dma_start3A_115 = arith.constant 9 : i32
    %dma_start3A_116 = arith.constant 9 : i32
    %dma_start3A_117 = arith.constant 0 : i32
    %dma_start3A_118 = arith.constant 0 : i32
    %dma_start3A_119 = tpu.memref_slice %arg8[%dma_start3A_116, %dma_start3A_117, %dma_start3A_118] : memref<10x128x16xf32, #tpu.memory_space<vmem>> -> memref<1x128x16xf32, #tpu.memory_space<vmem>>
    %dma_start3A_120 = tpu.memref_squeeze %dma_start3A_119 : memref<1x128x16xf32, #tpu.memory_space<vmem>> -> memref<128x16xf32, #tpu.memory_space<vmem>>
    %dma_start3A_121 = arith.constant 0 : i32
    %dma_start3A_122 = tpu.memref_slice %arg6[%dma_start3A_115, %dma_start3A_121] : memref<40x128xi32, #tpu.memory_space<vmem>> -> memref<1x128xi32, #tpu.memory_space<vmem>>
    %dma_start3A_123 = tpu.memref_squeeze %dma_start3A_122 : memref<1x128xi32, #tpu.memory_space<vmem>> -> memref<128xi32, #tpu.memory_space<vmem>>
    %dma_start3A_124 = arith.constant 0 : i32
    %dma_start3A_125 = arith.constant 0 : i32
    %dma_start3A_126 = tpu.memref_slice %arg2[%dma_start3A_124, %dma_start3A_125] : memref<10000x16xf32, #tpu.memory_space<hbm>> -> memref<10000x16xf32, #tpu.memory_space<hbm>>
    tpu.enqueue_indirect_dma source(%dma_start3A_126 : memref<10000x16xf32, #tpu.memory_space<hbm>>) target(%dma_start3A_120 : memref<128x16xf32, #tpu.memory_space<vmem>>) offsets(%dma_start3A_123 : memref<128xi32, #tpu.memory_space<vmem>>) semaphore(%arg20 : memref<!tpu.dma_semaphore, #tpu.memory_space<semaphore_mem>>)
    %scan3A_127 = arith.constant 0 : i32
    %scan3A_128 = arith.constant 0 : i32
    %scan3A_129 = arith.constant 4 : i32
    %scan3A_130 = arith.addi %scan3A_128, %scan3A_129 : i32
    %scan3A_131 = arith.constant 1 : i32
    scf.for %scan3A_138 = %scan3A_128 to %scan3A_130 step %scan3A_131  : i32 {
      %mul3A_139 = arith.constant 10 : i32
      %mul3A_140 = arith.muli %scan3A_138, %mul3A_139 : i32
      %add3A_141 = arith.constant 0 : i32
      %add3A_142 = arith.addi %mul3A_140, %add3A_141 : i32
      %dma_wait3A = arith.constant 0 : i32
      %dma_wait3A_143 = arith.constant 0 : i32
      %dma_wait3A_144 = arith.constant 0 : i32
      %dma_wait3A_145 = tpu.memref_slice %arg8[%dma_wait3A, %dma_wait3A_143, %dma_wait3A_144] : memref<10x128x16xf32, #tpu.memory_space<vmem>> -> memref<1x128x16xf32, #tpu.memory_space<vmem>>
      %dma_wait3A_146 = tpu.memref_squeeze %dma_wait3A_145 : memref<1x128x16xf32, #tpu.memory_space<vmem>> -> memref<128x16xf32, #tpu.memory_space<vmem>>
      %dma_wait3A_147 = arith.constant 0 : i32
      %dma_wait3A_148 = tpu.memref_slice %arg6[%add3A_142, %dma_wait3A_147] : memref<40x128xi32, #tpu.memory_space<vmem>> -> memref<1x128xi32, #tpu.memory_space<vmem>>
      %dma_wait3A_149 = tpu.memref_squeeze %dma_wait3A_148 : memref<1x128xi32, #tpu.memory_space<vmem>> -> memref<128xi32, #tpu.memory_space<vmem>>
      %dma_wait3A_150 = arith.constant 0 : i32
      %dma_wait3A_151 = arith.constant 0 : i32
      %dma_wait3A_152 = tpu.memref_slice %arg2[%dma_wait3A_150, %dma_wait3A_151] : memref<10000x16xf32, #tpu.memory_space<hbm>> -> memref<10000x16xf32, #tpu.memory_space<hbm>>
      tpu.wait_indirect_dma semaphore(%arg11 : memref<!tpu.dma_semaphore, #tpu.memory_space<semaphore_mem>>) src(%dma_wait3A_152 : memref<10000x16xf32, #tpu.memory_space<hbm>>) dst(%dma_wait3A_146 : memref<128x16xf32, #tpu.memory_space<vmem>>)
      %run_scoped3A = arith.constant 0 : i32
      "tpu.region"() ({
        %run_scoped3A_364 = tpu.sem_alloc : memref<!tpu.dma_semaphore, #tpu.memory_space<semaphore_mem>>
        %dma_start3A_365 = arith.constant 0 : i32
        %dma_start3A_366 = arith.constant 0 : i32
        %dma_start3A_367 = tpu.memref_slice %arg8[%run_scoped3A, %dma_start3A_365, %dma_start3A_366] : memref<10x128x16xf32, #tpu.memory_space<vmem>> -> memref<1x128x16xf32, #tpu.memory_space<vmem>>
        %dma_start3A_368 = tpu.memref_squeeze %dma_start3A_367 : memref<1x128x16xf32, #tpu.memory_space<vmem>> -> memref<128x16xf32, #tpu.memory_space<vmem>>
        %dma_start3A_369 = arith.constant 0 : i32
        %dma_start3A_370 = tpu.memref_slice %arg7[%add3A_142, %dma_start3A_369] : memref<40x128xi32, #tpu.memory_space<vmem>> -> memref<1x128xi32, #tpu.memory_space<vmem>>
        %dma_start3A_371 = tpu.memref_squeeze %dma_start3A_370 : memref<1x128xi32, #tpu.memory_space<vmem>> -> memref<128xi32, #tpu.memory_space<vmem>>
        %dma_start3A_372 = arith.constant 0 : i32
        %dma_start3A_373 = arith.constant 0 : i32
        %dma_start3A_374 = tpu.memref_slice %arg10[%dma_start3A_372, %dma_start3A_373] : memref<10112x16xf32, #tpu.memory_space<vmem_shared>> -> memref<10112x16xf32, #tpu.memory_space<vmem_shared>>
        tpu.enqueue_indirect_dma source(%dma_start3A_368 : memref<128x16xf32, #tpu.memory_space<vmem>>) target(%dma_start3A_374 : memref<10112x16xf32, #tpu.memory_space<vmem_shared>>) offsets(%dma_start3A_371 : memref<128xi32, #tpu.memory_space<vmem>>) semaphore(%run_scoped3A_364 : memref<!tpu.dma_semaphore, #tpu.memory_space<semaphore_mem>>) {add = true}
        %dma_wait3A_375 = arith.constant 0 : i32
        %dma_wait3A_376 = arith.constant 0 : i32
        %dma_wait3A_377 = tpu.memref_slice %arg8[%run_scoped3A, %dma_wait3A_375, %dma_wait3A_376] : memref<10x128x16xf32, #tpu.memory_space<vmem>> -> memref<1x128x16xf32, #tpu.memory_space<vmem>>
        %dma_wait3A_378 = tpu.memref_squeeze %dma_wait3A_377 : memref<1x128x16xf32, #tpu.memory_space<vmem>> -> memref<128x16xf32, #tpu.memory_space<vmem>>
        %dma_wait3A_379 = arith.constant 0 : i32
        %dma_wait3A_380 = tpu.memref_slice %arg7[%add3A_142, %dma_wait3A_379] : memref<40x128xi32, #tpu.memory_space<vmem>> -> memref<1x128xi32, #tpu.memory_space<vmem>>
        %dma_wait3A_381 = tpu.memref_squeeze %dma_wait3A_380 : memref<1x128xi32, #tpu.memory_space<vmem>> -> memref<128xi32, #tpu.memory_space<vmem>>
        %dma_wait3A_382 = arith.constant 0 : i32
        %dma_wait3A_383 = arith.constant 0 : i32
        %dma_wait3A_384 = tpu.memref_slice %arg10[%dma_wait3A_382, %dma_wait3A_383] : memref<10112x16xf32, #tpu.memory_space<vmem_shared>> -> memref<10112x16xf32, #tpu.memory_space<vmem_shared>>
        tpu.wait_indirect_dma semaphore(%run_scoped3A_364 : memref<!tpu.dma_semaphore, #tpu.memory_space<semaphore_mem>>) src(%dma_wait3A_378 : memref<128x16xf32, #tpu.memory_space<vmem>>) dst(%dma_wait3A_384 : memref<10112x16xf32, #tpu.memory_space<vmem_shared>>)
        tpu.yield
      }) : () -> ()
      %add3A_153 = arith.constant 10 : i32
      %add3A_154 = arith.addi %add3A_142, %add3A_153 : i32
      %lt3A = arith.constant 40 : i32
      %lt3A_155 = arith.cmpi slt, %add3A_154, %lt3A : i32
      %convert_element_type3A = arith.extui %lt3A_155 : i1 to i32
      %cond3A = arith.constant 0 : i32
      %cond3A_156 = arith.cmpi ne, %convert_element_type3A, %cond3A : i32
      scf.if %cond3A_156 {
        %dma_start3A_364 = arith.constant 0 : i32
        %dma_start3A_365 = arith.constant 0 : i32
        %dma_start3A_366 = arith.constant 0 : i32
        %dma_start3A_367 = tpu.memref_slice %arg8[%dma_start3A_364, %dma_start3A_365, %dma_start3A_366] : memref<10x128x16xf32, #tpu.memory_space<vmem>> -> memref<1x128x16xf32, #tpu.memory_space<vmem>>
        %dma_start3A_368 = tpu.memref_squeeze %dma_start3A_367 : memref<1x128x16xf32, #tpu.memory_space<vmem>> -> memref<128x16xf32, #tpu.memory_space<vmem>>
        %dma_start3A_369 = arith.constant 0 : i32
        %dma_start3A_370 = tpu.memref_slice %arg6[%add3A_154, %dma_start3A_369] : memref<40x128xi32, #tpu.memory_space<vmem>> -> memref<1x128xi32, #tpu.memory_space<vmem>>
        %dma_start3A_371 = tpu.memref_squeeze %dma_start3A_370 : memref<1x128xi32, #tpu.memory_space<vmem>> -> memref<128xi32, #tpu.memory_space<vmem>>
        %dma_start3A_372 = arith.constant 0 : i32
        %dma_start3A_373 = arith.constant 0 : i32
        %dma_start3A_374 = tpu.memref_slice %arg2[%dma_start3A_372, %dma_start3A_373] : memref<10000x16xf32, #tpu.memory_space<hbm>> -> memref<10000x16xf32, #tpu.memory_space<hbm>>
        tpu.enqueue_indirect_dma source(%dma_start3A_374 : memref<10000x16xf32, #tpu.memory_space<hbm>>) target(%dma_start3A_368 : memref<128x16xf32, #tpu.memory_space<vmem>>) offsets(%dma_start3A_371 : memref<128xi32, #tpu.memory_space<vmem>>) semaphore(%arg11 : memref<!tpu.dma_semaphore, #tpu.memory_space<semaphore_mem>>)
      } else {
      }
      %mul3A_157 = arith.constant 10 : i32
      %mul3A_158 = arith.muli %scan3A_138, %mul3A_157 : i32
      %add3A_159 = arith.constant 1 : i32
      %add3A_160 = arith.addi %mul3A_158, %add3A_159 : i32
      %dma_wait3A_161 = arith.constant 1 : i32
      %dma_wait3A_162 = arith.constant 0 : i32
      %dma_wait3A_163 = arith.constant 0 : i32
      %dma_wait3A_164 = tpu.memref_slice %arg8[%dma_wait3A_161, %dma_wait3A_162, %dma_wait3A_163] : memref<10x128x16xf32, #tpu.memory_space<vmem>> -> memref<1x128x16xf32, #tpu.memory_space<vmem>>
      %dma_wait3A_165 = tpu.memref_squeeze %dma_wait3A_164 : memref<1x128x16xf32, #tpu.memory_space<vmem>> -> memref<128x16xf32, #tpu.memory_space<vmem>>
      %dma_wait3A_166 = arith.constant 0 : i32
      %dma_wait3A_167 = tpu.memref_slice %arg6[%add3A_160, %dma_wait3A_166] : memref<40x128xi32, #tpu.memory_space<vmem>> -> memref<1x128xi32, #tpu.memory_space<vmem>>
      %dma_wait3A_168 = tpu.memref_squeeze %dma_wait3A_167 : memref<1x128xi32, #tpu.memory_space<vmem>> -> memref<128xi32, #tpu.memory_space<vmem>>
      %dma_wait3A_169 = arith.constant 0 : i32
      %dma_wait3A_170 = arith.constant 0 : i32
      %dma_wait3A_171 = tpu.memref_slice %arg2[%dma_wait3A_169, %dma_wait3A_170] : memref<10000x16xf32, #tpu.memory_space<hbm>> -> memref<10000x16xf32, #tpu.memory_space<hbm>>
      tpu.wait_indirect_dma semaphore(%arg12 : memref<!tpu.dma_semaphore, #tpu.memory_space<semaphore_mem>>) src(%dma_wait3A_171 : memref<10000x16xf32, #tpu.memory_space<hbm>>) dst(%dma_wait3A_165 : memref<128x16xf32, #tpu.memory_space<vmem>>)
      %run_scoped3A_172 = arith.constant 1 : i32
      "tpu.region"() ({
        %run_scoped3A_364 = tpu.sem_alloc : memref<!tpu.dma_semaphore, #tpu.memory_space<semaphore_mem>>
        %dma_start3A_365 = arith.constant 0 : i32
        %dma_start3A_366 = arith.constant 0 : i32
        %dma_start3A_367 = tpu.memref_slice %arg8[%run_scoped3A_172, %dma_start3A_365, %dma_start3A_366] : memref<10x128x16xf32, #tpu.memory_space<vmem>> -> memref<1x128x16xf32, #tpu.memory_space<vmem>>
        %dma_start3A_368 = tpu.memref_squeeze %dma_start3A_367 : memref<1x128x16xf32, #tpu.memory_space<vmem>> -> memref<128x16xf32, #tpu.memory_space<vmem>>
        %dma_start3A_369 = arith.constant 0 : i32
        %dma_start3A_370 = tpu.memref_slice %arg7[%add3A_160, %dma_start3A_369] : memref<40x128xi32, #tpu.memory_space<vmem>> -> memref<1x128xi32, #tpu.memory_space<vmem>>
        %dma_start3A_371 = tpu.memref_squeeze %dma_start3A_370 : memref<1x128xi32, #tpu.memory_space<vmem>> -> memref<128xi32, #tpu.memory_space<vmem>>
        %dma_start3A_372 = arith.constant 0 : i32
        %dma_start3A_373 = arith.constant 0 : i32
        %dma_start3A_374 = tpu.memref_slice %arg10[%dma_start3A_372, %dma_start3A_373] : memref<10112x16xf32, #tpu.memory_space<vmem_shared>> -> memref<10112x16xf32, #tpu.memory_space<vmem_shared>>
        tpu.enqueue_indirect_dma source(%dma_start3A_368 : memref<128x16xf32, #tpu.memory_space<vmem>>) target(%dma_start3A_374 : memref<10112x16xf32, #tpu.memory_space<vmem_shared>>) offsets(%dma_start3A_371 : memref<128xi32, #tpu.memory_space<vmem>>) semaphore(%run_scoped3A_364 : memref<!tpu.dma_semaphore, #tpu.memory_space<semaphore_mem>>) {add = true}
        %dma_wait3A_375 = arith.constant 0 : i32
        %dma_wait3A_376 = arith.constant 0 : i32
        %dma_wait3A_377 = tpu.memref_slice %arg8[%run_scoped3A_172, %dma_wait3A_375, %dma_wait3A_376] : memref<10x128x16xf32, #tpu.memory_space<vmem>> -> memref<1x128x16xf32, #tpu.memory_space<vmem>>
        %dma_wait3A_378 = tpu.memref_squeeze %dma_wait3A_377 : memref<1x128x16xf32, #tpu.memory_space<vmem>> -> memref<128x16xf32, #tpu.memory_space<vmem>>
        %dma_wait3A_379 = arith.constant 0 : i32
        %dma_wait3A_380 = tpu.memref_slice %arg7[%add3A_160, %dma_wait3A_379] : memref<40x128xi32, #tpu.memory_space<vmem>> -> memref<1x128xi32, #tpu.memory_space<vmem>>
        %dma_wait3A_381 = tpu.memref_squeeze %dma_wait3A_380 : memref<1x128xi32, #tpu.memory_space<vmem>> -> memref<128xi32, #tpu.memory_space<vmem>>
        %dma_wait3A_382 = arith.constant 0 : i32
        %dma_wait3A_383 = arith.constant 0 : i32
        %dma_wait3A_384 = tpu.memref_slice %arg10[%dma_wait3A_382, %dma_wait3A_383] : memref<10112x16xf32, #tpu.memory_space<vmem_shared>> -> memref<10112x16xf32, #tpu.memory_space<vmem_shared>>
        tpu.wait_indirect_dma semaphore(%run_scoped3A_364 : memref<!tpu.dma_semaphore, #tpu.memory_space<semaphore_mem>>) src(%dma_wait3A_378 : memref<128x16xf32, #tpu.memory_space<vmem>>) dst(%dma_wait3A_384 : memref<10112x16xf32, #tpu.memory_space<vmem_shared>>)
        tpu.yield
      }) : () -> ()
      %add3A_173 = arith.constant 10 : i32
      %add3A_174 = arith.addi %add3A_160, %add3A_173 : i32
      %lt3A_175 = arith.constant 40 : i32
      %lt3A_176 = arith.cmpi slt, %add3A_174, %lt3A_175 : i32
      %convert_element_type3A_177 = arith.extui %lt3A_176 : i1 to i32
      %cond3A_178 = arith.constant 0 : i32
      %cond3A_179 = arith.cmpi ne, %convert_element_type3A_177, %cond3A_178 : i32
      scf.if %cond3A_179 {
        %dma_start3A_364 = arith.constant 1 : i32
        %dma_start3A_365 = arith.constant 0 : i32
        %dma_start3A_366 = arith.constant 0 : i32
        %dma_start3A_367 = tpu.memref_slice %arg8[%dma_start3A_364, %dma_start3A_365, %dma_start3A_366] : memref<10x128x16xf32, #tpu.memory_space<vmem>> -> memref<1x128x16xf32, #tpu.memory_space<vmem>>
        %dma_start3A_368 = tpu.memref_squeeze %dma_start3A_367 : memref<1x128x16xf32, #tpu.memory_space<vmem>> -> memref<128x16xf32, #tpu.memory_space<vmem>>
        %dma_start3A_369 = arith.constant 0 : i32
        %dma_start3A_370 = tpu.memref_slice %arg6[%add3A_174, %dma_start3A_369] : memref<40x128xi32, #tpu.memory_space<vmem>> -> memref<1x128xi32, #tpu.memory_space<vmem>>
        %dma_start3A_371 = tpu.memref_squeeze %dma_start3A_370 : memref<1x128xi32, #tpu.memory_space<vmem>> -> memref<128xi32, #tpu.memory_space<vmem>>
        %dma_start3A_372 = arith.constant 0 : i32
        %dma_start3A_373 = arith.constant 0 : i32
        %dma_start3A_374 = tpu.memref_slice %arg2[%dma_start3A_372, %dma_start3A_373] : memref<10000x16xf32, #tpu.memory_space<hbm>> -> memref<10000x16xf32, #tpu.memory_space<hbm>>
        tpu.enqueue_indirect_dma source(%dma_start3A_374 : memref<10000x16xf32, #tpu.memory_space<hbm>>) target(%dma_start3A_368 : memref<128x16xf32, #tpu.memory_space<vmem>>) offsets(%dma_start3A_371 : memref<128xi32, #tpu.memory_space<vmem>>) semaphore(%arg12 : memref<!tpu.dma_semaphore, #tpu.memory_space<semaphore_mem>>)
      } else {
      }
      %mul3A_180 = arith.constant 10 : i32
      %mul3A_181 = arith.muli %scan3A_138, %mul3A_180 : i32
      %add3A_182 = arith.constant 2 : i32
      %add3A_183 = arith.addi %mul3A_181, %add3A_182 : i32
      %dma_wait3A_184 = arith.constant 2 : i32
      %dma_wait3A_185 = arith.constant 0 : i32
      %dma_wait3A_186 = arith.constant 0 : i32
      %dma_wait3A_187 = tpu.memref_slice %arg8[%dma_wait3A_184, %dma_wait3A_185, %dma_wait3A_186] : memref<10x128x16xf32, #tpu.memory_space<vmem>> -> memref<1x128x16xf32, #tpu.memory_space<vmem>>
      %dma_wait3A_188 = tpu.memref_squeeze %dma_wait3A_187 : memref<1x128x16xf32, #tpu.memory_space<vmem>> -> memref<128x16xf32, #tpu.memory_space<vmem>>
      %dma_wait3A_189 = arith.constant 0 : i32
      %dma_wait3A_190 = tpu.memref_slice %arg6[%add3A_183, %dma_wait3A_189] : memref<40x128xi32, #tpu.memory_space<vmem>> -> memref<1x128xi32, #tpu.memory_space<vmem>>
      %dma_wait3A_191 = tpu.memref_squeeze %dma_wait3A_190 : memref<1x128xi32, #tpu.memory_space<vmem>> -> memref<128xi32, #tpu.memory_space<vmem>>
      %dma_wait3A_192 = arith.constant 0 : i32
      %dma_wait3A_193 = arith.constant 0 : i32
      %dma_wait3A_194 = tpu.memref_slice %arg2[%dma_wait3A_192, %dma_wait3A_193] : memref<10000x16xf32, #tpu.memory_space<hbm>> -> memref<10000x16xf32, #tpu.memory_space<hbm>>
      tpu.wait_indirect_dma semaphore(%arg13 : memref<!tpu.dma_semaphore, #tpu.memory_space<semaphore_mem>>) src(%dma_wait3A_194 : memref<10000x16xf32, #tpu.memory_space<hbm>>) dst(%dma_wait3A_188 : memref<128x16xf32, #tpu.memory_space<vmem>>)
      %run_scoped3A_195 = arith.constant 2 : i32
      "tpu.region"() ({
        %run_scoped3A_364 = tpu.sem_alloc : memref<!tpu.dma_semaphore, #tpu.memory_space<semaphore_mem>>
        %dma_start3A_365 = arith.constant 0 : i32
        %dma_start3A_366 = arith.constant 0 : i32
        %dma_start3A_367 = tpu.memref_slice %arg8[%run_scoped3A_195, %dma_start3A_365, %dma_start3A_366] : memref<10x128x16xf32, #tpu.memory_space<vmem>> -> memref<1x128x16xf32, #tpu.memory_space<vmem>>
        %dma_start3A_368 = tpu.memref_squeeze %dma_start3A_367 : memref<1x128x16xf32, #tpu.memory_space<vmem>> -> memref<128x16xf32, #tpu.memory_space<vmem>>
        %dma_start3A_369 = arith.constant 0 : i32
        %dma_start3A_370 = tpu.memref_slice %arg7[%add3A_183, %dma_start3A_369] : memref<40x128xi32, #tpu.memory_space<vmem>> -> memref<1x128xi32, #tpu.memory_space<vmem>>
        %dma_start3A_371 = tpu.memref_squeeze %dma_start3A_370 : memref<1x128xi32, #tpu.memory_space<vmem>> -> memref<128xi32, #tpu.memory_space<vmem>>
        %dma_start3A_372 = arith.constant 0 : i32
        %dma_start3A_373 = arith.constant 0 : i32
        %dma_start3A_374 = tpu.memref_slice %arg10[%dma_start3A_372, %dma_start3A_373] : memref<10112x16xf32, #tpu.memory_space<vmem_shared>> -> memref<10112x16xf32, #tpu.memory_space<vmem_shared>>
        tpu.enqueue_indirect_dma source(%dma_start3A_368 : memref<128x16xf32, #tpu.memory_space<vmem>>) target(%dma_start3A_374 : memref<10112x16xf32, #tpu.memory_space<vmem_shared>>) offsets(%dma_start3A_371 : memref<128xi32, #tpu.memory_space<vmem>>) semaphore(%run_scoped3A_364 : memref<!tpu.dma_semaphore, #tpu.memory_space<semaphore_mem>>) {add = true}
        %dma_wait3A_375 = arith.constant 0 : i32
        %dma_wait3A_376 = arith.constant 0 : i32
        %dma_wait3A_377 = tpu.memref_slice %arg8[%run_scoped3A_195, %dma_wait3A_375, %dma_wait3A_376] : memref<10x128x16xf32, #tpu.memory_space<vmem>> -> memref<1x128x16xf32, #tpu.memory_space<vmem>>
        %dma_wait3A_378 = tpu.memref_squeeze %dma_wait3A_377 : memref<1x128x16xf32, #tpu.memory_space<vmem>> -> memref<128x16xf32, #tpu.memory_space<vmem>>
        %dma_wait3A_379 = arith.constant 0 : i32
        %dma_wait3A_380 = tpu.memref_slice %arg7[%add3A_183, %dma_wait3A_379] : memref<40x128xi32, #tpu.memory_space<vmem>> -> memref<1x128xi32, #tpu.memory_space<vmem>>
        %dma_wait3A_381 = tpu.memref_squeeze %dma_wait3A_380 : memref<1x128xi32, #tpu.memory_space<vmem>> -> memref<128xi32, #tpu.memory_space<vmem>>
        %dma_wait3A_382 = arith.constant 0 : i32
        %dma_wait3A_383 = arith.constant 0 : i32
        %dma_wait3A_384 = tpu.memref_slice %arg10[%dma_wait3A_382, %dma_wait3A_383] : memref<10112x16xf32, #tpu.memory_space<vmem_shared>> -> memref<10112x16xf32, #tpu.memory_space<vmem_shared>>
        tpu.wait_indirect_dma semaphore(%run_scoped3A_364 : memref<!tpu.dma_semaphore, #tpu.memory_space<semaphore_mem>>) src(%dma_wait3A_378 : memref<128x16xf32, #tpu.memory_space<vmem>>) dst(%dma_wait3A_384 : memref<10112x16xf32, #tpu.memory_space<vmem_shared>>)
        tpu.yield
      }) : () -> ()
      %add3A_196 = arith.constant 10 : i32
      %add3A_197 = arith.addi %add3A_183, %add3A_196 : i32
      %lt3A_198 = arith.constant 40 : i32
      %lt3A_199 = arith.cmpi slt, %add3A_197, %lt3A_198 : i32
      %convert_element_type3A_200 = arith.extui %lt3A_199 : i1 to i32
      %cond3A_201 = arith.constant 0 : i32
      %cond3A_202 = arith.cmpi ne, %convert_element_type3A_200, %cond3A_201 : i32
      scf.if %cond3A_202 {
        %dma_start3A_364 = arith.constant 2 : i32
        %dma_start3A_365 = arith.constant 0 : i32
        %dma_start3A_366 = arith.constant 0 : i32
        %dma_start3A_367 = tpu.memref_slice %arg8[%dma_start3A_364, %dma_start3A_365, %dma_start3A_366] : memref<10x128x16xf32, #tpu.memory_space<vmem>> -> memref<1x128x16xf32, #tpu.memory_space<vmem>>
        %dma_start3A_368 = tpu.memref_squeeze %dma_start3A_367 : memref<1x128x16xf32, #tpu.memory_space<vmem>> -> memref<128x16xf32, #tpu.memory_space<vmem>>
        %dma_start3A_369 = arith.constant 0 : i32
        %dma_start3A_370 = tpu.memref_slice %arg6[%add3A_197, %dma_start3A_369] : memref<40x128xi32, #tpu.memory_space<vmem>> -> memref<1x128xi32, #tpu.memory_space<vmem>>
        %dma_start3A_371 = tpu.memref_squeeze %dma_start3A_370 : memref<1x128xi32, #tpu.memory_space<vmem>> -> memref<128xi32, #tpu.memory_space<vmem>>
        %dma_start3A_372 = arith.constant 0 : i32
        %dma_start3A_373 = arith.constant 0 : i32
        %dma_start3A_374 = tpu.memref_slice %arg2[%dma_start3A_372, %dma_start3A_373] : memref<10000x16xf32, #tpu.memory_space<hbm>> -> memref<10000x16xf32, #tpu.memory_space<hbm>>
        tpu.enqueue_indirect_dma source(%dma_start3A_374 : memref<10000x16xf32, #tpu.memory_space<hbm>>) target(%dma_start3A_368 : memref<128x16xf32, #tpu.memory_space<vmem>>) offsets(%dma_start3A_371 : memref<128xi32, #tpu.memory_space<vmem>>) semaphore(%arg13 : memref<!tpu.dma_semaphore, #tpu.memory_space<semaphore_mem>>)
      } else {
      }
      %mul3A_203 = arith.constant 10 : i32
      %mul3A_204 = arith.muli %scan3A_138, %mul3A_203 : i32
      %add3A_205 = arith.constant 3 : i32
      %add3A_206 = arith.addi %mul3A_204, %add3A_205 : i32
      %dma_wait3A_207 = arith.constant 3 : i32
      %dma_wait3A_208 = arith.constant 0 : i32
      %dma_wait3A_209 = arith.constant 0 : i32
      %dma_wait3A_210 = tpu.memref_slice %arg8[%dma_wait3A_207, %dma_wait3A_208, %dma_wait3A_209] : memref<10x128x16xf32, #tpu.memory_space<vmem>> -> memref<1x128x16xf32, #tpu.memory_space<vmem>>
      %dma_wait3A_211 = tpu.memref_squeeze %dma_wait3A_210 : memref<1x128x16xf32, #tpu.memory_space<vmem>> -> memref<128x16xf32, #tpu.memory_space<vmem>>
      %dma_wait3A_212 = arith.constant 0 : i32
      %dma_wait3A_213 = tpu.memref_slice %arg6[%add3A_206, %dma_wait3A_212] : memref<40x128xi32, #tpu.memory_space<vmem>> -> memref<1x128xi32, #tpu.memory_space<vmem>>
      %dma_wait3A_214 = tpu.memref_squeeze %dma_wait3A_213 : memref<1x128xi32, #tpu.memory_space<vmem>> -> memref<128xi32, #tpu.memory_space<vmem>>
      %dma_wait3A_215 = arith.constant 0 : i32
      %dma_wait3A_216 = arith.constant 0 : i32
      %dma_wait3A_217 = tpu.memref_slice %arg2[%dma_wait3A_215, %dma_wait3A_216] : memref<10000x16xf32, #tpu.memory_space<hbm>> -> memref<10000x16xf32, #tpu.memory_space<hbm>>
      tpu.wait_indirect_dma semaphore(%arg14 : memref<!tpu.dma_semaphore, #tpu.memory_space<semaphore_mem>>) src(%dma_wait3A_217 : memref<10000x16xf32, #tpu.memory_space<hbm>>) dst(%dma_wait3A_211 : memref<128x16xf32, #tpu.memory_space<vmem>>)
      %run_scoped3A_218 = arith.constant 3 : i32
      "tpu.region"() ({
        %run_scoped3A_364 = tpu.sem_alloc : memref<!tpu.dma_semaphore, #tpu.memory_space<semaphore_mem>>
        %dma_start3A_365 = arith.constant 0 : i32
        %dma_start3A_366 = arith.constant 0 : i32
        %dma_start3A_367 = tpu.memref_slice %arg8[%run_scoped3A_218, %dma_start3A_365, %dma_start3A_366] : memref<10x128x16xf32, #tpu.memory_space<vmem>> -> memref<1x128x16xf32, #tpu.memory_space<vmem>>
        %dma_start3A_368 = tpu.memref_squeeze %dma_start3A_367 : memref<1x128x16xf32, #tpu.memory_space<vmem>> -> memref<128x16xf32, #tpu.memory_space<vmem>>
        %dma_start3A_369 = arith.constant 0 : i32
        %dma_start3A_370 = tpu.memref_slice %arg7[%add3A_206, %dma_start3A_369] : memref<40x128xi32, #tpu.memory_space<vmem>> -> memref<1x128xi32, #tpu.memory_space<vmem>>
        %dma_start3A_371 = tpu.memref_squeeze %dma_start3A_370 : memref<1x128xi32, #tpu.memory_space<vmem>> -> memref<128xi32, #tpu.memory_space<vmem>>
        %dma_start3A_372 = arith.constant 0 : i32
        %dma_start3A_373 = arith.constant 0 : i32
        %dma_start3A_374 = tpu.memref_slice %arg10[%dma_start3A_372, %dma_start3A_373] : memref<10112x16xf32, #tpu.memory_space<vmem_shared>> -> memref<10112x16xf32, #tpu.memory_space<vmem_shared>>
        tpu.enqueue_indirect_dma source(%dma_start3A_368 : memref<128x16xf32, #tpu.memory_space<vmem>>) target(%dma_start3A_374 : memref<10112x16xf32, #tpu.memory_space<vmem_shared>>) offsets(%dma_start3A_371 : memref<128xi32, #tpu.memory_space<vmem>>) semaphore(%run_scoped3A_364 : memref<!tpu.dma_semaphore, #tpu.memory_space<semaphore_mem>>) {add = true}
        %dma_wait3A_375 = arith.constant 0 : i32
        %dma_wait3A_376 = arith.constant 0 : i32
        %dma_wait3A_377 = tpu.memref_slice %arg8[%run_scoped3A_218, %dma_wait3A_375, %dma_wait3A_376] : memref<10x128x16xf32, #tpu.memory_space<vmem>> -> memref<1x128x16xf32, #tpu.memory_space<vmem>>
        %dma_wait3A_378 = tpu.memref_squeeze %dma_wait3A_377 : memref<1x128x16xf32, #tpu.memory_space<vmem>> -> memref<128x16xf32, #tpu.memory_space<vmem>>
        %dma_wait3A_379 = arith.constant 0 : i32
        %dma_wait3A_380 = tpu.memref_slice %arg7[%add3A_206, %dma_wait3A_379] : memref<40x128xi32, #tpu.memory_space<vmem>> -> memref<1x128xi32, #tpu.memory_space<vmem>>
        %dma_wait3A_381 = tpu.memref_squeeze %dma_wait3A_380 : memref<1x128xi32, #tpu.memory_space<vmem>> -> memref<128xi32, #tpu.memory_space<vmem>>
        %dma_wait3A_382 = arith.constant 0 : i32
        %dma_wait3A_383 = arith.constant 0 : i32
        %dma_wait3A_384 = tpu.memref_slice %arg10[%dma_wait3A_382, %dma_wait3A_383] : memref<10112x16xf32, #tpu.memory_space<vmem_shared>> -> memref<10112x16xf32, #tpu.memory_space<vmem_shared>>
        tpu.wait_indirect_dma semaphore(%run_scoped3A_364 : memref<!tpu.dma_semaphore, #tpu.memory_space<semaphore_mem>>) src(%dma_wait3A_378 : memref<128x16xf32, #tpu.memory_space<vmem>>) dst(%dma_wait3A_384 : memref<10112x16xf32, #tpu.memory_space<vmem_shared>>)
        tpu.yield
      }) : () -> ()
      %add3A_219 = arith.constant 10 : i32
      %add3A_220 = arith.addi %add3A_206, %add3A_219 : i32
      %lt3A_221 = arith.constant 40 : i32
      %lt3A_222 = arith.cmpi slt, %add3A_220, %lt3A_221 : i32
      %convert_element_type3A_223 = arith.extui %lt3A_222 : i1 to i32
      %cond3A_224 = arith.constant 0 : i32
      %cond3A_225 = arith.cmpi ne, %convert_element_type3A_223, %cond3A_224 : i32
      scf.if %cond3A_225 {
        %dma_start3A_364 = arith.constant 3 : i32
        %dma_start3A_365 = arith.constant 0 : i32
        %dma_start3A_366 = arith.constant 0 : i32
        %dma_start3A_367 = tpu.memref_slice %arg8[%dma_start3A_364, %dma_start3A_365, %dma_start3A_366] : memref<10x128x16xf32, #tpu.memory_space<vmem>> -> memref<1x128x16xf32, #tpu.memory_space<vmem>>
        %dma_start3A_368 = tpu.memref_squeeze %dma_start3A_367 : memref<1x128x16xf32, #tpu.memory_space<vmem>> -> memref<128x16xf32, #tpu.memory_space<vmem>>
        %dma_start3A_369 = arith.constant 0 : i32
        %dma_start3A_370 = tpu.memref_slice %arg6[%add3A_220, %dma_start3A_369] : memref<40x128xi32, #tpu.memory_space<vmem>> -> memref<1x128xi32, #tpu.memory_space<vmem>>
        %dma_start3A_371 = tpu.memref_squeeze %dma_start3A_370 : memref<1x128xi32, #tpu.memory_space<vmem>> -> memref<128xi32, #tpu.memory_space<vmem>>
        %dma_start3A_372 = arith.constant 0 : i32
        %dma_start3A_373 = arith.constant 0 : i32
        %dma_start3A_374 = tpu.memref_slice %arg2[%dma_start3A_372, %dma_start3A_373] : memref<10000x16xf32, #tpu.memory_space<hbm>> -> memref<10000x16xf32, #tpu.memory_space<hbm>>
        tpu.enqueue_indirect_dma source(%dma_start3A_374 : memref<10000x16xf32, #tpu.memory_space<hbm>>) target(%dma_start3A_368 : memref<128x16xf32, #tpu.memory_space<vmem>>) offsets(%dma_start3A_371 : memref<128xi32, #tpu.memory_space<vmem>>) semaphore(%arg14 : memref<!tpu.dma_semaphore, #tpu.memory_space<semaphore_mem>>)
      } else {
      }
      %mul3A_226 = arith.constant 10 : i32
      %mul3A_227 = arith.muli %scan3A_138, %mul3A_226 : i32
      %add3A_228 = arith.constant 4 : i32
      %add3A_229 = arith.addi %mul3A_227, %add3A_228 : i32
      %dma_wait3A_230 = arith.constant 4 : i32
      %dma_wait3A_231 = arith.constant 0 : i32
      %dma_wait3A_232 = arith.constant 0 : i32
      %dma_wait3A_233 = tpu.memref_slice %arg8[%dma_wait3A_230, %dma_wait3A_231, %dma_wait3A_232] : memref<10x128x16xf32, #tpu.memory_space<vmem>> -> memref<1x128x16xf32, #tpu.memory_space<vmem>>
      %dma_wait3A_234 = tpu.memref_squeeze %dma_wait3A_233 : memref<1x128x16xf32, #tpu.memory_space<vmem>> -> memref<128x16xf32, #tpu.memory_space<vmem>>
      %dma_wait3A_235 = arith.constant 0 : i32
      %dma_wait3A_236 = tpu.memref_slice %arg6[%add3A_229, %dma_wait3A_235] : memref<40x128xi32, #tpu.memory_space<vmem>> -> memref<1x128xi32, #tpu.memory_space<vmem>>
      %dma_wait3A_237 = tpu.memref_squeeze %dma_wait3A_236 : memref<1x128xi32, #tpu.memory_space<vmem>> -> memref<128xi32, #tpu.memory_space<vmem>>
      %dma_wait3A_238 = arith.constant 0 : i32
      %dma_wait3A_239 = arith.constant 0 : i32
      %dma_wait3A_240 = tpu.memref_slice %arg2[%dma_wait3A_238, %dma_wait3A_239] : memref<10000x16xf32, #tpu.memory_space<hbm>> -> memref<10000x16xf32, #tpu.memory_space<hbm>>
      tpu.wait_indirect_dma semaphore(%arg15 : memref<!tpu.dma_semaphore, #tpu.memory_space<semaphore_mem>>) src(%dma_wait3A_240 : memref<10000x16xf32, #tpu.memory_space<hbm>>) dst(%dma_wait3A_234 : memref<128x16xf32, #tpu.memory_space<vmem>>)
      %run_scoped3A_241 = arith.constant 4 : i32
      "tpu.region"() ({
        %run_scoped3A_364 = tpu.sem_alloc : memref<!tpu.dma_semaphore, #tpu.memory_space<semaphore_mem>>
        %dma_start3A_365 = arith.constant 0 : i32
        %dma_start3A_366 = arith.constant 0 : i32
        %dma_start3A_367 = tpu.memref_slice %arg8[%run_scoped3A_241, %dma_start3A_365, %dma_start3A_366] : memref<10x128x16xf32, #tpu.memory_space<vmem>> -> memref<1x128x16xf32, #tpu.memory_space<vmem>>
        %dma_start3A_368 = tpu.memref_squeeze %dma_start3A_367 : memref<1x128x16xf32, #tpu.memory_space<vmem>> -> memref<128x16xf32, #tpu.memory_space<vmem>>
        %dma_start3A_369 = arith.constant 0 : i32
        %dma_start3A_370 = tpu.memref_slice %arg7[%add3A_229, %dma_start3A_369] : memref<40x128xi32, #tpu.memory_space<vmem>> -> memref<1x128xi32, #tpu.memory_space<vmem>>
        %dma_start3A_371 = tpu.memref_squeeze %dma_start3A_370 : memref<1x128xi32, #tpu.memory_space<vmem>> -> memref<128xi32, #tpu.memory_space<vmem>>
        %dma_start3A_372 = arith.constant 0 : i32
        %dma_start3A_373 = arith.constant 0 : i32
        %dma_start3A_374 = tpu.memref_slice %arg10[%dma_start3A_372, %dma_start3A_373] : memref<10112x16xf32, #tpu.memory_space<vmem_shared>> -> memref<10112x16xf32, #tpu.memory_space<vmem_shared>>
        tpu.enqueue_indirect_dma source(%dma_start3A_368 : memref<128x16xf32, #tpu.memory_space<vmem>>) target(%dma_start3A_374 : memref<10112x16xf32, #tpu.memory_space<vmem_shared>>) offsets(%dma_start3A_371 : memref<128xi32, #tpu.memory_space<vmem>>) semaphore(%run_scoped3A_364 : memref<!tpu.dma_semaphore, #tpu.memory_space<semaphore_mem>>) {add = true}
        %dma_wait3A_375 = arith.constant 0 : i32
        %dma_wait3A_376 = arith.constant 0 : i32
        %dma_wait3A_377 = tpu.memref_slice %arg8[%run_scoped3A_241, %dma_wait3A_375, %dma_wait3A_376] : memref<10x128x16xf32, #tpu.memory_space<vmem>> -> memref<1x128x16xf32, #tpu.memory_space<vmem>>
        %dma_wait3A_378 = tpu.memref_squeeze %dma_wait3A_377 : memref<1x128x16xf32, #tpu.memory_space<vmem>> -> memref<128x16xf32, #tpu.memory_space<vmem>>
        %dma_wait3A_379 = arith.constant 0 : i32
        %dma_wait3A_380 = tpu.memref_slice %arg7[%add3A_229, %dma_wait3A_379] : memref<40x128xi32, #tpu.memory_space<vmem>> -> memref<1x128xi32, #tpu.memory_space<vmem>>
        %dma_wait3A_381 = tpu.memref_squeeze %dma_wait3A_380 : memref<1x128xi32, #tpu.memory_space<vmem>> -> memref<128xi32, #tpu.memory_space<vmem>>
        %dma_wait3A_382 = arith.constant 0 : i32
        %dma_wait3A_383 = arith.constant 0 : i32
        %dma_wait3A_384 = tpu.memref_slice %arg10[%dma_wait3A_382, %dma_wait3A_383] : memref<10112x16xf32, #tpu.memory_space<vmem_shared>> -> memref<10112x16xf32, #tpu.memory_space<vmem_shared>>
        tpu.wait_indirect_dma semaphore(%run_scoped3A_364 : memref<!tpu.dma_semaphore, #tpu.memory_space<semaphore_mem>>) src(%dma_wait3A_378 : memref<128x16xf32, #tpu.memory_space<vmem>>) dst(%dma_wait3A_384 : memref<10112x16xf32, #tpu.memory_space<vmem_shared>>)
        tpu.yield
      }) : () -> ()
      %add3A_242 = arith.constant 10 : i32
      %add3A_243 = arith.addi %add3A_229, %add3A_242 : i32
      %lt3A_244 = arith.constant 40 : i32
      %lt3A_245 = arith.cmpi slt, %add3A_243, %lt3A_244 : i32
      %convert_element_type3A_246 = arith.extui %lt3A_245 : i1 to i32
      %cond3A_247 = arith.constant 0 : i32
      %cond3A_248 = arith.cmpi ne, %convert_element_type3A_246, %cond3A_247 : i32
      scf.if %cond3A_248 {
        %dma_start3A_364 = arith.constant 4 : i32
        %dma_start3A_365 = arith.constant 0 : i32
        %dma_start3A_366 = arith.constant 0 : i32
        %dma_start3A_367 = tpu.memref_slice %arg8[%dma_start3A_364, %dma_start3A_365, %dma_start3A_366] : memref<10x128x16xf32, #tpu.memory_space<vmem>> -> memref<1x128x16xf32, #tpu.memory_space<vmem>>
        %dma_start3A_368 = tpu.memref_squeeze %dma_start3A_367 : memref<1x128x16xf32, #tpu.memory_space<vmem>> -> memref<128x16xf32, #tpu.memory_space<vmem>>
        %dma_start3A_369 = arith.constant 0 : i32
        %dma_start3A_370 = tpu.memref_slice %arg6[%add3A_243, %dma_start3A_369] : memref<40x128xi32, #tpu.memory_space<vmem>> -> memref<1x128xi32, #tpu.memory_space<vmem>>
        %dma_start3A_371 = tpu.memref_squeeze %dma_start3A_370 : memref<1x128xi32, #tpu.memory_space<vmem>> -> memref<128xi32, #tpu.memory_space<vmem>>
        %dma_start3A_372 = arith.constant 0 : i32
        %dma_start3A_373 = arith.constant 0 : i32
        %dma_start3A_374 = tpu.memref_slice %arg2[%dma_start3A_372, %dma_start3A_373] : memref<10000x16xf32, #tpu.memory_space<hbm>> -> memref<10000x16xf32, #tpu.memory_space<hbm>>
        tpu.enqueue_indirect_dma source(%dma_start3A_374 : memref<10000x16xf32, #tpu.memory_space<hbm>>) target(%dma_start3A_368 : memref<128x16xf32, #tpu.memory_space<vmem>>) offsets(%dma_start3A_371 : memref<128xi32, #tpu.memory_space<vmem>>) semaphore(%arg15 : memref<!tpu.dma_semaphore, #tpu.memory_space<semaphore_mem>>)
      } else {
      }
      %mul3A_249 = arith.constant 10 : i32
      %mul3A_250 = arith.muli %scan3A_138, %mul3A_249 : i32
      %add3A_251 = arith.constant 5 : i32
      %add3A_252 = arith.addi %mul3A_250, %add3A_251 : i32
      %dma_wait3A_253 = arith.constant 5 : i32
      %dma_wait3A_254 = arith.constant 0 : i32
      %dma_wait3A_255 = arith.constant 0 : i32
      %dma_wait3A_256 = tpu.memref_slice %arg8[%dma_wait3A_253, %dma_wait3A_254, %dma_wait3A_255] : memref<10x128x16xf32, #tpu.memory_space<vmem>> -> memref<1x128x16xf32, #tpu.memory_space<vmem>>
      %dma_wait3A_257 = tpu.memref_squeeze %dma_wait3A_256 : memref<1x128x16xf32, #tpu.memory_space<vmem>> -> memref<128x16xf32, #tpu.memory_space<vmem>>
      %dma_wait3A_258 = arith.constant 0 : i32
      %dma_wait3A_259 = tpu.memref_slice %arg6[%add3A_252, %dma_wait3A_258] : memref<40x128xi32, #tpu.memory_space<vmem>> -> memref<1x128xi32, #tpu.memory_space<vmem>>
      %dma_wait3A_260 = tpu.memref_squeeze %dma_wait3A_259 : memref<1x128xi32, #tpu.memory_space<vmem>> -> memref<128xi32, #tpu.memory_space<vmem>>
      %dma_wait3A_261 = arith.constant 0 : i32
      %dma_wait3A_262 = arith.constant 0 : i32
      %dma_wait3A_263 = tpu.memref_slice %arg2[%dma_wait3A_261, %dma_wait3A_262] : memref<10000x16xf32, #tpu.memory_space<hbm>> -> memref<10000x16xf32, #tpu.memory_space<hbm>>
      tpu.wait_indirect_dma semaphore(%arg16 : memref<!tpu.dma_semaphore, #tpu.memory_space<semaphore_mem>>) src(%dma_wait3A_263 : memref<10000x16xf32, #tpu.memory_space<hbm>>) dst(%dma_wait3A_257 : memref<128x16xf32, #tpu.memory_space<vmem>>)
      %run_scoped3A_264 = arith.constant 5 : i32
      "tpu.region"() ({
        %run_scoped3A_364 = tpu.sem_alloc : memref<!tpu.dma_semaphore, #tpu.memory_space<semaphore_mem>>
        %dma_start3A_365 = arith.constant 0 : i32
        %dma_start3A_366 = arith.constant 0 : i32
        %dma_start3A_367 = tpu.memref_slice %arg8[%run_scoped3A_264, %dma_start3A_365, %dma_start3A_366] : memref<10x128x16xf32, #tpu.memory_space<vmem>> -> memref<1x128x16xf32, #tpu.memory_space<vmem>>
        %dma_start3A_368 = tpu.memref_squeeze %dma_start3A_367 : memref<1x128x16xf32, #tpu.memory_space<vmem>> -> memref<128x16xf32, #tpu.memory_space<vmem>>
        %dma_start3A_369 = arith.constant 0 : i32
        %dma_start3A_370 = tpu.memref_slice %arg7[%add3A_252, %dma_start3A_369] : memref<40x128xi32, #tpu.memory_space<vmem>> -> memref<1x128xi32, #tpu.memory_space<vmem>>
        %dma_start3A_371 = tpu.memref_squeeze %dma_start3A_370 : memref<1x128xi32, #tpu.memory_space<vmem>> -> memref<128xi32, #tpu.memory_space<vmem>>
        %dma_start3A_372 = arith.constant 0 : i32
        %dma_start3A_373 = arith.constant 0 : i32
        %dma_start3A_374 = tpu.memref_slice %arg10[%dma_start3A_372, %dma_start3A_373] : memref<10112x16xf32, #tpu.memory_space<vmem_shared>> -> memref<10112x16xf32, #tpu.memory_space<vmem_shared>>
        tpu.enqueue_indirect_dma source(%dma_start3A_368 : memref<128x16xf32, #tpu.memory_space<vmem>>) target(%dma_start3A_374 : memref<10112x16xf32, #tpu.memory_space<vmem_shared>>) offsets(%dma_start3A_371 : memref<128xi32, #tpu.memory_space<vmem>>) semaphore(%run_scoped3A_364 : memref<!tpu.dma_semaphore, #tpu.memory_space<semaphore_mem>>) {add = true}
        %dma_wait3A_375 = arith.constant 0 : i32
        %dma_wait3A_376 = arith.constant 0 : i32
        %dma_wait3A_377 = tpu.memref_slice %arg8[%run_scoped3A_264, %dma_wait3A_375, %dma_wait3A_376] : memref<10x128x16xf32, #tpu.memory_space<vmem>> -> memref<1x128x16xf32, #tpu.memory_space<vmem>>
        %dma_wait3A_378 = tpu.memref_squeeze %dma_wait3A_377 : memref<1x128x16xf32, #tpu.memory_space<vmem>> -> memref<128x16xf32, #tpu.memory_space<vmem>>
        %dma_wait3A_379 = arith.constant 0 : i32
        %dma_wait3A_380 = tpu.memref_slice %arg7[%add3A_252, %dma_wait3A_379] : memref<40x128xi32, #tpu.memory_space<vmem>> -> memref<1x128xi32, #tpu.memory_space<vmem>>
        %dma_wait3A_381 = tpu.memref_squeeze %dma_wait3A_380 : memref<1x128xi32, #tpu.memory_space<vmem>> -> memref<128xi32, #tpu.memory_space<vmem>>
        %dma_wait3A_382 = arith.constant 0 : i32
        %dma_wait3A_383 = arith.constant 0 : i32
        %dma_wait3A_384 = tpu.memref_slice %arg10[%dma_wait3A_382, %dma_wait3A_383] : memref<10112x16xf32, #tpu.memory_space<vmem_shared>> -> memref<10112x16xf32, #tpu.memory_space<vmem_shared>>
        tpu.wait_indirect_dma semaphore(%run_scoped3A_364 : memref<!tpu.dma_semaphore, #tpu.memory_space<semaphore_mem>>) src(%dma_wait3A_378 : memref<128x16xf32, #tpu.memory_space<vmem>>) dst(%dma_wait3A_384 : memref<10112x16xf32, #tpu.memory_space<vmem_shared>>)
        tpu.yield
      }) : () -> ()
      %add3A_265 = arith.constant 10 : i32
      %add3A_266 = arith.addi %add3A_252, %add3A_265 : i32
      %lt3A_267 = arith.constant 40 : i32
      %lt3A_268 = arith.cmpi slt, %add3A_266, %lt3A_267 : i32
      %convert_element_type3A_269 = arith.extui %lt3A_268 : i1 to i32
      %cond3A_270 = arith.constant 0 : i32
      %cond3A_271 = arith.cmpi ne, %convert_element_type3A_269, %cond3A_270 : i32
      scf.if %cond3A_271 {
        %dma_start3A_364 = arith.constant 5 : i32
        %dma_start3A_365 = arith.constant 0 : i32
        %dma_start3A_366 = arith.constant 0 : i32
        %dma_start3A_367 = tpu.memref_slice %arg8[%dma_start3A_364, %dma_start3A_365, %dma_start3A_366] : memref<10x128x16xf32, #tpu.memory_space<vmem>> -> memref<1x128x16xf32, #tpu.memory_space<vmem>>
        %dma_start3A_368 = tpu.memref_squeeze %dma_start3A_367 : memref<1x128x16xf32, #tpu.memory_space<vmem>> -> memref<128x16xf32, #tpu.memory_space<vmem>>
        %dma_start3A_369 = arith.constant 0 : i32
        %dma_start3A_370 = tpu.memref_slice %arg6[%add3A_266, %dma_start3A_369] : memref<40x128xi32, #tpu.memory_space<vmem>> -> memref<1x128xi32, #tpu.memory_space<vmem>>
        %dma_start3A_371 = tpu.memref_squeeze %dma_start3A_370 : memref<1x128xi32, #tpu.memory_space<vmem>> -> memref<128xi32, #tpu.memory_space<vmem>>
        %dma_start3A_372 = arith.constant 0 : i32
        %dma_start3A_373 = arith.constant 0 : i32
        %dma_start3A_374 = tpu.memref_slice %arg2[%dma_start3A_372, %dma_start3A_373] : memref<10000x16xf32, #tpu.memory_space<hbm>> -> memref<10000x16xf32, #tpu.memory_space<hbm>>
        tpu.enqueue_indirect_dma source(%dma_start3A_374 : memref<10000x16xf32, #tpu.memory_space<hbm>>) target(%dma_start3A_368 : memref<128x16xf32, #tpu.memory_space<vmem>>) offsets(%dma_start3A_371 : memref<128xi32, #tpu.memory_space<vmem>>) semaphore(%arg16 : memref<!tpu.dma_semaphore, #tpu.memory_space<semaphore_mem>>)
      } else {
      }
      %mul3A_272 = arith.constant 10 : i32
      %mul3A_273 = arith.muli %scan3A_138, %mul3A_272 : i32
      %add3A_274 = arith.constant 6 : i32
      %add3A_275 = arith.addi %mul3A_273, %add3A_274 : i32
      %dma_wait3A_276 = arith.constant 6 : i32
      %dma_wait3A_277 = arith.constant 0 : i32
      %dma_wait3A_278 = arith.constant 0 : i32
      %dma_wait3A_279 = tpu.memref_slice %arg8[%dma_wait3A_276, %dma_wait3A_277, %dma_wait3A_278] : memref<10x128x16xf32, #tpu.memory_space<vmem>> -> memref<1x128x16xf32, #tpu.memory_space<vmem>>
      %dma_wait3A_280 = tpu.memref_squeeze %dma_wait3A_279 : memref<1x128x16xf32, #tpu.memory_space<vmem>> -> memref<128x16xf32, #tpu.memory_space<vmem>>
      %dma_wait3A_281 = arith.constant 0 : i32
      %dma_wait3A_282 = tpu.memref_slice %arg6[%add3A_275, %dma_wait3A_281] : memref<40x128xi32, #tpu.memory_space<vmem>> -> memref<1x128xi32, #tpu.memory_space<vmem>>
      %dma_wait3A_283 = tpu.memref_squeeze %dma_wait3A_282 : memref<1x128xi32, #tpu.memory_space<vmem>> -> memref<128xi32, #tpu.memory_space<vmem>>
      %dma_wait3A_284 = arith.constant 0 : i32
      %dma_wait3A_285 = arith.constant 0 : i32
      %dma_wait3A_286 = tpu.memref_slice %arg2[%dma_wait3A_284, %dma_wait3A_285] : memref<10000x16xf32, #tpu.memory_space<hbm>> -> memref<10000x16xf32, #tpu.memory_space<hbm>>
      tpu.wait_indirect_dma semaphore(%arg17 : memref<!tpu.dma_semaphore, #tpu.memory_space<semaphore_mem>>) src(%dma_wait3A_286 : memref<10000x16xf32, #tpu.memory_space<hbm>>) dst(%dma_wait3A_280 : memref<128x16xf32, #tpu.memory_space<vmem>>)
      %run_scoped3A_287 = arith.constant 6 : i32
      "tpu.region"() ({
        %run_scoped3A_364 = tpu.sem_alloc : memref<!tpu.dma_semaphore, #tpu.memory_space<semaphore_mem>>
        %dma_start3A_365 = arith.constant 0 : i32
        %dma_start3A_366 = arith.constant 0 : i32
        %dma_start3A_367 = tpu.memref_slice %arg8[%run_scoped3A_287, %dma_start3A_365, %dma_start3A_366] : memref<10x128x16xf32, #tpu.memory_space<vmem>> -> memref<1x128x16xf32, #tpu.memory_space<vmem>>
        %dma_start3A_368 = tpu.memref_squeeze %dma_start3A_367 : memref<1x128x16xf32, #tpu.memory_space<vmem>> -> memref<128x16xf32, #tpu.memory_space<vmem>>
        %dma_start3A_369 = arith.constant 0 : i32
        %dma_start3A_370 = tpu.memref_slice %arg7[%add3A_275, %dma_start3A_369] : memref<40x128xi32, #tpu.memory_space<vmem>> -> memref<1x128xi32, #tpu.memory_space<vmem>>
        %dma_start3A_371 = tpu.memref_squeeze %dma_start3A_370 : memref<1x128xi32, #tpu.memory_space<vmem>> -> memref<128xi32, #tpu.memory_space<vmem>>
        %dma_start3A_372 = arith.constant 0 : i32
        %dma_start3A_373 = arith.constant 0 : i32
        %dma_start3A_374 = tpu.memref_slice %arg10[%dma_start3A_372, %dma_start3A_373] : memref<10112x16xf32, #tpu.memory_space<vmem_shared>> -> memref<10112x16xf32, #tpu.memory_space<vmem_shared>>
        tpu.enqueue_indirect_dma source(%dma_start3A_368 : memref<128x16xf32, #tpu.memory_space<vmem>>) target(%dma_start3A_374 : memref<10112x16xf32, #tpu.memory_space<vmem_shared>>) offsets(%dma_start3A_371 : memref<128xi32, #tpu.memory_space<vmem>>) semaphore(%run_scoped3A_364 : memref<!tpu.dma_semaphore, #tpu.memory_space<semaphore_mem>>) {add = true}
        %dma_wait3A_375 = arith.constant 0 : i32
        %dma_wait3A_376 = arith.constant 0 : i32
        %dma_wait3A_377 = tpu.memref_slice %arg8[%run_scoped3A_287, %dma_wait3A_375, %dma_wait3A_376] : memref<10x128x16xf32, #tpu.memory_space<vmem>> -> memref<1x128x16xf32, #tpu.memory_space<vmem>>
        %dma_wait3A_378 = tpu.memref_squeeze %dma_wait3A_377 : memref<1x128x16xf32, #tpu.memory_space<vmem>> -> memref<128x16xf32, #tpu.memory_space<vmem>>
        %dma_wait3A_379 = arith.constant 0 : i32
        %dma_wait3A_380 = tpu.memref_slice %arg7[%add3A_275, %dma_wait3A_379] : memref<40x128xi32, #tpu.memory_space<vmem>> -> memref<1x128xi32, #tpu.memory_space<vmem>>
        %dma_wait3A_381 = tpu.memref_squeeze %dma_wait3A_380 : memref<1x128xi32, #tpu.memory_space<vmem>> -> memref<128xi32, #tpu.memory_space<vmem>>
        %dma_wait3A_382 = arith.constant 0 : i32
        %dma_wait3A_383 = arith.constant 0 : i32
        %dma_wait3A_384 = tpu.memref_slice %arg10[%dma_wait3A_382, %dma_wait3A_383] : memref<10112x16xf32, #tpu.memory_space<vmem_shared>> -> memref<10112x16xf32, #tpu.memory_space<vmem_shared>>
        tpu.wait_indirect_dma semaphore(%run_scoped3A_364 : memref<!tpu.dma_semaphore, #tpu.memory_space<semaphore_mem>>) src(%dma_wait3A_378 : memref<128x16xf32, #tpu.memory_space<vmem>>) dst(%dma_wait3A_384 : memref<10112x16xf32, #tpu.memory_space<vmem_shared>>)
        tpu.yield
      }) : () -> ()
      %add3A_288 = arith.constant 10 : i32
      %add3A_289 = arith.addi %add3A_275, %add3A_288 : i32
      %lt3A_290 = arith.constant 40 : i32
      %lt3A_291 = arith.cmpi slt, %add3A_289, %lt3A_290 : i32
      %convert_element_type3A_292 = arith.extui %lt3A_291 : i1 to i32
      %cond3A_293 = arith.constant 0 : i32
      %cond3A_294 = arith.cmpi ne, %convert_element_type3A_292, %cond3A_293 : i32
      scf.if %cond3A_294 {
        %dma_start3A_364 = arith.constant 6 : i32
        %dma_start3A_365 = arith.constant 0 : i32
        %dma_start3A_366 = arith.constant 0 : i32
        %dma_start3A_367 = tpu.memref_slice %arg8[%dma_start3A_364, %dma_start3A_365, %dma_start3A_366] : memref<10x128x16xf32, #tpu.memory_space<vmem>> -> memref<1x128x16xf32, #tpu.memory_space<vmem>>
        %dma_start3A_368 = tpu.memref_squeeze %dma_start3A_367 : memref<1x128x16xf32, #tpu.memory_space<vmem>> -> memref<128x16xf32, #tpu.memory_space<vmem>>
        %dma_start3A_369 = arith.constant 0 : i32
        %dma_start3A_370 = tpu.memref_slice %arg6[%add3A_289, %dma_start3A_369] : memref<40x128xi32, #tpu.memory_space<vmem>> -> memref<1x128xi32, #tpu.memory_space<vmem>>
        %dma_start3A_371 = tpu.memref_squeeze %dma_start3A_370 : memref<1x128xi32, #tpu.memory_space<vmem>> -> memref<128xi32, #tpu.memory_space<vmem>>
        %dma_start3A_372 = arith.constant 0 : i32
        %dma_start3A_373 = arith.constant 0 : i32
        %dma_start3A_374 = tpu.memref_slice %arg2[%dma_start3A_372, %dma_start3A_373] : memref<10000x16xf32, #tpu.memory_space<hbm>> -> memref<10000x16xf32, #tpu.memory_space<hbm>>
        tpu.enqueue_indirect_dma source(%dma_start3A_374 : memref<10000x16xf32, #tpu.memory_space<hbm>>) target(%dma_start3A_368 : memref<128x16xf32, #tpu.memory_space<vmem>>) offsets(%dma_start3A_371 : memref<128xi32, #tpu.memory_space<vmem>>) semaphore(%arg17 : memref<!tpu.dma_semaphore, #tpu.memory_space<semaphore_mem>>)
      } else {
      }
      %mul3A_295 = arith.constant 10 : i32
      %mul3A_296 = arith.muli %scan3A_138, %mul3A_295 : i32
      %add3A_297 = arith.constant 7 : i32
      %add3A_298 = arith.addi %mul3A_296, %add3A_297 : i32
      %dma_wait3A_299 = arith.constant 7 : i32
      %dma_wait3A_300 = arith.constant 0 : i32
      %dma_wait3A_301 = arith.constant 0 : i32
      %dma_wait3A_302 = tpu.memref_slice %arg8[%dma_wait3A_299, %dma_wait3A_300, %dma_wait3A_301] : memref<10x128x16xf32, #tpu.memory_space<vmem>> -> memref<1x128x16xf32, #tpu.memory_space<vmem>>
      %dma_wait3A_303 = tpu.memref_squeeze %dma_wait3A_302 : memref<1x128x16xf32, #tpu.memory_space<vmem>> -> memref<128x16xf32, #tpu.memory_space<vmem>>
      %dma_wait3A_304 = arith.constant 0 : i32
      %dma_wait3A_305 = tpu.memref_slice %arg6[%add3A_298, %dma_wait3A_304] : memref<40x128xi32, #tpu.memory_space<vmem>> -> memref<1x128xi32, #tpu.memory_space<vmem>>
      %dma_wait3A_306 = tpu.memref_squeeze %dma_wait3A_305 : memref<1x128xi32, #tpu.memory_space<vmem>> -> memref<128xi32, #tpu.memory_space<vmem>>
      %dma_wait3A_307 = arith.constant 0 : i32
      %dma_wait3A_308 = arith.constant 0 : i32
      %dma_wait3A_309 = tpu.memref_slice %arg2[%dma_wait3A_307, %dma_wait3A_308] : memref<10000x16xf32, #tpu.memory_space<hbm>> -> memref<10000x16xf32, #tpu.memory_space<hbm>>
      tpu.wait_indirect_dma semaphore(%arg18 : memref<!tpu.dma_semaphore, #tpu.memory_space<semaphore_mem>>) src(%dma_wait3A_309 : memref<10000x16xf32, #tpu.memory_space<hbm>>) dst(%dma_wait3A_303 : memref<128x16xf32, #tpu.memory_space<vmem>>)
      %run_scoped3A_310 = arith.constant 7 : i32
      "tpu.region"() ({
        %run_scoped3A_364 = tpu.sem_alloc : memref<!tpu.dma_semaphore, #tpu.memory_space<semaphore_mem>>
        %dma_start3A_365 = arith.constant 0 : i32
        %dma_start3A_366 = arith.constant 0 : i32
        %dma_start3A_367 = tpu.memref_slice %arg8[%run_scoped3A_310, %dma_start3A_365, %dma_start3A_366] : memref<10x128x16xf32, #tpu.memory_space<vmem>> -> memref<1x128x16xf32, #tpu.memory_space<vmem>>
        %dma_start3A_368 = tpu.memref_squeeze %dma_start3A_367 : memref<1x128x16xf32, #tpu.memory_space<vmem>> -> memref<128x16xf32, #tpu.memory_space<vmem>>
        %dma_start3A_369 = arith.constant 0 : i32
        %dma_start3A_370 = tpu.memref_slice %arg7[%add3A_298, %dma_start3A_369] : memref<40x128xi32, #tpu.memory_space<vmem>> -> memref<1x128xi32, #tpu.memory_space<vmem>>
        %dma_start3A_371 = tpu.memref_squeeze %dma_start3A_370 : memref<1x128xi32, #tpu.memory_space<vmem>> -> memref<128xi32, #tpu.memory_space<vmem>>
        %dma_start3A_372 = arith.constant 0 : i32
        %dma_start3A_373 = arith.constant 0 : i32
        %dma_start3A_374 = tpu.memref_slice %arg10[%dma_start3A_372, %dma_start3A_373] : memref<10112x16xf32, #tpu.memory_space<vmem_shared>> -> memref<10112x16xf32, #tpu.memory_space<vmem_shared>>
        tpu.enqueue_indirect_dma source(%dma_start3A_368 : memref<128x16xf32, #tpu.memory_space<vmem>>) target(%dma_start3A_374 : memref<10112x16xf32, #tpu.memory_space<vmem_shared>>) offsets(%dma_start3A_371 : memref<128xi32, #tpu.memory_space<vmem>>) semaphore(%run_scoped3A_364 : memref<!tpu.dma_semaphore, #tpu.memory_space<semaphore_mem>>) {add = true}
        %dma_wait3A_375 = arith.constant 0 : i32
        %dma_wait3A_376 = arith.constant 0 : i32
        %dma_wait3A_377 = tpu.memref_slice %arg8[%run_scoped3A_310, %dma_wait3A_375, %dma_wait3A_376] : memref<10x128x16xf32, #tpu.memory_space<vmem>> -> memref<1x128x16xf32, #tpu.memory_space<vmem>>
        %dma_wait3A_378 = tpu.memref_squeeze %dma_wait3A_377 : memref<1x128x16xf32, #tpu.memory_space<vmem>> -> memref<128x16xf32, #tpu.memory_space<vmem>>
        %dma_wait3A_379 = arith.constant 0 : i32
        %dma_wait3A_380 = tpu.memref_slice %arg7[%add3A_298, %dma_wait3A_379] : memref<40x128xi32, #tpu.memory_space<vmem>> -> memref<1x128xi32, #tpu.memory_space<vmem>>
        %dma_wait3A_381 = tpu.memref_squeeze %dma_wait3A_380 : memref<1x128xi32, #tpu.memory_space<vmem>> -> memref<128xi32, #tpu.memory_space<vmem>>
        %dma_wait3A_382 = arith.constant 0 : i32
        %dma_wait3A_383 = arith.constant 0 : i32
        %dma_wait3A_384 = tpu.memref_slice %arg10[%dma_wait3A_382, %dma_wait3A_383] : memref<10112x16xf32, #tpu.memory_space<vmem_shared>> -> memref<10112x16xf32, #tpu.memory_space<vmem_shared>>
        tpu.wait_indirect_dma semaphore(%run_scoped3A_364 : memref<!tpu.dma_semaphore, #tpu.memory_space<semaphore_mem>>) src(%dma_wait3A_378 : memref<128x16xf32, #tpu.memory_space<vmem>>) dst(%dma_wait3A_384 : memref<10112x16xf32, #tpu.memory_space<vmem_shared>>)
        tpu.yield
      }) : () -> ()
      %add3A_311 = arith.constant 10 : i32
      %add3A_312 = arith.addi %add3A_298, %add3A_311 : i32
      %lt3A_313 = arith.constant 40 : i32
      %lt3A_314 = arith.cmpi slt, %add3A_312, %lt3A_313 : i32
      %convert_element_type3A_315 = arith.extui %lt3A_314 : i1 to i32
      %cond3A_316 = arith.constant 0 : i32
      %cond3A_317 = arith.cmpi ne, %convert_element_type3A_315, %cond3A_316 : i32
      scf.if %cond3A_317 {
        %dma_start3A_364 = arith.constant 7 : i32
        %dma_start3A_365 = arith.constant 0 : i32
        %dma_start3A_366 = arith.constant 0 : i32
        %dma_start3A_367 = tpu.memref_slice %arg8[%dma_start3A_364, %dma_start3A_365, %dma_start3A_366] : memref<10x128x16xf32, #tpu.memory_space<vmem>> -> memref<1x128x16xf32, #tpu.memory_space<vmem>>
        %dma_start3A_368 = tpu.memref_squeeze %dma_start3A_367 : memref<1x128x16xf32, #tpu.memory_space<vmem>> -> memref<128x16xf32, #tpu.memory_space<vmem>>
        %dma_start3A_369 = arith.constant 0 : i32
        %dma_start3A_370 = tpu.memref_slice %arg6[%add3A_312, %dma_start3A_369] : memref<40x128xi32, #tpu.memory_space<vmem>> -> memref<1x128xi32, #tpu.memory_space<vmem>>
        %dma_start3A_371 = tpu.memref_squeeze %dma_start3A_370 : memref<1x128xi32, #tpu.memory_space<vmem>> -> memref<128xi32, #tpu.memory_space<vmem>>
        %dma_start3A_372 = arith.constant 0 : i32
        %dma_start3A_373 = arith.constant 0 : i32
        %dma_start3A_374 = tpu.memref_slice %arg2[%dma_start3A_372, %dma_start3A_373] : memref<10000x16xf32, #tpu.memory_space<hbm>> -> memref<10000x16xf32, #tpu.memory_space<hbm>>
        tpu.enqueue_indirect_dma source(%dma_start3A_374 : memref<10000x16xf32, #tpu.memory_space<hbm>>) target(%dma_start3A_368 : memref<128x16xf32, #tpu.memory_space<vmem>>) offsets(%dma_start3A_371 : memref<128xi32, #tpu.memory_space<vmem>>) semaphore(%arg18 : memref<!tpu.dma_semaphore, #tpu.memory_space<semaphore_mem>>)
      } else {
      }
      %mul3A_318 = arith.constant 10 : i32
      %mul3A_319 = arith.muli %scan3A_138, %mul3A_318 : i32
      %add3A_320 = arith.constant 8 : i32
      %add3A_321 = arith.addi %mul3A_319, %add3A_320 : i32
      %dma_wait3A_322 = arith.constant 8 : i32
      %dma_wait3A_323 = arith.constant 0 : i32
      %dma_wait3A_324 = arith.constant 0 : i32
      %dma_wait3A_325 = tpu.memref_slice %arg8[%dma_wait3A_322, %dma_wait3A_323, %dma_wait3A_324] : memref<10x128x16xf32, #tpu.memory_space<vmem>> -> memref<1x128x16xf32, #tpu.memory_space<vmem>>
      %dma_wait3A_326 = tpu.memref_squeeze %dma_wait3A_325 : memref<1x128x16xf32, #tpu.memory_space<vmem>> -> memref<128x16xf32, #tpu.memory_space<vmem>>
      %dma_wait3A_327 = arith.constant 0 : i32
      %dma_wait3A_328 = tpu.memref_slice %arg6[%add3A_321, %dma_wait3A_327] : memref<40x128xi32, #tpu.memory_space<vmem>> -> memref<1x128xi32, #tpu.memory_space<vmem>>
      %dma_wait3A_329 = tpu.memref_squeeze %dma_wait3A_328 : memref<1x128xi32, #tpu.memory_space<vmem>> -> memref<128xi32, #tpu.memory_space<vmem>>
      %dma_wait3A_330 = arith.constant 0 : i32
      %dma_wait3A_331 = arith.constant 0 : i32
      %dma_wait3A_332 = tpu.memref_slice %arg2[%dma_wait3A_330, %dma_wait3A_331] : memref<10000x16xf32, #tpu.memory_space<hbm>> -> memref<10000x16xf32, #tpu.memory_space<hbm>>
      tpu.wait_indirect_dma semaphore(%arg19 : memref<!tpu.dma_semaphore, #tpu.memory_space<semaphore_mem>>) src(%dma_wait3A_332 : memref<10000x16xf32, #tpu.memory_space<hbm>>) dst(%dma_wait3A_326 : memref<128x16xf32, #tpu.memory_space<vmem>>)
      %run_scoped3A_333 = arith.constant 8 : i32
      "tpu.region"() ({
        %run_scoped3A_364 = tpu.sem_alloc : memref<!tpu.dma_semaphore, #tpu.memory_space<semaphore_mem>>
        %dma_start3A_365 = arith.constant 0 : i32
        %dma_start3A_366 = arith.constant 0 : i32
        %dma_start3A_367 = tpu.memref_slice %arg8[%run_scoped3A_333, %dma_start3A_365, %dma_start3A_366] : memref<10x128x16xf32, #tpu.memory_space<vmem>> -> memref<1x128x16xf32, #tpu.memory_space<vmem>>
        %dma_start3A_368 = tpu.memref_squeeze %dma_start3A_367 : memref<1x128x16xf32, #tpu.memory_space<vmem>> -> memref<128x16xf32, #tpu.memory_space<vmem>>
        %dma_start3A_369 = arith.constant 0 : i32
        %dma_start3A_370 = tpu.memref_slice %arg7[%add3A_321, %dma_start3A_369] : memref<40x128xi32, #tpu.memory_space<vmem>> -> memref<1x128xi32, #tpu.memory_space<vmem>>
        %dma_start3A_371 = tpu.memref_squeeze %dma_start3A_370 : memref<1x128xi32, #tpu.memory_space<vmem>> -> memref<128xi32, #tpu.memory_space<vmem>>
        %dma_start3A_372 = arith.constant 0 : i32
        %dma_start3A_373 = arith.constant 0 : i32
        %dma_start3A_374 = tpu.memref_slice %arg10[%dma_start3A_372, %dma_start3A_373] : memref<10112x16xf32, #tpu.memory_space<vmem_shared>> -> memref<10112x16xf32, #tpu.memory_space<vmem_shared>>
        tpu.enqueue_indirect_dma source(%dma_start3A_368 : memref<128x16xf32, #tpu.memory_space<vmem>>) target(%dma_start3A_374 : memref<10112x16xf32, #tpu.memory_space<vmem_shared>>) offsets(%dma_start3A_371 : memref<128xi32, #tpu.memory_space<vmem>>) semaphore(%run_scoped3A_364 : memref<!tpu.dma_semaphore, #tpu.memory_space<semaphore_mem>>) {add = true}
        %dma_wait3A_375 = arith.constant 0 : i32
        %dma_wait3A_376 = arith.constant 0 : i32
        %dma_wait3A_377 = tpu.memref_slice %arg8[%run_scoped3A_333, %dma_wait3A_375, %dma_wait3A_376] : memref<10x128x16xf32, #tpu.memory_space<vmem>> -> memref<1x128x16xf32, #tpu.memory_space<vmem>>
        %dma_wait3A_378 = tpu.memref_squeeze %dma_wait3A_377 : memref<1x128x16xf32, #tpu.memory_space<vmem>> -> memref<128x16xf32, #tpu.memory_space<vmem>>
        %dma_wait3A_379 = arith.constant 0 : i32
        %dma_wait3A_380 = tpu.memref_slice %arg7[%add3A_321, %dma_wait3A_379] : memref<40x128xi32, #tpu.memory_space<vmem>> -> memref<1x128xi32, #tpu.memory_space<vmem>>
        %dma_wait3A_381 = tpu.memref_squeeze %dma_wait3A_380 : memref<1x128xi32, #tpu.memory_space<vmem>> -> memref<128xi32, #tpu.memory_space<vmem>>
        %dma_wait3A_382 = arith.constant 0 : i32
        %dma_wait3A_383 = arith.constant 0 : i32
        %dma_wait3A_384 = tpu.memref_slice %arg10[%dma_wait3A_382, %dma_wait3A_383] : memref<10112x16xf32, #tpu.memory_space<vmem_shared>> -> memref<10112x16xf32, #tpu.memory_space<vmem_shared>>
        tpu.wait_indirect_dma semaphore(%run_scoped3A_364 : memref<!tpu.dma_semaphore, #tpu.memory_space<semaphore_mem>>) src(%dma_wait3A_378 : memref<128x16xf32, #tpu.memory_space<vmem>>) dst(%dma_wait3A_384 : memref<10112x16xf32, #tpu.memory_space<vmem_shared>>)
        tpu.yield
      }) : () -> ()
      %add3A_334 = arith.constant 10 : i32
      %add3A_335 = arith.addi %add3A_321, %add3A_334 : i32
      %lt3A_336 = arith.constant 40 : i32
      %lt3A_337 = arith.cmpi slt, %add3A_335, %lt3A_336 : i32
      %convert_element_type3A_338 = arith.extui %lt3A_337 : i1 to i32
      %cond3A_339 = arith.constant 0 : i32
      %cond3A_340 = arith.cmpi ne, %convert_element_type3A_338, %cond3A_339 : i32
      scf.if %cond3A_340 {
        %dma_start3A_364 = arith.constant 8 : i32
        %dma_start3A_365 = arith.constant 0 : i32
        %dma_start3A_366 = arith.constant 0 : i32
        %dma_start3A_367 = tpu.memref_slice %arg8[%dma_start3A_364, %dma_start3A_365, %dma_start3A_366] : memref<10x128x16xf32, #tpu.memory_space<vmem>> -> memref<1x128x16xf32, #tpu.memory_space<vmem>>
        %dma_start3A_368 = tpu.memref_squeeze %dma_start3A_367 : memref<1x128x16xf32, #tpu.memory_space<vmem>> -> memref<128x16xf32, #tpu.memory_space<vmem>>
        %dma_start3A_369 = arith.constant 0 : i32
        %dma_start3A_370 = tpu.memref_slice %arg6[%add3A_335, %dma_start3A_369] : memref<40x128xi32, #tpu.memory_space<vmem>> -> memref<1x128xi32, #tpu.memory_space<vmem>>
        %dma_start3A_371 = tpu.memref_squeeze %dma_start3A_370 : memref<1x128xi32, #tpu.memory_space<vmem>> -> memref<128xi32, #tpu.memory_space<vmem>>
        %dma_start3A_372 = arith.constant 0 : i32
        %dma_start3A_373 = arith.constant 0 : i32
        %dma_start3A_374 = tpu.memref_slice %arg2[%dma_start3A_372, %dma_start3A_373] : memref<10000x16xf32, #tpu.memory_space<hbm>> -> memref<10000x16xf32, #tpu.memory_space<hbm>>
        tpu.enqueue_indirect_dma source(%dma_start3A_374 : memref<10000x16xf32, #tpu.memory_space<hbm>>) target(%dma_start3A_368 : memref<128x16xf32, #tpu.memory_space<vmem>>) offsets(%dma_start3A_371 : memref<128xi32, #tpu.memory_space<vmem>>) semaphore(%arg19 : memref<!tpu.dma_semaphore, #tpu.memory_space<semaphore_mem>>)
      } else {
      }
      %mul3A_341 = arith.constant 10 : i32
      %mul3A_342 = arith.muli %scan3A_138, %mul3A_341 : i32
      %add3A_343 = arith.constant 9 : i32
      %add3A_344 = arith.addi %mul3A_342, %add3A_343 : i32
      %dma_wait3A_345 = arith.constant 9 : i32
      %dma_wait3A_346 = arith.constant 0 : i32
      %dma_wait3A_347 = arith.constant 0 : i32
      %dma_wait3A_348 = tpu.memref_slice %arg8[%dma_wait3A_345, %dma_wait3A_346, %dma_wait3A_347] : memref<10x128x16xf32, #tpu.memory_space<vmem>> -> memref<1x128x16xf32, #tpu.memory_space<vmem>>
      %dma_wait3A_349 = tpu.memref_squeeze %dma_wait3A_348 : memref<1x128x16xf32, #tpu.memory_space<vmem>> -> memref<128x16xf32, #tpu.memory_space<vmem>>
      %dma_wait3A_350 = arith.constant 0 : i32
      %dma_wait3A_351 = tpu.memref_slice %arg6[%add3A_344, %dma_wait3A_350] : memref<40x128xi32, #tpu.memory_space<vmem>> -> memref<1x128xi32, #tpu.memory_space<vmem>>
      %dma_wait3A_352 = tpu.memref_squeeze %dma_wait3A_351 : memref<1x128xi32, #tpu.memory_space<vmem>> -> memref<128xi32, #tpu.memory_space<vmem>>
      %dma_wait3A_353 = arith.constant 0 : i32
      %dma_wait3A_354 = arith.constant 0 : i32
      %dma_wait3A_355 = tpu.memref_slice %arg2[%dma_wait3A_353, %dma_wait3A_354] : memref<10000x16xf32, #tpu.memory_space<hbm>> -> memref<10000x16xf32, #tpu.memory_space<hbm>>
      tpu.wait_indirect_dma semaphore(%arg20 : memref<!tpu.dma_semaphore, #tpu.memory_space<semaphore_mem>>) src(%dma_wait3A_355 : memref<10000x16xf32, #tpu.memory_space<hbm>>) dst(%dma_wait3A_349 : memref<128x16xf32, #tpu.memory_space<vmem>>)
      %run_scoped3A_356 = arith.constant 9 : i32
      "tpu.region"() ({
        %run_scoped3A_364 = tpu.sem_alloc : memref<!tpu.dma_semaphore, #tpu.memory_space<semaphore_mem>>
        %dma_start3A_365 = arith.constant 0 : i32
        %dma_start3A_366 = arith.constant 0 : i32
        %dma_start3A_367 = tpu.memref_slice %arg8[%run_scoped3A_356, %dma_start3A_365, %dma_start3A_366] : memref<10x128x16xf32, #tpu.memory_space<vmem>> -> memref<1x128x16xf32, #tpu.memory_space<vmem>>
        %dma_start3A_368 = tpu.memref_squeeze %dma_start3A_367 : memref<1x128x16xf32, #tpu.memory_space<vmem>> -> memref<128x16xf32, #tpu.memory_space<vmem>>
        %dma_start3A_369 = arith.constant 0 : i32
        %dma_start3A_370 = tpu.memref_slice %arg7[%add3A_344, %dma_start3A_369] : memref<40x128xi32, #tpu.memory_space<vmem>> -> memref<1x128xi32, #tpu.memory_space<vmem>>
        %dma_start3A_371 = tpu.memref_squeeze %dma_start3A_370 : memref<1x128xi32, #tpu.memory_space<vmem>> -> memref<128xi32, #tpu.memory_space<vmem>>
        %dma_start3A_372 = arith.constant 0 : i32
        %dma_start3A_373 = arith.constant 0 : i32
        %dma_start3A_374 = tpu.memref_slice %arg10[%dma_start3A_372, %dma_start3A_373] : memref<10112x16xf32, #tpu.memory_space<vmem_shared>> -> memref<10112x16xf32, #tpu.memory_space<vmem_shared>>
        tpu.enqueue_indirect_dma source(%dma_start3A_368 : memref<128x16xf32, #tpu.memory_space<vmem>>) target(%dma_start3A_374 : memref<10112x16xf32, #tpu.memory_space<vmem_shared>>) offsets(%dma_start3A_371 : memref<128xi32, #tpu.memory_space<vmem>>) semaphore(%run_scoped3A_364 : memref<!tpu.dma_semaphore, #tpu.memory_space<semaphore_mem>>) {add = true}
        %dma_wait3A_375 = arith.constant 0 : i32
        %dma_wait3A_376 = arith.constant 0 : i32
        %dma_wait3A_377 = tpu.memref_slice %arg8[%run_scoped3A_356, %dma_wait3A_375, %dma_wait3A_376] : memref<10x128x16xf32, #tpu.memory_space<vmem>> -> memref<1x128x16xf32, #tpu.memory_space<vmem>>
        %dma_wait3A_378 = tpu.memref_squeeze %dma_wait3A_377 : memref<1x128x16xf32, #tpu.memory_space<vmem>> -> memref<128x16xf32, #tpu.memory_space<vmem>>
        %dma_wait3A_379 = arith.constant 0 : i32
        %dma_wait3A_380 = tpu.memref_slice %arg7[%add3A_344, %dma_wait3A_379] : memref<40x128xi32, #tpu.memory_space<vmem>> -> memref<1x128xi32, #tpu.memory_space<vmem>>
        %dma_wait3A_381 = tpu.memref_squeeze %dma_wait3A_380 : memref<1x128xi32, #tpu.memory_space<vmem>> -> memref<128xi32, #tpu.memory_space<vmem>>
        %dma_wait3A_382 = arith.constant 0 : i32
        %dma_wait3A_383 = arith.constant 0 : i32
        %dma_wait3A_384 = tpu.memref_slice %arg10[%dma_wait3A_382, %dma_wait3A_383] : memref<10112x16xf32, #tpu.memory_space<vmem_shared>> -> memref<10112x16xf32, #tpu.memory_space<vmem_shared>>
        tpu.wait_indirect_dma semaphore(%run_scoped3A_364 : memref<!tpu.dma_semaphore, #tpu.memory_space<semaphore_mem>>) src(%dma_wait3A_378 : memref<128x16xf32, #tpu.memory_space<vmem>>) dst(%dma_wait3A_384 : memref<10112x16xf32, #tpu.memory_space<vmem_shared>>)
        tpu.yield
      }) : () -> ()
      %add3A_357 = arith.constant 10 : i32
      %add3A_358 = arith.addi %add3A_344, %add3A_357 : i32
      %lt3A_359 = arith.constant 40 : i32
      %lt3A_360 = arith.cmpi slt, %add3A_358, %lt3A_359 : i32
      %convert_element_type3A_361 = arith.extui %lt3A_360 : i1 to i32
      %cond3A_362 = arith.constant 0 : i32
      %cond3A_363 = arith.cmpi ne, %convert_element_type3A_361, %cond3A_362 : i32
      scf.if %cond3A_363 {
        %dma_start3A_364 = arith.constant 9 : i32
        %dma_start3A_365 = arith.constant 0 : i32
        %dma_start3A_366 = arith.constant 0 : i32
        %dma_start3A_367 = tpu.memref_slice %arg8[%dma_start3A_364, %dma_start3A_365, %dma_start3A_366] : memref<10x128x16xf32, #tpu.memory_space<vmem>> -> memref<1x128x16xf32, #tpu.memory_space<vmem>>
        %dma_start3A_368 = tpu.memref_squeeze %dma_start3A_367 : memref<1x128x16xf32, #tpu.memory_space<vmem>> -> memref<128x16xf32, #tpu.memory_space<vmem>>
        %dma_start3A_369 = arith.constant 0 : i32
        %dma_start3A_370 = tpu.memref_slice %arg6[%add3A_358, %dma_start3A_369] : memref<40x128xi32, #tpu.memory_space<vmem>> -> memref<1x128xi32, #tpu.memory_space<vmem>>
        %dma_start3A_371 = tpu.memref_squeeze %dma_start3A_370 : memref<1x128xi32, #tpu.memory_space<vmem>> -> memref<128xi32, #tpu.memory_space<vmem>>
        %dma_start3A_372 = arith.constant 0 : i32
        %dma_start3A_373 = arith.constant 0 : i32
        %dma_start3A_374 = tpu.memref_slice %arg2[%dma_start3A_372, %dma_start3A_373] : memref<10000x16xf32, #tpu.memory_space<hbm>> -> memref<10000x16xf32, #tpu.memory_space<hbm>>
        tpu.enqueue_indirect_dma source(%dma_start3A_374 : memref<10000x16xf32, #tpu.memory_space<hbm>>) target(%dma_start3A_368 : memref<128x16xf32, #tpu.memory_space<vmem>>) offsets(%dma_start3A_371 : memref<128xi32, #tpu.memory_space<vmem>>) semaphore(%arg20 : memref<!tpu.dma_semaphore, #tpu.memory_space<semaphore_mem>>)
      } else {
      }
    }
    %scan3A_132 = arith.constant 4 : i32
    %barrier3A_133 = arith.constant 0 : index
    tpu.barrier barrier_id(%barrier3A_133)
    %mul3A_134 = arith.constant 632 : i32
    %mul3A_135 = arith.muli %arg1, %mul3A_134 : i32
    "tpu.region"() ({
      %run_scoped3A = tpu.sem_alloc : memref<!tpu.dma_semaphore, #tpu.memory_space<semaphore_mem>>
      %dma_start3A_138 = arith.constant 0 : i32
      %dma_start3A_139 = tpu.memref_slice %arg10[%mul3A_135, %dma_start3A_138] : memref<10112x16xf32, #tpu.memory_space<vmem_shared>> -> memref<632x16xf32, #tpu.memory_space<vmem_shared>>
      %dma_start3A_140 = arith.constant 0 : i32
      %dma_start3A_141 = tpu.memref_slice %arg10[%mul3A_135, %dma_start3A_140] : memref<10112x16xf32, #tpu.memory_space<vmem_shared>> -> memref<632x16xf32, #tpu.memory_space<vmem_shared>>
      tpu.enqueue_dma source(%dma_start3A_141 : memref<632x16xf32, #tpu.memory_space<vmem_shared>>) target(%arg9 : memref<632x16xf32, #tpu.memory_space<vmem>>) target_semaphore(%run_scoped3A : memref<!tpu.dma_semaphore, #tpu.memory_space<semaphore_mem>>)
      %dma_wait3A = arith.constant 0 : i32
      %dma_wait3A_142 = tpu.memref_slice %arg10[%mul3A_135, %dma_wait3A] : memref<10112x16xf32, #tpu.memory_space<vmem_shared>> -> memref<632x16xf32, #tpu.memory_space<vmem_shared>>
      %dma_wait3A_143 = arith.constant 0 : i32
      %dma_wait3A_144 = tpu.memref_slice %arg10[%mul3A_135, %dma_wait3A_143] : memref<10112x16xf32, #tpu.memory_space<vmem_shared>> -> memref<632x16xf32, #tpu.memory_space<vmem_shared>>
      tpu.wait_dma2 semaphore(%run_scoped3A : memref<!tpu.dma_semaphore, #tpu.memory_space<semaphore_mem>>) src(%dma_wait3A_144 : memref<632x16xf32, #tpu.memory_space<vmem_shared>>) dst(%arg9 : memref<632x16xf32, #tpu.memory_space<vmem>>)
      tpu.yield
    }) : () -> ()
    %mul3A_136 = arith.constant 632 : i32
    %mul3A_137 = arith.muli %arg1, %mul3A_136 : i32
    "tpu.region"() ({
      %run_scoped3A = tpu.sem_alloc : memref<!tpu.dma_semaphore, #tpu.memory_space<semaphore_mem>>
      %dma_start3A_138 = arith.constant 0 : i32
      %dma_start3A_139 = tpu.memref_slice %arg5[%arg0, %mul3A_137, %dma_start3A_138] : memref<2x10112x16xf32, #tpu.memory_space<hbm>> -> memref<1x632x16xf32, #tpu.memory_space<hbm>>
      %dma_start3A_140 = tpu.memref_squeeze %dma_start3A_139 : memref<1x632x16xf32, #tpu.memory_space<hbm>> -> memref<632x16xf32, #tpu.memory_space<hbm>>
      %dma_start3A_141 = arith.constant 0 : i32
      %dma_start3A_142 = tpu.memref_slice %arg5[%arg0, %mul3A_137, %dma_start3A_141] : memref<2x10112x16xf32, #tpu.memory_space<hbm>> -> memref<1x632x16xf32, #tpu.memory_space<hbm>>
      %dma_start3A_143 = tpu.memref_squeeze %dma_start3A_142 : memref<1x632x16xf32, #tpu.memory_space<hbm>> -> memref<632x16xf32, #tpu.memory_space<hbm>>
      tpu.enqueue_dma source(%arg9 : memref<632x16xf32, #tpu.memory_space<vmem>>) target(%dma_start3A_143 : memref<632x16xf32, #tpu.memory_space<hbm>>) target_semaphore(%run_scoped3A : memref<!tpu.dma_semaphore, #tpu.memory_space<semaphore_mem>>)
      %dma_wait3A = arith.constant 0 : i32
      %dma_wait3A_144 = tpu.memref_slice %arg5[%arg0, %mul3A_137, %dma_wait3A] : memref<2x10112x16xf32, #tpu.memory_space<hbm>> -> memref<1x632x16xf32, #tpu.memory_space<hbm>>
      %dma_wait3A_145 = tpu.memref_squeeze %dma_wait3A_144 : memref<1x632x16xf32, #tpu.memory_space<hbm>> -> memref<632x16xf32, #tpu.memory_space<hbm>>
      %dma_wait3A_146 = arith.constant 0 : i32
      %dma_wait3A_147 = tpu.memref_slice %arg5[%arg0, %mul3A_137, %dma_wait3A_146] : memref<2x10112x16xf32, #tpu.memory_space<hbm>> -> memref<1x632x16xf32, #tpu.memory_space<hbm>>
      %dma_wait3A_148 = tpu.memref_squeeze %dma_wait3A_147 : memref<1x632x16xf32, #tpu.memory_space<hbm>> -> memref<632x16xf32, #tpu.memory_space<hbm>>
      tpu.wait_dma2 semaphore(%run_scoped3A : memref<!tpu.dma_semaphore, #tpu.memory_space<semaphore_mem>>) src(%arg9 : memref<632x16xf32, #tpu.memory_space<vmem>>) dst(%dma_wait3A_148 : memref<632x16xf32, #tpu.memory_space<hbm>>)
      tpu.yield
    }) : () -> ()
    return
  }
}

module attributes {stable_mosaic.version = 14 : i64} {
  func.func @_tc_a_body(%arg0: memref<1250x2048xf32, #tpu.memory_space<vmem>>, %arg1: memref<2048x128xf32, #tpu.memory_space<vmem>>, %arg2: memref<1250x128xf32, #tpu.memory_space<vmem>>, %arg3: memref<1250x128xf32, #tpu.memory_space<vmem>>, %arg4: memref<1250x128xf32, #tpu.memory_space<vmem>>, %arg5: memref<1250x128xf32, #tpu.memory_space<vmem>>) attributes {dimension_semantics = [], scalar_prefetch = 0 : i64, scratch_operands = 0 : i64, tpu.core_type = #tpu.core_type<tc>} {
    %get3A = arith.constant 0 : index
    %get3A_0 = arith.constant 0 : index
    %get3A_1 = vector.load %arg2[%get3A, %get3A_0] : memref<1250x128xf32, #tpu.memory_space<vmem>>, vector<1250x128xf32>
    %get3A_2 = arith.constant 0 : index
    %get3A_3 = arith.constant 0 : index
    %get3A_4 = vector.load %arg3[%get3A_2, %get3A_3] : memref<1250x128xf32, #tpu.memory_space<vmem>>, vector<1250x128xf32>
    %add3A = arith.addf %get3A_1, %get3A_4 : vector<1250x128xf32>
    %add3A_5 = arith.constant 1.000000e+00 : f32
    %add3A_6 = vector.broadcast %add3A_5 : f32 to vector<1250x128xf32>
    %add3A_7 = arith.addf %add3A, %add3A_6 : vector<1250x128xf32>
    %rsqrt3A = math.rsqrt %add3A_7 : vector<1250x128xf32>
    %get3A_8 = arith.constant 0 : index
    %get3A_9 = arith.constant 0 : index
    %get3A_10 = vector.load %arg0[%get3A_8, %get3A_9] : memref<1250x2048xf32, #tpu.memory_space<vmem>>, vector<1250x2048xf32>
    %get3A_11 = arith.constant 0 : index
    %get3A_12 = arith.constant 0 : index
    %get3A_13 = vector.load %arg1[%get3A_11, %get3A_12] : memref<2048x128xf32, #tpu.memory_space<vmem>>, vector<2048x128xf32>
    %dot_general3A = arith.constant dense<0.000000e+00> : vector<1250x128xf32>
    %dot_general3A_14 = tpu.matmul %get3A_10, %get3A_13, %dot_general3A {dimension_numbers = #tpu.dot_dimension_numbers<[1], [0], [0], [1], [0, 0, 1, 1], [], []>, transpose_lhs_hint = false} : vector<1250x2048xf32>, vector<2048x128xf32>, vector<1250x128xf32> -> vector<1250x128xf32>
    %mul3A = arith.mulf %dot_general3A_14, %rsqrt3A : vector<1250x128xf32>
    %swap3A = arith.constant 0 : index
    %swap3A_15 = arith.constant 0 : index
    %swap3A_16 = vector.load %arg4[%swap3A, %swap3A_15] : memref<1250x128xf32, #tpu.memory_space<vmem>>, vector<1250x128xf32>
    tpu.vector_store %arg4[%swap3A, %swap3A_15], %mul3A {strides = array<i32>} : memref<1250x128xf32, #tpu.memory_space<vmem>>, vector<1250x128xf32>,
    %swap3A_17 = arith.constant 0 : index
    %swap3A_18 = arith.constant 0 : index
    %swap3A_19 = vector.load %arg5[%swap3A_17, %swap3A_18] : memref<1250x128xf32, #tpu.memory_space<vmem>>, vector<1250x128xf32>
    tpu.vector_store %arg5[%swap3A_17, %swap3A_18], %rsqrt3A {strides = array<i32>} : memref<1250x128xf32, #tpu.memory_space<vmem>>, vector<1250x128xf32>,
    return
  }
}

module attributes {stable_mosaic.version = 14 : i64} {
  func.func @_tc_b_body(%arg0: memref<1250x128xf32, #tpu.memory_space<vmem>>, %arg1: memref<1250x128xf32, #tpu.memory_space<vmem>>, %arg2: memref<1250x128xf32, #tpu.memory_space<vmem>>, %arg3: memref<1250x128xf32, #tpu.memory_space<vmem>>, %arg4: memref<1x128xf32, #tpu.memory_space<vmem>>, %arg5: memref<128x128xf32, #tpu.memory_space<vmem>>, %arg6: memref<1250x128xf32, #tpu.memory_space<vmem>>) attributes {dimension_semantics = [], scalar_prefetch = 0 : i64, scratch_operands = 0 : i64, tpu.core_type = #tpu.core_type<tc>} {
    %get3A = arith.constant 0 : index
    %get3A_0 = arith.constant 0 : index
    %get3A_1 = vector.load %arg3[%get3A, %get3A_0] : memref<1250x128xf32, #tpu.memory_space<vmem>>, vector<1250x128xf32>
    %get3A_2 = arith.constant 0 : index
    %get3A_3 = arith.constant 0 : index
    %get3A_4 = vector.load %arg0[%get3A_2, %get3A_3] : memref<1250x128xf32, #tpu.memory_space<vmem>>, vector<1250x128xf32>
    %get3A_5 = arith.constant 0 : index
    %get3A_6 = arith.constant 0 : index
    %get3A_7 = vector.load %arg1[%get3A_5, %get3A_6] : memref<1250x128xf32, #tpu.memory_space<vmem>>, vector<1250x128xf32>
    %add3A = arith.addf %get3A_4, %get3A_7 : vector<1250x128xf32>
    %get3A_8 = arith.constant 0 : index
    %get3A_9 = arith.constant 0 : index
    %get3A_10 = vector.load %arg2[%get3A_8, %get3A_9] : memref<1250x128xf32, #tpu.memory_space<vmem>>, vector<1250x128xf32>
    %add3A_11 = arith.addf %add3A, %get3A_10 : vector<1250x128xf32>
    %mul3A = arith.mulf %add3A_11, %get3A_1 : vector<1250x128xf32>
    %get3A_12 = arith.constant 0 : index
    %get3A_13 = arith.constant 0 : index
    %get3A_14 = vector.load %arg4[%get3A_12, %get3A_13] : memref<1x128xf32, #tpu.memory_space<vmem>>, vector<1x128xf32>
    %add3A_15 = vector.broadcast %get3A_14 : vector<1x128xf32> to vector<1250x128xf32>
    %add3A_16 = arith.addf %mul3A, %add3A_15 : vector<1250x128xf32>
    %max3A = arith.constant 0.000000e+00 : f32
    %max3A_17 = vector.broadcast %max3A : f32 to vector<1250x128xf32>
    %max3A_18 = arith.maximumf %add3A_16, %max3A_17 : vector<1250x128xf32>
    %get3A_19 = arith.constant 0 : index
    %get3A_20 = arith.constant 0 : index
    %get3A_21 = vector.load %arg5[%get3A_19, %get3A_20] : memref<128x128xf32, #tpu.memory_space<vmem>>, vector<128x128xf32>
    %dot_general3A = arith.constant dense<0.000000e+00> : vector<1250x128xf32>
    %dot_general3A_22 = tpu.matmul %max3A_18, %get3A_21, %dot_general3A {dimension_numbers = #tpu.dot_dimension_numbers<[1], [0], [0], [1], [0, 0, 1, 1], [], []>, transpose_lhs_hint = false} : vector<1250x128xf32>, vector<128x128xf32>, vector<1250x128xf32> -> vector<1250x128xf32>
    %mul3A_23 = arith.mulf %dot_general3A_22, %get3A_1 : vector<1250x128xf32>
    %swap3A = arith.constant 0 : index
    %swap3A_24 = arith.constant 0 : index
    %swap3A_25 = vector.load %arg6[%swap3A, %swap3A_24] : memref<1250x128xf32, #tpu.memory_space<vmem>>, vector<1250x128xf32>
    tpu.vector_store %arg6[%swap3A, %swap3A_24], %mul3A_23 {strides = array<i32>} : memref<1250x128xf32, #tpu.memory_space<vmem>>, vector<1250x128xf32>,
    return
  }
}

module attributes {stable_mosaic.version = 14 : i64} {
  func.func @_tc_c_body(%arg0: memref<1250x128xf32, #tpu.memory_space<vmem>>, %arg1: memref<1250x128xf32, #tpu.memory_space<vmem>>, %arg2: memref<1250x128xf32, #tpu.memory_space<vmem>>, %arg3: memref<1250x128xf32, #tpu.memory_space<vmem>>, %arg4: memref<1x128xf32, #tpu.memory_space<vmem>>, %arg5: memref<128x128xf32, #tpu.memory_space<vmem>>, %arg6: memref<1250x128xf32, #tpu.memory_space<vmem>>) attributes {dimension_semantics = [], scalar_prefetch = 0 : i64, scratch_operands = 0 : i64, tpu.core_type = #tpu.core_type<tc>} {
    %get3A = arith.constant 0 : index
    %get3A_0 = arith.constant 0 : index
    %get3A_1 = vector.load %arg0[%get3A, %get3A_0] : memref<1250x128xf32, #tpu.memory_space<vmem>>, vector<1250x128xf32>
    %get3A_2 = arith.constant 0 : index
    %get3A_3 = arith.constant 0 : index
    %get3A_4 = vector.load %arg1[%get3A_2, %get3A_3] : memref<1250x128xf32, #tpu.memory_space<vmem>>, vector<1250x128xf32>
    %add3A = arith.addf %get3A_1, %get3A_4 : vector<1250x128xf32>
    %get3A_5 = arith.constant 0 : index
    %get3A_6 = arith.constant 0 : index
    %get3A_7 = vector.load %arg2[%get3A_5, %get3A_6] : memref<1250x128xf32, #tpu.memory_space<vmem>>, vector<1250x128xf32>
    %add3A_8 = arith.addf %add3A, %get3A_7 : vector<1250x128xf32>
    %get3A_9 = arith.constant 0 : index
    %get3A_10 = arith.constant 0 : index
    %get3A_11 = vector.load %arg3[%get3A_9, %get3A_10] : memref<1250x128xf32, #tpu.memory_space<vmem>>, vector<1250x128xf32>
    %mul3A = arith.mulf %add3A_8, %get3A_11 : vector<1250x128xf32>
    %get3A_12 = arith.constant 0 : index
    %get3A_13 = arith.constant 0 : index
    %get3A_14 = vector.load %arg4[%get3A_12, %get3A_13] : memref<1x128xf32, #tpu.memory_space<vmem>>, vector<1x128xf32>
    %add3A_15 = vector.broadcast %get3A_14 : vector<1x128xf32> to vector<1250x128xf32>
    %add3A_16 = arith.addf %mul3A, %add3A_15 : vector<1250x128xf32>
    %reduce_max3A = arith.constant dense<0xFF800000> : vector<1250xf32>
    %reduce_max3A_17 = vector.multi_reduction <maximumf>, %add3A_16, %reduce_max3A [1] : vector<1250x128xf32> to vector<1250xf32>
    %broadcast_in_dim3A = vector.shape_cast %reduce_max3A_17 : vector<1250xf32> to vector<1250x1xf32>
    %sub3A = vector.broadcast %broadcast_in_dim3A : vector<1250x1xf32> to vector<1250x128xf32>
    %sub3A_18 = arith.subf %add3A_16, %sub3A : vector<1250x128xf32>
    %exp3A = math.exp %sub3A_18 : vector<1250x128xf32>
    %get3A_19 = arith.constant 0 : index
    %get3A_20 = arith.constant 0 : index
    %get3A_21 = vector.load %arg5[%get3A_19, %get3A_20] : memref<128x128xf32, #tpu.memory_space<vmem>>, vector<128x128xf32>
    %dot_general3A = arith.constant dense<0.000000e+00> : vector<1250x128xf32>
    %dot_general3A_22 = tpu.matmul %exp3A, %get3A_21, %dot_general3A {dimension_numbers = #tpu.dot_dimension_numbers<[1], [0], [0], [1], [0, 0, 1, 1], [], []>, transpose_lhs_hint = false} : vector<1250x128xf32>, vector<128x128xf32>, vector<1250x128xf32> -> vector<1250x128xf32>
    %log3A = math.log %dot_general3A_22 : vector<1250x128xf32>
    %sub3A_23 = arith.subf %sub3A_18, %log3A : vector<1250x128xf32>
    %swap3A = arith.constant 0 : index
    %swap3A_24 = arith.constant 0 : index
    %swap3A_25 = vector.load %arg6[%swap3A, %swap3A_24] : memref<1250x128xf32, #tpu.memory_space<vmem>>, vector<1250x128xf32>
    tpu.vector_store %arg6[%swap3A, %swap3A_24], %sub3A_23 {strides = array<i32>} : memref<1250x128xf32, #tpu.memory_space<vmem>>, vector<1250x128xf32>,
    return
  }
}

</mosaic_0001>

<sc_bundles>
// kernel: kernel.11.cloned.1.call-start
scs
__scs_entry_jumppad:
0x0: {  	(pc) =	sbr.rel $0x88, $3  }
0x1: {  	(tag) =	ssettag $0x0;
	lr =	simm.s32 $0x1  }
0x2: {  	[smem:$0x3F9B] =	sst lr;
	_ =	strace $0xD0000000  }
0x3: {  	_ = 	snop  }
0x4: {  	_ = 	snop  }
0x5: {  	_ = 	snop  }
0x6: {  	_ = 	snop  }
0x7: {  	_ = 	snop  }
__scs_overlays_trampoline_lowered:
0x8: {  	[smem:$0x3FAA] =	sst s0  }
0x9: {  	[smem:$0x3FAB] =	sst s1  }
0xa: {  	[smem:$0x3FAC] =	sst s2  }
0xb: {  	[smem:$0x3FAD] =	sst s3  }
0xc: {  	[smem:$0x3FAE] =	sst s4  }
0xd: {  	[smem:$0x3FAF] =	sst s5  }
0xe: {  	[smem:$0x3FB0] =	sst s6  }
0xf: {  	[smem:$0x3FB1] =	sst s7  }
0x10: {  	[smem:$0x3FB2] =	sst s8  }
0x11: {  	[smem:$0x3FB3] =	sst s9;
	s0 =	simm.s32 @!p0 $0x0  }
0x12: {  	s1 =	sld [smem:$0x3F99];
	s0 =	simm.s32 @p0 $0x1  }
0x13: {  	[smem:$0x3FB4] =	sst s0;
	s0 =	simm.s32 @!p1 $0x0  }
0x14: {  	s2 =	sld [smem:$0x3F98];
	s0 =	simm.s32 @p1 $0x1  }
0x15: {  	[smem:$0x3FB5] =	sst s0;
	s0 =	simm.s32 @!p2 $0x0  }
0x16: {  	s3 =	sld [smem:$0x3FDB];
	s0 =	simm.s32 @p2 $0x1  }
0x17: {  	s4 =	simm.s32 $0x1BF5;
	[smem:$0x3FB7] =	sst s0  }
0x18: {  	s0 =	sld [smem:$0x3F9A];
	_ =	swait.ge [sflag:s4], $0x0  }
0x19: {  	s7 =	sld [smem:$0x3F9B]  }
0x1a: {  	s8 =	sadd.s32 $0xFFFFE003, lr  }
0x1b: {  	s9 =	sadd.s32 $0xFFFFFEF7, lr;
	s5 =	simm.s32 $0xFFFFFFFF;
	p2 =	slt.u32 s8, $0xFFFFF086  }
0x1c: {  	p1 =	slt.u32 s9, $0xF7A;
	s5 =	simm.s32 @!p2 $0x0  }
0x1d: {  	s5 =	simm.s32 @p1 $0x1;
	p0 =	seq.s32 s7, s2  }
0x1e: {  	s7 =	smul.u32 @!p0 $0xF7A, s2;
	p2 =	seq.s32 @!p0 s5, $0x0  }
0x1f: {  	s9 =	smul.u32 $0xF7A, s1;
	s8 =	simm.s32 @!p0 $0x1BF5;
	p2 =	por !p2, p0  }
0x20: {  	[sflag:s8] =	ssyncset.s32 @!p0 $0xFFFFF086;
	s6 =	sadd.s32 @!p0 s3, s7;
	s7 =	simm.s32 @!p0 $0x108  }
0x21: {  	s3 =	sadd.s32 s3, s9;
	s6 =	sadd.s32 @!p0 $0x88, s6;
	s7 =	simm.s32 @p2 $0x1082  }
0x22: {  	[simem:s7], [sflag:s8] =	dma.local @!p0 [hbm:s6], $0xF7A  }
0x23: {  	s9 =	sor.u32 $0xD0000000, s2;
	s6 =	simm.s32 $0x108;
	_ =	swait.ge @!p0 [sflag:s8], $0x0  }
0x24: {  	s3 =	sadd.s32 $0x88, s3;
	s6 =	simm.s32 @!p1 $0x1082;
	[sflag:s4] =	ssyncset.s32 $0xFFFFF086  }
0x25: {  	[simem:s6], [sflag:s4] =	dma.local [hbm:s3], $0xF7A  }
0x26: {  	[smem:$0x3F9B] =	sst s1;
	(tag) =	ssettag s2;
	_ =	strace s9  }
0x27: {  	s1 =	sld [smem:$0x3FAB]  }
0x28: {  	s2 =	sld [smem:$0x3FAC]  }
0x29: {  	s4 =	sld [smem:$0x3FAE]  }
0x2a: {  	p0 =	seq.s32 s5, $0x0;
	s5 =	sld [smem:$0x3FAF]  }
0x2b: {  	s6 =	sld [smem:$0x3FB0]  }
0x2c: {  	s7 =	sld [smem:$0x3FB1]  }
0x2d: {  	s3 =	simm.s32 $0x108;
	s8 =	sld [smem:$0x3FB2]  }
0x2e: {  	s3 =	simm.s32 @!p0 $0x1082;
	s9 =	sld [smem:$0x3FB3]  }
0x2f: {  	lr =	sadd.s32 s0, s3;
	s0 =	sld [smem:$0x3FAA]  }
0x30: {  	s3 =	sld [smem:$0x3FAD]  }
0x31: {  	[smem:$0x3FB6] =	sst s10  }
0x32: {  	s10 =	sld [smem:$0x3FB4];
	_ =	sdelay $0x3  }
0x33: {  	p0 =	seq.s32 s10, $0x1;
	s10 =	sld [smem:$0x3FB6];
	_ =	sdelay $0x3  }
0x34: {  	[smem:$0x3FB6] =	sst s10  }
0x35: {  	s10 =	sld [smem:$0x3FB5];
	_ =	sdelay $0x3  }
0x36: {  	p1 =	seq.s32 s10, $0x1;
	s10 =	sld [smem:$0x3FB6];
	_ =	sdelay $0x3  }
0x37: {  	[smem:$0x3FB6] =	sst s10  }
0x38: {  	s10 =	sld [smem:$0x3FB7]  }
0x39: {  	_ = 	snop;
	(pc) =	sbr.ind lr, $3  }
0x3a: {  	_ = 	snop  }
0x3b: {  	_ = 	snop  }
0x3c: {  	p2 =	seq.s32 s10, $0x1;
	s10 =	sld [smem:$0x3FB6]  }
0x3d: {  	_ =	shalt  }
0x3e: {  	_ =	shalt  }
0x3f: {  	_ =	shalt  }
0x40: {  	_ =	shalt  }
0x41: {  	_ =	shalt  }
0x42: {  	_ =	shalt  }
0x43: {  	_ =	shalt  }
0x44: {  	_ =	shalt  }
0x45: {  	_ =	shalt  }
0x46: {  	_ =	shalt  }
0x47: {  	_ =	shalt  }
0x48: {  	_ =	shalt  }
0x49: {  	_ =	shalt  }
0x4a: {  	_ =	shalt  }
0x4b: {  	_ =	shalt  }
0x4c: {  	_ =	shalt  }
0x4d: {  	_ =	shalt  }
0x4e: {  	_ =	shalt  }
0x4f: {  	_ =	shalt  }
0x50: {  	_ =	shalt  }
0x51: {  	_ =	shalt  }
0x52: {  	_ =	shalt  }
0x53: {  	_ =	shalt  }
0x54: {  	_ =	shalt  }
0x55: {  	_ =	shalt  }
0x56: {  	_ =	shalt  }
0x57: {  	_ =	shalt  }
0x58: {  	_ =	shalt  }
0x59: {  	_ =	shalt  }
0x5a: {  	_ =	shalt  }
0x5b: {  	_ =	shalt  }
0x5c: {  	_ =	shalt  }
0x5d: {  	_ =	shalt  }
0x5e: {  	_ =	shalt  }
0x5f: {  	_ =	shalt  }
0x60: {  	_ =	shalt  }
0x61: {  	_ =	shalt  }
0x62: {  	_ =	shalt  }
0x63: {  	_ =	shalt  }
0x64: {  	_ =	shalt  }
0x65: {  	_ =	shalt  }
0x66: {  	_ =	shalt  }
0x67: {  	_ =	shalt  }
0x68: {  	_ =	shalt  }
0x69: {  	_ =	shalt  }
0x6a: {  	_ =	shalt  }
0x6b: {  	_ =	shalt  }
0x6c: {  	_ =	shalt  }
0x6d: {  	_ =	shalt  }
0x6e: {  	_ =	shalt  }
0x6f: {  	_ =	shalt  }
0x70: {  	_ =	shalt  }
0x71: {  	_ =	shalt  }
0x72: {  	_ =	shalt  }
0x73: {  	_ =	shalt  }
0x74: {  	_ =	shalt  }
0x75: {  	_ =	shalt  }
0x76: {  	_ =	shalt  }
0x77: {  	_ =	shalt  }
0x78: {  	_ =	shalt  }
0x79: {  	_ =	shalt  }
0x7a: {  	_ =	shalt  }
0x7b: {  	_ =	shalt  }
0x7c: {  	_ =	shalt  }
0x7d: {  	_ =	shalt  }
0x7e: {  	_ =	shalt  }
0x7f: {  	_ =	shalt  }
0x80: {  	_ =	shalt  }
0x81: {  	_ =	shalt  }
0x82: {  	_ =	shalt  }
0x83: {  	_ =	shalt  }
0x84: {  	_ =	shalt  }
0x85: {  	_ =	shalt  }
0x86: {  	_ =	shalt  }
0x87: {  	_ =	shalt  }
.Lfunc_end0:
.L_simem_size_0:
called_computation.1_lowered:
.L_overlay_start_0:
0x88: {  	s2 =	sld [smem:$0x3FD9]  }
0x89: {  	s3 =	sld [smem:$0x3FFE];
	_ =	sdelay $0x1  }
0x8a: {  	s1 =	srdreg.scid  }
0x8b: {  	s0 =	sand.u32 $0x1, s1  }
0x8c: {  	s17 =	sshll.u32 s0, $0xA;
	s2 =	sadd.s32 s3, s2  }
0x8d: {  	s2 =	sadd.s32 s2, s17  }
0x8e: {  	[smem:$0x3FC2] =	sst s2  }
0x8f: {  	_ = 	snop  }
0x90: {  	s2 =	sld [smem:$0x3FD0];
	(tm) =	ssettm $0x1  }
0x91: {  	s18 =	sld [smem:$0x3FFB];
	_ =	sdelay $0x3  }
0x92: {  	_ =	strace s18  }
0x93: {  	s3 =	sld [smem:$0x3FFC];
	_ =	sdelay $0x3  }
0x94: {  	_ =	strace s3  }
0x95: {  	s3 =	sld [smem:$0x3FFD];
	_ =	sdelay $0x3  }
0x96: {  	_ =	strace s3  }
0x97: {  	_ =	strace $0x8FFFFFFF  }
0x98: {  	s19 =	sld [smem:$0x3FDB];
	_ =	sdelay $0x1  }
0x99: {  	s4 =	simm.s32 $_scs_section_size  }
0x9a: {  	s5 =	simm.s32 $_size__tile_overlayer_lowered;
	s6 =	simm.s32 $_tile_overlayer_lowered  }
0x9b: {  	s22 =	simm.s32 $0x1BFF;
	s21 =	sshll.u32 s6, $0x1;
	s3 =	sadd.s32 s4, s19  }
0x9c: {  	s7 =	simm.s32 $0x0;
	s20 =	sshll.u32 s5, $0x1;
	s5 =	sadd.s32 s21, s3  }
0x9d: {  	[timem:s7], [sflag:s22] =	dma.local [hbm:s5], s20  }
0x9e: {  	_ =	swait.ge [sflag:s22], s20  }
0x9f: {  	s4 =	ssub.s32 $0x0, s20;
	[sflag:s22] =	ssyncset.done $0x0  }
0xa0: {  	[sflag:s22] =	ssyncadd.s32 s4;
	_ =	sdelay $0x1  }
0xa1: {  	s23 =	simm.s32 $0x1B8B  }
0xa2: {  	_ =	swait.ge [sflag:s23], $0x1  }
0xa3: {  	[sflag:s23] =	ssyncset.done $0x0  }
0xa4: {  	s25 =	simm.s32 $0x1B8E;
	s24 =	sld [smem:$0x3FFE];
	[sflag:s23] =	ssyncadd.s32 $0xFFFFFFFF  }
0xa5: {  	s26 =	simm.s32 $execute0_lowered;
	[smem:$0x3FD2] =	sst s25  }
0xa6: {  	s5 =	sshll.u32 s26, $0x1;
	_ =	strace $0x80000049;
	[dreg:$0x1] =	wrdreg $0xFFFFFFFF  }
0xa7: {  	s28 =	simm.s32 $_size_execute0_lowered;
	s3 =	sadd.s32 s3, s5;
	[dreg:$0x0] =	wrdreg $0x0  }
0xa8: {  	s5 =	sshll.u32 s28, $0x1;
	[dreg:$0x2] =	wrdreg s3  }
0xa9: {  	[dreg:$0x3] =	wrdreg s5  }
0xaa: {  	[dreg:$0x4] =	wrdreg $0xC0  }
0xab: {  	_ =	task [dreg:s7], $0x5FFFF  }
0xac: {  	[dreg:$0x1] =	wrdreg $0xFFFFFFFF  }
0xad: {  	[dreg:$0x0] =	wrdreg $0x60  }
0xae: {  	[dreg:$0x2] =	wrdreg s2  }
0xaf: {  	[dreg:$0x3] =	wrdreg s24  }
0xb0: {  	[dreg:$0x4] =	wrdreg $0x9F800  }
0xb1: {  	[dreg:$0x5] =	wrdreg $0x9  }
0xb2: {  	_ =	task.clear_ibuf [dreg:s7], $0x6FFFF;
	_ =	strace $0x90000049  }
0xb3: {  	s29 =	simm.s32 $0x9;
	_ =	strace $0x8000004B  }
0xb4: {  	_ =	swait.ge [sflag:s29], $0x1  }
0xb5: {  	[sflag:s29] =	ssyncadd.s32 $0xFFFFFFFF  }
0xb6: {  	_ =	strace $0x9000004B  }
0xb7: {  	_ =	sfence  }
0xb8: {  	s30 =	sld [smem:$0x0];
	_ =	sdelay $0x2  }
0xb9: {  	s31 =	sshll.u32 s1, $0xD;
	s1 =	sshrl.u32 s1, $0x2  }
0xba: {  	s3 =	sand.u32 $0x4000, s31;
	s1 =	sadd.s32 s1, s30  }
0xbb: {  	s0 =	sor.u32 s3, s0;
	s1 =	sshll.u32 s1, $0x11  }
0xbc: {  	s0 =	sor.u32 s1, s0  }
0xbd: {  	s0 =	sadd.s32 $0x8F2B, s0  }
0xbe: {  	[sflag:s0] =	ssyncadd.remote.s32 $0x1  }
0xbf: {  	_ =	sfence.sel $0xFFFF  }
0xc0: {  	[dreg:$0x0] =	wrdreg $0xFFFFFFFF;
	(pc) =	sbr.abs _section_cstart, $3  }
0xc1: {  	[dreg:$0x1] =	wrdreg $0xFFFFFFFF  }
0xc2: {  	_ =	task.clear_ibuf [dreg:s7], $0x2FFFF;
	_ =	strace $0x9FFFFFFF  }
0xc3: {  	(tm) =	ssettm $0x7FFFFFFF  }
tec
execute0_lowered:
.L_overlay_start_1:
0x0: {  	(tag) =	ssettag $0x1  }
0x1: {  	s1 =	rddreg [dreg:$0x0]  }
0x2: {  	s0 =	rddreg [dreg:$0x1]  }
0x3: {  	s3 =	rddreg [dreg:$0x2]  }
0x4: {  	s2 =	srdreg.scid;
	s5 =	stileid.u32;
	s7 =	simm.s32 $0x0  }
0x5: {  	s10 =	simm.s32 $0x7800;
	s11 =	simm.s32 $0xB;
	s13 =	simm.s32 $0x80  }
0x6: {  	s14 =	simm.s32 $0x2800;
	s17 =	simm.s32 $0x3800;
	s21 =	simm.s32 $0x4800  }
0x7: {  	s25 =	simm.s32 $0x5800;
	s30 =	simm.s32 $0x6800;
	s12 =	simm.s32 $0x5  }
0x8: {  	s15 =	simm.s32 $0x7;
	s16 =	simm.s32 $0x9;
	s18 =	simm.s32 $0xA  }
0x9: {  	s2 =	sand.u32 $0x1, s2;
	s4 =	sshll.u32 s5, $0x1;
	s5 =	smul.u32 $0x2780, s5  }
0xa: {  	s19 =	simm.s32 $0x0;
	s4 =	sor.u32 s2, s4;
	s6 =	smul.u32 $0x27800, s2  }
0xb: {  	[smem:$0x7FF] =	sst s7;
	s2 =	ssub.s32 $0x2, s2;
	s4 =	smul.u32 $0x280, s4  }
0xc: {  	_ =	strace $0x8000004A;
	s29 =	sshrl.u32 s2, $0x1;
	s6 =	sadd.s32 s5, s6  }
.Ltmp0:
0xd: {  	s2 =	ssub.s32 s2, s29;
	s4 =	sadd.s32 s4, s0;
	(pc) =	sbr.rel .LBB2_1-.Ltmp0, $4  }
0xe: {  	s5 =	sadd.s32 s5, s3;
	s6 =	sshrl.u32 s6, $0x3;
	s31 =	sadd.s32 $0x10C00, s4  }
0xf: {  	s9 =	smax.u32 s2, $0x1;
	s4 =	sadd.s32 $0x1E00, s4;
	[dreg:$0x4] =	wrdreg s31  }
0x10: {  	s2 =	simm.s32 $0x1;
	s0 =	sadd.s32 s6, s0;
	[dreg:$0x5] =	wrdreg s4  }
0x11: {  	v0 =	vimm.f32 $0.0e+00;
	s8 =	sadd.s32 $0x6E00, s0;
	s0 =	simm.s32 $0x7000;
	s4 =	simm.s32 $0x3  }
.LBB2_6:
0x12: {  	_ =	swait.ge [sflag:s18], $0x800  }
0x13: {  	[sflag:s18] =	ssyncset.done $0x0  }
0x14: {  	[sflag:s18] =	ssyncadd.s32 $0xFFFFF800  }
0x15: {  	[spmem:s3] =	stream.indirect.scatter.add.f32 [tilespmem:s0], [sflag:$0xB], $0x10, s23, s13, $0xb8;
	[tilespmem:$0xC700] =	vst v63  }
0x16: {  	_ =	swait.ge [sflag:s11], $0x800  }
0x17: {  	[sflag:s11] =	ssyncset.done $0x0  }
0x18: {  	[sflag:s11] =	ssyncadd.s32 $0xFFFFF800  }
0x19: {  	[bflag:$0x0] =	sbarrier.arrive $0xFFFF  }
0x1a: {  	[tilespmem:s10], [sflag:$0xB] =	stream.linear.gather [spmem:s5], $0x2780, $0x38;
	[tilespmem:$0xC700] =	vst v63  }
0x1b: {  	s19 =	sadd.s32 $0x1, s19;
	_ =	swait.ge [sflag:s11], $0x2780  }
0x1c: {  	p0 =	sne.s32 s19, s9;
	[sflag:s11] =	ssyncset.done $0x0  }
.Ltmp1:
0x1d: {  	s6 =	simm.s32 $0x0;
	[sflag:s11] =	ssyncadd.s32 $0xFFFFD880;
	(pc) =	sbr.rel @!p0 .LBB2_7-.Ltmp1, $4  }
0x1e: {  	[hbm4b:s8+s6] =	stream.linear.scatter [tilespmem:s10], [sflag:$0xB], $0x2780, $0x38;
	[tilespmem:$0xC700] =	vst v63  }
0x1f: {  	_ =	swait.ge [sflag:s11], $0x2780  }
0x20: {  	[sflag:s11] =	ssyncset.done $0x0  }
0x21: {  	[sflag:s11] =	ssyncadd.s32 $0xFFFFD880  }
.LBB2_1:
0x22: {  	s20 =	simm.s32 $0x40;
	s22 =	simm.s32 $0x0  }
.LBB2_2:
0x23: {  	p0 =	sne.s32 s20, $0x9DC0;
	[tilespmem:s22+$0x7800] =	vst v0;
	s22 =	smov.u32 s20;
	s20 =	sadd.s32 $0x40, s20  }
.Ltmp2:
0x24: {  	(pc) =	sbr.rel @p0 .LBB2_2-.Ltmp2, $2  }
0x25: {  	_ =	sdelay $0x2  }
0x26: {  	s22 =	sshra.s32 s22, $0x2  }
0x27: {  	[tilespmem:s22+$0x7800] =	vst v0  }
0x28: {  	[spmem:s5] =	stream.linear.scatter [tilespmem:s10], [sflag:$0xB], $0x2780, $0x38;
	[tilespmem:$0xC700] =	vst v63  }
0x29: {  	_ =	swait.ge [sflag:s11], $0x2780  }
0x2a: {  	[sflag:s11] =	ssyncset.done $0x0  }
0x2b: {  	[sflag:s11] =	ssyncadd.s32 $0xFFFFD880  }
0x2c: {  	[bflag:$0x0] =	sbarrier.arrive $0xFFFF  }
0x2d: {  	s20 =	simm.s32 $0x0;
	s6 =	rddreg [dreg:$0x4]  }
0x2e: {  	[tilespmem:s20], [sflag:$0xB] =	stream.linear.gather [hbm4b:s6+s20], $0x1400, $0x38;
	[tilespmem:$0xC700] =	vst v63  }
0x2f: {  	_ =	swait.ge [sflag:s11], $0x1400  }
0x30: {  	[sflag:s11] =	ssyncset.done $0x0  }
0x31: {  	s7 =	simm.s32 $0x1400;
	s24 =	rddreg [dreg:$0x5];
	[sflag:s11] =	ssyncadd.s32 $0xFFFFEC00  }
0x32: {  	[tilespmem:s7], [sflag:$0xB] =	stream.linear.gather [hbm4b:s24+s20], $0x1400, $0x38;
	[tilespmem:$0xC700] =	vst v63  }
0x33: {  	_ =	swait.ge [sflag:s11], $0x1400  }
0x34: {  	[sflag:s11] =	ssyncset.done $0x0  }
0x35: {  	[sflag:s11] =	ssyncadd.s32 $0xFFFFEC00  }
0x36: {  	[tilespmem:s14], [sflag:$0x1] =	stream.indirect.gather [hbm4b:s1+s13], $0x10, s20, s13, $0xb8;
	[tilespmem:$0xC700] =	vst v63  }
0x37: {  	s26 =	simm.s32 $0x3000  }
0x38: {  	[tilespmem:s26], [sflag:$0x2] =	stream.indirect.gather [hbm4b:s1+s13], $0x10, s13, s13, $0xb8;
	[tilespmem:$0xC700] =	vst v63  }
0x39: {  	s28 =	simm.s32 $0x100  }
0x3a: {  	[tilespmem:s17], [sflag:$0x3] =	stream.indirect.gather [hbm4b:s1+s13], $0x10, s28, s13, $0xb8;
	[tilespmem:$0xC700] =	vst v63  }
0x3b: {  	s29 =	simm.s32 $0x180;
	s31 =	simm.s32 $0x4000  }
0x3c: {  	[tilespmem:s31], [sflag:$0x4] =	stream.indirect.gather [hbm4b:s1+s13], $0x10, s29, s13, $0xb8;
	[tilespmem:$0xC700] =	vst v63  }
0x3d: {  	s7 =	simm.s32 $0x200  }
0x3e: {  	[tilespmem:s21], [sflag:$0x5] =	stream.indirect.gather [hbm4b:s1+s13], $0x10, s7, s13, $0xb8;
	[tilespmem:$0xC700] =	vst v63  }
0x3f: {  	s22 =	simm.s32 $0x280;
	s23 =	simm.s32 $0x5000  }
0x40: {  	[tilespmem:s23], [sflag:$0x6] =	stream.indirect.gather [hbm4b:s1+s13], $0x10, s22, s13, $0xb8;
	[tilespmem:$0xC700] =	vst v63  }
0x41: {  	s24 =	simm.s32 $0x300  }
0x42: {  	[tilespmem:s25], [sflag:$0x7] =	stream.indirect.gather [hbm4b:s1+s13], $0x10, s24, s13, $0xb8;
	[tilespmem:$0xC700] =	vst v63  }
0x43: {  	s26 =	simm.s32 $0x380;
	s28 =	simm.s32 $0x6000  }
0x44: {  	[tilespmem:s28], [sflag:$0x8] =	stream.indirect.gather [hbm4b:s1+s13], $0x10, s26, s13, $0xb8;
	[tilespmem:$0xC700] =	vst v63  }
0x45: {  	s29 =	simm.s32 $0x400  }
0x46: {  	[tilespmem:s30], [sflag:$0x9] =	stream.indirect.gather [hbm4b:s1+s13], $0x10, s29, s13, $0xb8;
	[tilespmem:$0xC700] =	vst v63  }
0x47: {  	s31 =	simm.s32 $0x480  }
0x48: {  	[tilespmem:s0], [sflag:$0xA] =	stream.indirect.gather [hbm4b:s1+s13], $0x10, s31, s13, $0xb8;
	[tilespmem:$0xC700] =	vst v63  }
.LBB2_4:
0x49: {  	_ =	swait.ge [sflag:s2], $0x800  }
0x4a: {  	s22 =	sshra.s32 s20, $0x2;
	[sflag:s2] =	ssyncset.done $0x0  }
0x4b: {  	s23 =	sadd.s32 $0x1400, s22;
	[sflag:s2] =	ssyncadd.s32 $0xFFFFF800  }
0x4c: {  	[spmem:s3] =	stream.indirect.scatter.add.f32 [tilespmem:s14], [sflag:$0xB], $0x10, s23, s13, $0xb8;
	[tilespmem:$0xC700] =	vst v63  }
0x4d: {  	_ =	swait.ge [sflag:s11], $0x800  }
0x4e: {  	p0 =	seq.s32 s20, $0x3C00;
	[sflag:s11] =	ssyncset.done $0x0  }
0x4f: {  	s23 =	simm.s32 @p0 $0x2;
	[sflag:s11] =	ssyncadd.s32 $0xFFFFF800  }
0x50: {  	s26 =	sshra.s32 @p0 s20, $0x2;
	_ =	swait.ge @p0 [sflag:s23], $0x800  }
0x51: {  	s28 =	simm.s32 @p0 $0x80;
	s24 =	simm.s32 @p0 $0x3000;
	[sflag:s23] =	ssyncset.done @p0 $0x0  }
0x52: {  	s29 =	simm.s32 @p0 $0xB;
	[sflag:s23] =	ssyncadd.s32 @p0 $0xFFFFF800;
	s23 =	sadd.s32 @p0 $0x1480, s26  }
0x53: {  	[spmem:s3] =	stream.indirect.scatter.add.f32 @p0 [tilespmem:s24], [sflag:$0xB], $0x10, s23, s28, $0xb8;
	[tilespmem:$0xC700] =	vst v63  }
0x54: {  	_ =	swait.ge @p0 [sflag:s29], $0x800  }
0x55: {  	s6 =	simm.s32 @!p0 $0x2800;
	s23 =	sshra.s32 @!p0 s20, $0x2;
	[sflag:s29] =	ssyncset.done @p0 $0x0  }
0x56: {  	s24 =	simm.s32 @!p0 $0x80;
	s31 =	sadd.s32 @!p0 $0x500, s23;
	[sflag:s29] =	ssyncadd.s32 @p0 $0xFFFFF800  }
0x57: {  	[tilespmem:s6], [sflag:$0x1] =	stream.indirect.gather @!p0 [hbm4b:s1+s24], $0x10, s31, s24, $0xb8;
	[tilespmem:$0xC700] =	vst v63  }
0x58: {  	s6 =	simm.s32 @!p0 $0x2  }
0x59: {  	_ =	swait.ge @!p0 [sflag:s6], $0x800  }
0x5a: {  	s7 =	simm.s32 @!p0 $0x3000;
	[sflag:s6] =	ssyncset.done @!p0 $0x0  }
0x5b: {  	s31 =	simm.s32 @!p0 $0xB;
	[sflag:s6] =	ssyncadd.s32 @!p0 $0xFFFFF800;
	s6 =	sadd.s32 @!p0 $0x1480, s23  }
0x5c: {  	[spmem:s3] =	stream.indirect.scatter.add.f32 @!p0 [tilespmem:s7], [sflag:$0xB], $0x10, s6, s24, $0xb8;
	[tilespmem:$0xC700] =	vst v63  }
0x5d: {  	_ =	swait.ge @!p0 [sflag:s31], $0x800  }
0x5e: {  	[sflag:s31] =	ssyncset.done @!p0 $0x0  }
0x5f: {  	s6 =	sadd.s32 @!p0 $0x580, s23;
	[sflag:s31] =	ssyncadd.s32 @!p0 $0xFFFFF800  }
0x60: {  	[tilespmem:s7], [sflag:$0x2] =	stream.indirect.gather @!p0 [hbm4b:s1+s24], $0x10, s6, s24, $0xb8;
	[tilespmem:$0xC700] =	vst v63  }
0x61: {  	_ =	swait.ge [sflag:s4], $0x800  }
0x62: {  	[sflag:s4] =	ssyncset.done $0x0  }
0x63: {  	s7 =	sadd.s32 $0x1500, s22;
	[sflag:s4] =	ssyncadd.s32 $0xFFFFF800  }
0x64: {  	[spmem:s3] =	stream.indirect.scatter.add.f32 [tilespmem:s17], [sflag:$0xB], $0x10, s7, s13, $0xb8;
	[tilespmem:$0xC700] =	vst v63  }
0x65: {  	_ =	swait.ge [sflag:s11], $0x800  }
0x66: {  	[sflag:s11] =	ssyncset.done $0x0  }
0x67: {  	s6 =	simm.s32 @p0 $0x4;
	[sflag:s11] =	ssyncadd.s32 $0xFFFFF800  }
0x68: {  	_ =	swait.ge @p0 [sflag:s6], $0x800  }
0x69: {  	[sflag:s6] =	ssyncset.done @p0 $0x0  }
0x6a: {  	s7 =	simm.s32 @p0 $0x4000;
	[sflag:s6] =	ssyncadd.s32 @p0 $0xFFFFF800;
	s6 =	sadd.s32 @p0 $0x1580, s26  }
0x6b: {  	[spmem:s3] =	stream.indirect.scatter.add.f32 @p0 [tilespmem:s7], [sflag:$0xB], $0x10, s6, s28, $0xb8;
	[tilespmem:$0xC700] =	vst v63  }
0x6c: {  	_ =	swait.ge @p0 [sflag:s29], $0x800  }
0x6d: {  	[sflag:s29] =	ssyncset.done @p0 $0x0  }
0x6e: {  	s6 =	sadd.s32 @!p0 $0x600, s23;
	s7 =	simm.s32 @!p0 $0x3800;
	[sflag:s29] =	ssyncadd.s32 @p0 $0xFFFFF800  }
0x6f: {  	[tilespmem:s7], [sflag:$0x3] =	stream.indirect.gather @!p0 [hbm4b:s1+s24], $0x10, s6, s24, $0xb8;
	[tilespmem:$0xC700] =	vst v63  }
0x70: {  	s6 =	simm.s32 @!p0 $0x4  }
0x71: {  	_ =	swait.ge @!p0 [sflag:s6], $0x800  }
0x72: {  	[sflag:s6] =	ssyncset.done @!p0 $0x0  }
0x73: {  	s7 =	simm.s32 @!p0 $0x4000;
	[sflag:s6] =	ssyncadd.s32 @!p0 $0xFFFFF800;
	s6 =	sadd.s32 @!p0 $0x1580, s23  }
0x74: {  	[spmem:s3] =	stream.indirect.scatter.add.f32 @!p0 [tilespmem:s7], [sflag:$0xB], $0x10, s6, s24, $0xb8;
	[tilespmem:$0xC700] =	vst v63  }
0x75: {  	_ =	swait.ge @!p0 [sflag:s31], $0x800  }
0x76: {  	[sflag:s31] =	ssyncset.done @!p0 $0x0  }
0x77: {  	s6 =	sadd.s32 @!p0 $0x680, s23;
	[sflag:s31] =	ssyncadd.s32 @!p0 $0xFFFFF800  }
0x78: {  	[tilespmem:s7], [sflag:$0x4] =	stream.indirect.gather @!p0 [hbm4b:s1+s24], $0x10, s6, s24, $0xb8;
	[tilespmem:$0xC700] =	vst v63  }
0x79: {  	_ =	swait.ge [sflag:s12], $0x800  }
0x7a: {  	[sflag:s12] =	ssyncset.done $0x0  }
0x7b: {  	s7 =	sadd.s32 $0x1600, s22;
	[sflag:s12] =	ssyncadd.s32 $0xFFFFF800  }
0x7c: {  	[spmem:s3] =	stream.indirect.scatter.add.f32 [tilespmem:s21], [sflag:$0xB], $0x10, s7, s13, $0xb8;
	[tilespmem:$0xC700] =	vst v63  }
0x7d: {  	_ =	swait.ge [sflag:s11], $0x800  }
0x7e: {  	[sflag:s11] =	ssyncset.done $0x0  }
0x7f: {  	s6 =	simm.s32 @p0 $0x6;
	[sflag:s11] =	ssyncadd.s32 $0xFFFFF800  }
0x80: {  	_ =	swait.ge @p0 [sflag:s6], $0x800  }
0x81: {  	[sflag:s6] =	ssyncset.done @p0 $0x0  }
0x82: {  	s7 =	simm.s32 @p0 $0x5000;
	[sflag:s6] =	ssyncadd.s32 @p0 $0xFFFFF800;
	s6 =	sadd.s32 @p0 $0x1680, s26  }
0x83: {  	[spmem:s3] =	stream.indirect.scatter.add.f32 @p0 [tilespmem:s7], [sflag:$0xB], $0x10, s6, s28, $0xb8;
	[tilespmem:$0xC700] =	vst v63  }
0x84: {  	_ =	swait.ge @p0 [sflag:s29], $0x800  }
0x85: {  	[sflag:s29] =	ssyncset.done @p0 $0x0  }
0x86: {  	s6 =	sadd.s32 @!p0 $0x700, s23;
	s7 =	simm.s32 @!p0 $0x4800;
	[sflag:s29] =	ssyncadd.s32 @p0 $0xFFFFF800  }
0x87: {  	[tilespmem:s7], [sflag:$0x5] =	stream.indirect.gather @!p0 [hbm4b:s1+s24], $0x10, s6, s24, $0xb8;
	[tilespmem:$0xC700] =	vst v63  }
0x88: {  	s6 =	simm.s32 @!p0 $0x6  }
0x89: {  	_ =	swait.ge @!p0 [sflag:s6], $0x800  }
0x8a: {  	[sflag:s6] =	ssyncset.done @!p0 $0x0  }
0x8b: {  	s7 =	simm.s32 @!p0 $0x5000;
	[sflag:s6] =	ssyncadd.s32 @!p0 $0xFFFFF800;
	s6 =	sadd.s32 @!p0 $0x1680, s23  }
0x8c: {  	[spmem:s3] =	stream.indirect.scatter.add.f32 @!p0 [tilespmem:s7], [sflag:$0xB], $0x10, s6, s24, $0xb8;
	[tilespmem:$0xC700] =	vst v63  }
0x8d: {  	_ =	swait.ge @!p0 [sflag:s31], $0x800  }
0x8e: {  	[sflag:s31] =	ssyncset.done @!p0 $0x0  }
0x8f: {  	s6 =	sadd.s32 @!p0 $0x780, s23;
	[sflag:s31] =	ssyncadd.s32 @!p0 $0xFFFFF800  }
0x90: {  	[tilespmem:s7], [sflag:$0x6] =	stream.indirect.gather @!p0 [hbm4b:s1+s24], $0x10, s6, s24, $0xb8;
	[tilespmem:$0xC700] =	vst v63  }
0x91: {  	_ =	swait.ge [sflag:s15], $0x800  }
0x92: {  	[sflag:s15] =	ssyncset.done $0x0  }
0x93: {  	s7 =	sadd.s32 $0x1700, s22;
	[sflag:s15] =	ssyncadd.s32 $0xFFFFF800  }
0x94: {  	[spmem:s3] =	stream.indirect.scatter.add.f32 [tilespmem:s25], [sflag:$0xB], $0x10, s7, s13, $0xb8;
	[tilespmem:$0xC700] =	vst v63  }
0x95: {  	_ =	swait.ge [sflag:s11], $0x800  }
0x96: {  	[sflag:s11] =	ssyncset.done $0x0  }
0x97: {  	s6 =	simm.s32 @p0 $0x8;
	[sflag:s11] =	ssyncadd.s32 $0xFFFFF800  }
0x98: {  	_ =	swait.ge @p0 [sflag:s6], $0x800  }
0x99: {  	[sflag:s6] =	ssyncset.done @p0 $0x0  }
0x9a: {  	s7 =	simm.s32 @p0 $0x6000;
	[sflag:s6] =	ssyncadd.s32 @p0 $0xFFFFF800;
	s6 =	sadd.s32 @p0 $0x1780, s26  }
0x9b: {  	[spmem:s3] =	stream.indirect.scatter.add.f32 @p0 [tilespmem:s7], [sflag:$0xB], $0x10, s6, s28, $0xb8;
	[tilespmem:$0xC700] =	vst v63  }
0x9c: {  	_ =	swait.ge @p0 [sflag:s29], $0x800  }
0x9d: {  	[sflag:s29] =	ssyncset.done @p0 $0x0  }
0x9e: {  	s6 =	sadd.s32 @!p0 $0x800, s23;
	s7 =	simm.s32 @!p0 $0x5800;
	[sflag:s29] =	ssyncadd.s32 @p0 $0xFFFFF800  }
0x9f: {  	[tilespmem:s7], [sflag:$0x7] =	stream.indirect.gather @!p0 [hbm4b:s1+s24], $0x10, s6, s24, $0xb8;
	[tilespmem:$0xC700] =	vst v63  }
0xa0: {  	s6 =	simm.s32 @!p0 $0x8  }
0xa1: {  	_ =	swait.ge @!p0 [sflag:s6], $0x800  }
0xa2: {  	[sflag:s6] =	ssyncset.done @!p0 $0x0  }
0xa3: {  	s7 =	simm.s32 @!p0 $0x6000;
	[sflag:s6] =	ssyncadd.s32 @!p0 $0xFFFFF800;
	s6 =	sadd.s32 @!p0 $0x1780, s23  }
0xa4: {  	[spmem:s3] =	stream.indirect.scatter.add.f32 @!p0 [tilespmem:s7], [sflag:$0xB], $0x10, s6, s24, $0xb8;
	[tilespmem:$0xC700] =	vst v63  }
0xa5: {  	_ =	swait.ge @!p0 [sflag:s31], $0x800  }
0xa6: {  	[sflag:s31] =	ssyncset.done @!p0 $0x0  }
0xa7: {  	s6 =	sadd.s32 @!p0 $0x880, s23;
	[sflag:s31] =	ssyncadd.s32 @!p0 $0xFFFFF800  }
0xa8: {  	[tilespmem:s7], [sflag:$0x8] =	stream.indirect.gather @!p0 [hbm4b:s1+s24], $0x10, s6, s24, $0xb8;
	[tilespmem:$0xC700] =	vst v63  }
0xa9: {  	_ =	swait.ge [sflag:s16], $0x800  }
0xaa: {  	[sflag:s16] =	ssyncset.done $0x0  }
.Ltmp3:
0xab: {  	s31 =	sadd.s32 $0x1800, s22;
	[sflag:s16] =	ssyncadd.s32 $0xFFFFF800;
	(pc) =	sbr.rel @p0 .LBB2_6-.Ltmp3, $4  }
0xac: {  	[spmem:s3] =	stream.indirect.scatter.add.f32 [tilespmem:s30], [sflag:$0xB], $0x10, s31, s13, $0xb8;
	[tilespmem:$0xC700] =	vst v63  }
0xad: {  	_ =	swait.ge [sflag:s11], $0x800  }
0xae: {  	[sflag:s11] =	ssyncset.done $0x0  }
0xaf: {  	s23 =	sadd.s32 $0x1880, s22;
	[sflag:s11] =	ssyncadd.s32 $0xFFFFF800  }
0xb0: {  	s6 =	sadd.s32 $0x900, s22  }
0xb1: {  	[tilespmem:s30], [sflag:$0x9] =	stream.indirect.gather [hbm4b:s1+s13], $0x10, s6, s13, $0xb8;
	[tilespmem:$0xC700] =	vst v63  }
0xb2: {  	_ =	swait.ge [sflag:s18], $0x800  }
0xb3: {  	[sflag:s18] =	ssyncset.done $0x0  }
0xb4: {  	[sflag:s18] =	ssyncadd.s32 $0xFFFFF800  }
0xb5: {  	[spmem:s3] =	stream.indirect.scatter.add.f32 [tilespmem:s0], [sflag:$0xB], $0x10, s23, s13, $0xb8;
	[tilespmem:$0xC700] =	vst v63  }
.Ltmp4:
0xb6: {  	_ = 	snop;
	(pc) =	sbr.rel .LBB2_4-.Ltmp4, $4  }
0xb7: {  	_ =	swait.ge [sflag:s11], $0x800  }
0xb8: {  	[sflag:s11] =	ssyncset.done $0x0  }
0xb9: {  	s31 =	sadd.s32 $0x980, s22;
	s20 =	sadd.s32 $0x1400, s20;
	[sflag:s11] =	ssyncadd.s32 $0xFFFFF800  }
0xba: {  	[tilespmem:s0], [sflag:$0xA] =	stream.indirect.gather [hbm4b:s1+s13], $0x10, s31, s13, $0xb8;
	[tilespmem:$0xC700] =	vst v63  }
.LBB2_7:
0xbb: {  	_ =	sfence.sel $0x180000  }
0xbc: {  	[bflag:$0x0] =	sbarrier.arrive $0xFFFF  }
0xbd: {  	_ =	strace $0x9000004A  }
0xbe: {  	s0 =	stileid.u32;
	[bflag:$0x2] =	sbarrier.arrive $0xFFFF  }
0xbf: {  	p0 =	sne.s32 s0, $0x0;
	s0 =	rddreg [dreg:$0x3]  }
0xc0: {  	s0 =	sadd.s32 @!p0 $0x100000, s0  }
0xc1: {  	[sflag:s0] =	ssyncadd.tile.s32 @!p0 $0x1;
	_ =	shalt  }
.Lfunc_end2:
_tile_overlayer_lowered:
.L_overlay_start_2:
0xc2: {  	(tag) =	ssettag $0x2  }
0xc3: {  	s0 =	rddreg [dreg:$0x0];
	s2 =	stileid.u32  }
0xc4: {  	s1 =	rddreg [dreg:$0x1];
	p0 =	sne.s32 s2, $0x0  }
0xc5: {  	s3 =	rddreg [dreg:$0x2];
	[bflag:$0x3] =	sbarrier.arrive $0xFFFF;
	s2 =	simm.s32 @!p0 $0x1C0B  }
0xc6: {  	[timem:s3], [sflag:s2] =	dma.local @!p0 [hbm:s0], s1  }
0xc7: {  	s0 =	simm.s32 @!p0 $0xB  }
0xc8: {  	_ =	swait.ge @!p0 [sflag:s0], s1  }
0xc9: {  	s1 =	ssub.s32 @!p0 $0x0, s1;
	[sflag:s0] =	ssyncset.done @!p0 $0x0  }
0xca: {  	[sflag:s0] =	ssyncadd.s32 @!p0 s1  }
0xcb: {  	[bflag:$0x3] =	sbarrier.arrive $0xFFFF  }
0xcc: {  	_ =	shalt  }

// kernel: kernel.14.cloned.1.call-start
scs
__scs_entry_jumppad:
0x0: {  	(pc) =	sbr.rel $0x88, $3  }
0x1: {  	(tag) =	ssettag $0x0;
	lr =	simm.s32 $0x1  }
0x2: {  	[smem:$0x3F9B] =	sst lr;
	_ =	strace $0xD0000000  }
0x3: {  	_ = 	snop  }
0x4: {  	_ = 	snop  }
0x5: {  	_ = 	snop  }
0x6: {  	_ = 	snop  }
0x7: {  	_ = 	snop  }
__scs_overlays_trampoline_lowered:
0x8: {  	[smem:$0x3FAA] =	sst s0  }
0x9: {  	[smem:$0x3FAB] =	sst s1  }
0xa: {  	[smem:$0x3FAC] =	sst s2  }
0xb: {  	[smem:$0x3FAD] =	sst s3  }
0xc: {  	[smem:$0x3FAE] =	sst s4  }
0xd: {  	[smem:$0x3FAF] =	sst s5  }
0xe: {  	[smem:$0x3FB0] =	sst s6  }
0xf: {  	[smem:$0x3FB1] =	sst s7  }
0x10: {  	[smem:$0x3FB2] =	sst s8  }
0x11: {  	[smem:$0x3FB3] =	sst s9;
	s0 =	simm.s32 @!p0 $0x0  }
0x12: {  	s1 =	sld [smem:$0x3F99];
	s0 =	simm.s32 @p0 $0x1  }
0x13: {  	[smem:$0x3FB4] =	sst s0;
	s0 =	simm.s32 @!p1 $0x0  }
0x14: {  	s2 =	sld [smem:$0x3F98];
	s0 =	simm.s32 @p1 $0x1  }
0x15: {  	[smem:$0x3FB5] =	sst s0;
	s0 =	simm.s32 @!p2 $0x0  }
0x16: {  	s3 =	sld [smem:$0x3FDB];
	s0 =	simm.s32 @p2 $0x1  }
0x17: {  	s4 =	simm.s32 $0x1BF5;
	[smem:$0x3FB7] =	sst s0  }
0x18: {  	s0 =	sld [smem:$0x3F9A];
	_ =	swait.ge [sflag:s4], $0x0  }
0x19: {  	s7 =	sld [smem:$0x3F9B]  }
0x1a: {  	s8 =	sadd.s32 $0xFFFFE003, lr  }
0x1b: {  	s9 =	sadd.s32 $0xFFFFFEF7, lr;
	s5 =	simm.s32 $0xFFFFFFFF;
	p2 =	slt.u32 s8, $0xFFFFF086  }
0x1c: {  	p1 =	slt.u32 s9, $0xF7A;
	s5 =	simm.s32 @!p2 $0x0  }
0x1d: {  	s5 =	simm.s32 @p1 $0x1;
	p0 =	seq.s32 s7, s2  }
0x1e: {  	s7 =	smul.u32 @!p0 $0xF7A, s2;
	p2 =	seq.s32 @!p0 s5, $0x0  }
0x1f: {  	s9 =	smul.u32 $0xF7A, s1;
	s8 =	simm.s32 @!p0 $0x1BF5;
	p2 =	por !p2, p0  }
0x20: {  	[sflag:s8] =	ssyncset.s32 @!p0 $0xFFFFF086;
	s6 =	sadd.s32 @!p0 s3, s7;
	s7 =	simm.s32 @!p0 $0x108  }
0x21: {  	s3 =	sadd.s32 s3, s9;
	s6 =	sadd.s32 @!p0 $0x88, s6;
	s7 =	simm.s32 @p2 $0x1082  }
0x22: {  	[simem:s7], [sflag:s8] =	dma.local @!p0 [hbm:s6], $0xF7A  }
0x23: {  	s9 =	sor.u32 $0xD0000000, s2;
	s6 =	simm.s32 $0x108;
	_ =	swait.ge @!p0 [sflag:s8], $0x0  }
0x24: {  	s3 =	sadd.s32 $0x88, s3;
	s6 =	simm.s32 @!p1 $0x1082;
	[sflag:s4] =	ssyncset.s32 $0xFFFFF086  }
0x25: {  	[simem:s6], [sflag:s4] =	dma.local [hbm:s3], $0xF7A  }
0x26: {  	[smem:$0x3F9B] =	sst s1;
	(tag) =	ssettag s2;
	_ =	strace s9  }
0x27: {  	s1 =	sld [smem:$0x3FAB]  }
0x28: {  	s2 =	sld [smem:$0x3FAC]  }
0x29: {  	s4 =	sld [smem:$0x3FAE]  }
0x2a: {  	p0 =	seq.s32 s5, $0x0;
	s5 =	sld [smem:$0x3FAF]  }
0x2b: {  	s6 =	sld [smem:$0x3FB0]  }
0x2c: {  	s7 =	sld [smem:$0x3FB1]  }
0x2d: {  	s3 =	simm.s32 $0x108;
	s8 =	sld [smem:$0x3FB2]  }
0x2e: {  	s3 =	simm.s32 @!p0 $0x1082;
	s9 =	sld [smem:$0x3FB3]  }
0x2f: {  	lr =	sadd.s32 s0, s3;
	s0 =	sld [smem:$0x3FAA]  }
0x30: {  	s3 =	sld [smem:$0x3FAD]  }
0x31: {  	[smem:$0x3FB6] =	sst s10  }
0x32: {  	s10 =	sld [smem:$0x3FB4];
	_ =	sdelay $0x3  }
0x33: {  	p0 =	seq.s32 s10, $0x1;
	s10 =	sld [smem:$0x3FB6];
	_ =	sdelay $0x3  }
0x34: {  	[smem:$0x3FB6] =	sst s10  }
0x35: {  	s10 =	sld [smem:$0x3FB5];
	_ =	sdelay $0x3  }
0x36: {  	p1 =	seq.s32 s10, $0x1;
	s10 =	sld [smem:$0x3FB6];
	_ =	sdelay $0x3  }
0x37: {  	[smem:$0x3FB6] =	sst s10  }
0x38: {  	s10 =	sld [smem:$0x3FB7]  }
0x39: {  	_ = 	snop;
	(pc) =	sbr.ind lr, $3  }
0x3a: {  	_ = 	snop  }
0x3b: {  	_ = 	snop  }
0x3c: {  	p2 =	seq.s32 s10, $0x1;
	s10 =	sld [smem:$0x3FB6]  }
0x3d: {  	_ =	shalt  }
0x3e: {  	_ =	shalt  }
0x3f: {  	_ =	shalt  }
0x40: {  	_ =	shalt  }
0x41: {  	_ =	shalt  }
0x42: {  	_ =	shalt  }
0x43: {  	_ =	shalt  }
0x44: {  	_ =	shalt  }
0x45: {  	_ =	shalt  }
0x46: {  	_ =	shalt  }
0x47: {  	_ =	shalt  }
0x48: {  	_ =	shalt  }
0x49: {  	_ =	shalt  }
0x4a: {  	_ =	shalt  }
0x4b: {  	_ =	shalt  }
0x4c: {  	_ =	shalt  }
0x4d: {  	_ =	shalt  }
0x4e: {  	_ =	shalt  }
0x4f: {  	_ =	shalt  }
0x50: {  	_ =	shalt  }
0x51: {  	_ =	shalt  }
0x52: {  	_ =	shalt  }
0x53: {  	_ =	shalt  }
0x54: {  	_ =	shalt  }
0x55: {  	_ =	shalt  }
0x56: {  	_ =	shalt  }
0x57: {  	_ =	shalt  }
0x58: {  	_ =	shalt  }
0x59: {  	_ =	shalt  }
0x5a: {  	_ =	shalt  }
0x5b: {  	_ =	shalt  }
0x5c: {  	_ =	shalt  }
0x5d: {  	_ =	shalt  }
0x5e: {  	_ =	shalt  }
0x5f: {  	_ =	shalt  }
0x60: {  	_ =	shalt  }
0x61: {  	_ =	shalt  }
0x62: {  	_ =	shalt  }
0x63: {  	_ =	shalt  }
0x64: {  	_ =	shalt  }
0x65: {  	_ =	shalt  }
0x66: {  	_ =	shalt  }
0x67: {  	_ =	shalt  }
0x68: {  	_ =	shalt  }
0x69: {  	_ =	shalt  }
0x6a: {  	_ =	shalt  }
0x6b: {  	_ =	shalt  }
0x6c: {  	_ =	shalt  }
0x6d: {  	_ =	shalt  }
0x6e: {  	_ =	shalt  }
0x6f: {  	_ =	shalt  }
0x70: {  	_ =	shalt  }
0x71: {  	_ =	shalt  }
0x72: {  	_ =	shalt  }
0x73: {  	_ =	shalt  }
0x74: {  	_ =	shalt  }
0x75: {  	_ =	shalt  }
0x76: {  	_ =	shalt  }
0x77: {  	_ =	shalt  }
0x78: {  	_ =	shalt  }
0x79: {  	_ =	shalt  }
0x7a: {  	_ =	shalt  }
0x7b: {  	_ =	shalt  }
0x7c: {  	_ =	shalt  }
0x7d: {  	_ =	shalt  }
0x7e: {  	_ =	shalt  }
0x7f: {  	_ =	shalt  }
0x80: {  	_ =	shalt  }
0x81: {  	_ =	shalt  }
0x82: {  	_ =	shalt  }
0x83: {  	_ =	shalt  }
0x84: {  	_ =	shalt  }
0x85: {  	_ =	shalt  }
0x86: {  	_ =	shalt  }
0x87: {  	_ =	shalt  }
.Lfunc_end0:
.L_simem_size_0:
called_computation.2_lowered:
.L_overlay_start_0:
0x88: {  	s2 =	sld [smem:$0x3FD9]  }
0x89: {  	s3 =	sld [smem:$0x3FFE];
	_ =	sdelay $0x1  }
0x8a: {  	s1 =	srdreg.scid  }
0x8b: {  	s0 =	sand.u32 $0x1, s1  }
0x8c: {  	s17 =	sshll.u32 s0, $0xA;
	s2 =	sadd.s32 s3, s2  }
0x8d: {  	s2 =	sadd.s32 s2, s17  }
0x8e: {  	[smem:$0x3FC2] =	sst s2  }
0x8f: {  	_ = 	snop  }
0x90: {  	s2 =	sld [smem:$0x3FD0];
	(tm) =	ssettm $0x1  }
0x91: {  	s18 =	sld [smem:$0x3FFB];
	_ =	sdelay $0x3  }
0x92: {  	_ =	strace s18  }
0x93: {  	s3 =	sld [smem:$0x3FFC];
	_ =	sdelay $0x3  }
0x94: {  	_ =	strace s3  }
0x95: {  	s3 =	sld [smem:$0x3FFD];
	_ =	sdelay $0x3  }
0x96: {  	_ =	strace s3  }
0x97: {  	_ =	strace $0x8FFFFFFF  }
0x98: {  	s19 =	sld [smem:$0x3FDB];
	_ =	sdelay $0x1  }
0x99: {  	s4 =	simm.s32 $_scs_section_size  }
0x9a: {  	s5 =	simm.s32 $_size__tile_overlayer_lowered;
	s6 =	simm.s32 $_tile_overlayer_lowered  }
0x9b: {  	s22 =	simm.s32 $0x1BFF;
	s21 =	sshll.u32 s6, $0x1;
	s3 =	sadd.s32 s4, s19  }
0x9c: {  	s7 =	simm.s32 $0x0;
	s20 =	sshll.u32 s5, $0x1;
	s5 =	sadd.s32 s21, s3  }
0x9d: {  	[timem:s7], [sflag:s22] =	dma.local [hbm:s5], s20  }
0x9e: {  	_ =	swait.ge [sflag:s22], s20  }
0x9f: {  	s4 =	ssub.s32 $0x0, s20;
	[sflag:s22] =	ssyncset.done $0x0  }
0xa0: {  	[sflag:s22] =	ssyncadd.s32 s4;
	_ =	sdelay $0x1  }
0xa1: {  	s23 =	simm.s32 $0x1B8B  }
0xa2: {  	_ =	swait.ge [sflag:s23], $0x1  }
0xa3: {  	[sflag:s23] =	ssyncset.done $0x0  }
0xa4: {  	s25 =	simm.s32 $0x1B8E;
	s24 =	sld [smem:$0x3FFE];
	[sflag:s23] =	ssyncadd.s32 $0xFFFFFFFF  }
0xa5: {  	s26 =	simm.s32 $execute0_lowered;
	[smem:$0x3FD2] =	sst s25  }
0xa6: {  	s5 =	sshll.u32 s26, $0x1;
	_ =	strace $0x8000004C;
	[dreg:$0x1] =	wrdreg $0xFFFFFFFF  }
0xa7: {  	s28 =	simm.s32 $_size_execute0_lowered;
	s3 =	sadd.s32 s3, s5;
	[dreg:$0x0] =	wrdreg $0x0  }
0xa8: {  	s5 =	sshll.u32 s28, $0x1;
	[dreg:$0x2] =	wrdreg s3  }
0xa9: {  	[dreg:$0x3] =	wrdreg s5  }
0xaa: {  	[dreg:$0x4] =	wrdreg $0xC0  }
0xab: {  	_ =	task [dreg:s7], $0x5FFFF  }
0xac: {  	[dreg:$0x1] =	wrdreg $0xFFFFFFFF  }
0xad: {  	[dreg:$0x0] =	wrdreg $0x60  }
0xae: {  	[dreg:$0x2] =	wrdreg s2  }
0xaf: {  	[dreg:$0x3] =	wrdreg s24  }
0xb0: {  	[dreg:$0x4] =	wrdreg $0x9F800  }
0xb1: {  	[dreg:$0x5] =	wrdreg $0x9  }
0xb2: {  	_ =	task.clear_ibuf [dreg:s7], $0x6FFFF;
	_ =	strace $0x9000004C  }
0xb3: {  	s29 =	simm.s32 $0x9;
	_ =	strace $0x8000004E  }
0xb4: {  	_ =	swait.ge [sflag:s29], $0x1  }
0xb5: {  	[sflag:s29] =	ssyncadd.s32 $0xFFFFFFFF  }
0xb6: {  	_ =	strace $0x9000004E  }
0xb7: {  	_ =	sfence  }
0xb8: {  	s30 =	sld [smem:$0x0];
	_ =	sdelay $0x2  }
0xb9: {  	s31 =	sshll.u32 s1, $0xD;
	s1 =	sshrl.u32 s1, $0x2  }
0xba: {  	s3 =	sand.u32 $0x4000, s31;
	s1 =	sadd.s32 s1, s30  }
0xbb: {  	s0 =	sor.u32 s3, s0;
	s1 =	sshll.u32 s1, $0x11  }
0xbc: {  	s0 =	sor.u32 s1, s0  }
0xbd: {  	s0 =	sadd.s32 $0x8F2B, s0  }
0xbe: {  	[sflag:s0] =	ssyncadd.remote.s32 $0x1  }
0xbf: {  	_ =	sfence.sel $0xFFFF  }
0xc0: {  	[dreg:$0x0] =	wrdreg $0xFFFFFFFF;
	(pc) =	sbr.abs _section_cstart, $3  }
0xc1: {  	[dreg:$0x1] =	wrdreg $0xFFFFFFFF  }
0xc2: {  	_ =	task.clear_ibuf [dreg:s7], $0x2FFFF;
	_ =	strace $0x9FFFFFFF  }
0xc3: {  	(tm) =	ssettm $0x7FFFFFFF  }
tec
execute0_lowered:
.L_overlay_start_1:
0x0: {  	(tag) =	ssettag $0x1  }
0x1: {  	s1 =	rddreg [dreg:$0x0]  }
0x2: {  	s0 =	rddreg [dreg:$0x1]  }
0x3: {  	s3 =	rddreg [dreg:$0x2]  }
0x4: {  	s2 =	srdreg.scid;
	s5 =	stileid.u32;
	s7 =	simm.s32 $0x0  }
0x5: {  	s10 =	simm.s32 $0x7800;
	s11 =	simm.s32 $0xB;
	s13 =	simm.s32 $0x80  }
0x6: {  	s14 =	simm.s32 $0x2800;
	s17 =	simm.s32 $0x3800;
	s21 =	simm.s32 $0x4800  }
0x7: {  	s25 =	simm.s32 $0x5800;
	s30 =	simm.s32 $0x6800;
	s12 =	simm.s32 $0x5  }
0x8: {  	s15 =	simm.s32 $0x7;
	s16 =	simm.s32 $0x9;
	s18 =	simm.s32 $0xA  }
0x9: {  	s2 =	sand.u32 $0x1, s2;
	s4 =	sshll.u32 s5, $0x1;
	s5 =	smul.u32 $0x2780, s5  }
0xa: {  	s19 =	simm.s32 $0x0;
	s4 =	sor.u32 s2, s4;
	s6 =	smul.u32 $0x27800, s2  }
0xb: {  	[smem:$0x7FF] =	sst s7;
	s2 =	ssub.s32 $0x2, s2;
	s4 =	smul.u32 $0x280, s4  }
0xc: {  	_ =	strace $0x8000004D;
	s29 =	sshrl.u32 s2, $0x1;
	s6 =	sadd.s32 s5, s6  }
.Ltmp0:
0xd: {  	s2 =	ssub.s32 s2, s29;
	s4 =	sadd.s32 s4, s0;
	(pc) =	sbr.rel .LBB2_1-.Ltmp0, $4  }
0xe: {  	s5 =	sadd.s32 s5, s3;
	s6 =	sshrl.u32 s6, $0x3;
	s31 =	sadd.s32 $0x10C00, s4  }
0xf: {  	s9 =	smax.u32 s2, $0x1;
	s4 =	sadd.s32 $0x1E00, s4;
	[dreg:$0x4] =	wrdreg s31  }
0x10: {  	s2 =	simm.s32 $0x1;
	s0 =	sadd.s32 s6, s0;
	[dreg:$0x5] =	wrdreg s4  }
0x11: {  	v0 =	vimm.f32 $0.0e+00;
	s8 =	sadd.s32 $0x6E00, s0;
	s0 =	simm.s32 $0x7000;
	s4 =	simm.s32 $0x3  }
.LBB2_6:
0x12: {  	_ =	swait.ge [sflag:s18], $0x800  }
0x13: {  	[sflag:s18] =	ssyncset.done $0x0  }
0x14: {  	[sflag:s18] =	ssyncadd.s32 $0xFFFFF800  }
0x15: {  	[spmem:s3] =	stream.indirect.scatter.add.f32 [tilespmem:s0], [sflag:$0xB], $0x10, s23, s13, $0xb8;
	[tilespmem:$0xC700] =	vst v63  }
0x16: {  	_ =	swait.ge [sflag:s11], $0x800  }
0x17: {  	[sflag:s11] =	ssyncset.done $0x0  }
0x18: {  	[sflag:s11] =	ssyncadd.s32 $0xFFFFF800  }
0x19: {  	[bflag:$0x0] =	sbarrier.arrive $0xFFFF  }
0x1a: {  	[tilespmem:s10], [sflag:$0xB] =	stream.linear.gather [spmem:s5], $0x2780, $0x38;
	[tilespmem:$0xC700] =	vst v63  }
0x1b: {  	s19 =	sadd.s32 $0x1, s19;
	_ =	swait.ge [sflag:s11], $0x2780  }
0x1c: {  	p0 =	sne.s32 s19, s9;
	[sflag:s11] =	ssyncset.done $0x0  }
.Ltmp1:
0x1d: {  	s6 =	simm.s32 $0x0;
	[sflag:s11] =	ssyncadd.s32 $0xFFFFD880;
	(pc) =	sbr.rel @!p0 .LBB2_7-.Ltmp1, $4  }
0x1e: {  	[hbm4b:s8+s6] =	stream.linear.scatter [tilespmem:s10], [sflag:$0xB], $0x2780, $0x38;
	[tilespmem:$0xC700] =	vst v63  }
0x1f: {  	_ =	swait.ge [sflag:s11], $0x2780  }
0x20: {  	[sflag:s11] =	ssyncset.done $0x0  }
0x21: {  	[sflag:s11] =	ssyncadd.s32 $0xFFFFD880  }
.LBB2_1:
0x22: {  	s20 =	simm.s32 $0x40;
	s22 =	simm.s32 $0x0  }
.LBB2_2:
0x23: {  	p0 =	sne.s32 s20, $0x9DC0;
	[tilespmem:s22+$0x7800] =	vst v0;
	s22 =	smov.u32 s20;
	s20 =	sadd.s32 $0x40, s20  }
.Ltmp2:
0x24: {  	(pc) =	sbr.rel @p0 .LBB2_2-.Ltmp2, $2  }
0x25: {  	_ =	sdelay $0x2  }
0x26: {  	s22 =	sshra.s32 s22, $0x2  }
0x27: {  	[tilespmem:s22+$0x7800] =	vst v0  }
0x28: {  	[spmem:s5] =	stream.linear.scatter [tilespmem:s10], [sflag:$0xB], $0x2780, $0x38;
	[tilespmem:$0xC700] =	vst v63  }
0x29: {  	_ =	swait.ge [sflag:s11], $0x2780  }
0x2a: {  	[sflag:s11] =	ssyncset.done $0x0  }
0x2b: {  	[sflag:s11] =	ssyncadd.s32 $0xFFFFD880  }
0x2c: {  	[bflag:$0x0] =	sbarrier.arrive $0xFFFF  }
0x2d: {  	s20 =	simm.s32 $0x0;
	s6 =	rddreg [dreg:$0x4]  }
0x2e: {  	[tilespmem:s20], [sflag:$0xB] =	stream.linear.gather [hbm4b:s6+s20], $0x1400, $0x38;
	[tilespmem:$0xC700] =	vst v63  }
0x2f: {  	_ =	swait.ge [sflag:s11], $0x1400  }
0x30: {  	[sflag:s11] =	ssyncset.done $0x0  }
0x31: {  	s7 =	simm.s32 $0x1400;
	s24 =	rddreg [dreg:$0x5];
	[sflag:s11] =	ssyncadd.s32 $0xFFFFEC00  }
0x32: {  	[tilespmem:s7], [sflag:$0xB] =	stream.linear.gather [hbm4b:s24+s20], $0x1400, $0x38;
	[tilespmem:$0xC700] =	vst v63  }
0x33: {  	_ =	swait.ge [sflag:s11], $0x1400  }
0x34: {  	[sflag:s11] =	ssyncset.done $0x0  }
0x35: {  	[sflag:s11] =	ssyncadd.s32 $0xFFFFEC00  }
0x36: {  	[tilespmem:s14], [sflag:$0x1] =	stream.indirect.gather [hbm4b:s1+s13], $0x10, s20, s13, $0xb8;
	[tilespmem:$0xC700] =	vst v63  }
0x37: {  	s26 =	simm.s32 $0x3000  }
0x38: {  	[tilespmem:s26], [sflag:$0x2] =	stream.indirect.gather [hbm4b:s1+s13], $0x10, s13, s13, $0xb8;
	[tilespmem:$0xC700] =	vst v63  }
0x39: {  	s28 =	simm.s32 $0x100  }
0x3a: {  	[tilespmem:s17], [sflag:$0x3] =	stream.indirect.gather [hbm4b:s1+s13], $0x10, s28, s13, $0xb8;
	[tilespmem:$0xC700] =	vst v63  }
0x3b: {  	s29 =	simm.s32 $0x180;
	s31 =	simm.s32 $0x4000  }
0x3c: {  	[tilespmem:s31], [sflag:$0x4] =	stream.indirect.gather [hbm4b:s1+s13], $0x10, s29, s13, $0xb8;
	[tilespmem:$0xC700] =	vst v63  }
0x3d: {  	s7 =	simm.s32 $0x200  }
0x3e: {  	[tilespmem:s21], [sflag:$0x5] =	stream.indirect.gather [hbm4b:s1+s13], $0x10, s7, s13, $0xb8;
	[tilespmem:$0xC700] =	vst v63  }
0x3f: {  	s22 =	simm.s32 $0x280;
	s23 =	simm.s32 $0x5000  }
0x40: {  	[tilespmem:s23], [sflag:$0x6] =	stream.indirect.gather [hbm4b:s1+s13], $0x10, s22, s13, $0xb8;
	[tilespmem:$0xC700] =	vst v63  }
0x41: {  	s24 =	simm.s32 $0x300  }
0x42: {  	[tilespmem:s25], [sflag:$0x7] =	stream.indirect.gather [hbm4b:s1+s13], $0x10, s24, s13, $0xb8;
	[tilespmem:$0xC700] =	vst v63  }
0x43: {  	s26 =	simm.s32 $0x380;
	s28 =	simm.s32 $0x6000  }
0x44: {  	[tilespmem:s28], [sflag:$0x8] =	stream.indirect.gather [hbm4b:s1+s13], $0x10, s26, s13, $0xb8;
	[tilespmem:$0xC700] =	vst v63  }
0x45: {  	s29 =	simm.s32 $0x400  }
0x46: {  	[tilespmem:s30], [sflag:$0x9] =	stream.indirect.gather [hbm4b:s1+s13], $0x10, s29, s13, $0xb8;
	[tilespmem:$0xC700] =	vst v63  }
0x47: {  	s31 =	simm.s32 $0x480  }
0x48: {  	[tilespmem:s0], [sflag:$0xA] =	stream.indirect.gather [hbm4b:s1+s13], $0x10, s31, s13, $0xb8;
	[tilespmem:$0xC700] =	vst v63  }
.LBB2_4:
0x49: {  	_ =	swait.ge [sflag:s2], $0x800  }
0x4a: {  	s22 =	sshra.s32 s20, $0x2;
	[sflag:s2] =	ssyncset.done $0x0  }
0x4b: {  	s23 =	sadd.s32 $0x1400, s22;
	[sflag:s2] =	ssyncadd.s32 $0xFFFFF800  }
0x4c: {  	[spmem:s3] =	stream.indirect.scatter.add.f32 [tilespmem:s14], [sflag:$0xB], $0x10, s23, s13, $0xb8;
	[tilespmem:$0xC700] =	vst v63  }
0x4d: {  	_ =	swait.ge [sflag:s11], $0x800  }
0x4e: {  	p0 =	seq.s32 s20, $0x3C00;
	[sflag:s11] =	ssyncset.done $0x0  }
0x4f: {  	s23 =	simm.s32 @p0 $0x2;
	[sflag:s11] =	ssyncadd.s32 $0xFFFFF800  }
0x50: {  	s26 =	sshra.s32 @p0 s20, $0x2;
	_ =	swait.ge @p0 [sflag:s23], $0x800  }
0x51: {  	s28 =	simm.s32 @p0 $0x80;
	s24 =	simm.s32 @p0 $0x3000;
	[sflag:s23] =	ssyncset.done @p0 $0x0  }
0x52: {  	s29 =	simm.s32 @p0 $0xB;
	[sflag:s23] =	ssyncadd.s32 @p0 $0xFFFFF800;
	s23 =	sadd.s32 @p0 $0x1480, s26  }
0x53: {  	[spmem:s3] =	stream.indirect.scatter.add.f32 @p0 [tilespmem:s24], [sflag:$0xB], $0x10, s23, s28, $0xb8;
	[tilespmem:$0xC700] =	vst v63  }
0x54: {  	_ =	swait.ge @p0 [sflag:s29], $0x800  }
0x55: {  	s6 =	simm.s32 @!p0 $0x2800;
	s23 =	sshra.s32 @!p0 s20, $0x2;
	[sflag:s29] =	ssyncset.done @p0 $0x0  }
0x56: {  	s24 =	simm.s32 @!p0 $0x80;
	s31 =	sadd.s32 @!p0 $0x500, s23;
	[sflag:s29] =	ssyncadd.s32 @p0 $0xFFFFF800  }
0x57: {  	[tilespmem:s6], [sflag:$0x1] =	stream.indirect.gather @!p0 [hbm4b:s1+s24], $0x10, s31, s24, $0xb8;
	[tilespmem:$0xC700] =	vst v63  }
0x58: {  	s6 =	simm.s32 @!p0 $0x2  }
0x59: {  	_ =	swait.ge @!p0 [sflag:s6], $0x800  }
0x5a: {  	s7 =	simm.s32 @!p0 $0x3000;
	[sflag:s6] =	ssyncset.done @!p0 $0x0  }
0x5b: {  	s31 =	simm.s32 @!p0 $0xB;
	[sflag:s6] =	ssyncadd.s32 @!p0 $0xFFFFF800;
	s6 =	sadd.s32 @!p0 $0x1480, s23  }
0x5c: {  	[spmem:s3] =	stream.indirect.scatter.add.f32 @!p0 [tilespmem:s7], [sflag:$0xB], $0x10, s6, s24, $0xb8;
	[tilespmem:$0xC700] =	vst v63  }
0x5d: {  	_ =	swait.ge @!p0 [sflag:s31], $0x800  }
0x5e: {  	[sflag:s31] =	ssyncset.done @!p0 $0x0  }
0x5f: {  	s6 =	sadd.s32 @!p0 $0x580, s23;
	[sflag:s31] =	ssyncadd.s32 @!p0 $0xFFFFF800  }
0x60: {  	[tilespmem:s7], [sflag:$0x2] =	stream.indirect.gather @!p0 [hbm4b:s1+s24], $0x10, s6, s24, $0xb8;
	[tilespmem:$0xC700] =	vst v63  }
0x61: {  	_ =	swait.ge [sflag:s4], $0x800  }
0x62: {  	[sflag:s4] =	ssyncset.done $0x0  }
0x63: {  	s7 =	sadd.s32 $0x1500, s22;
	[sflag:s4] =	ssyncadd.s32 $0xFFFFF800  }
0x64: {  	[spmem:s3] =	stream.indirect.scatter.add.f32 [tilespmem:s17], [sflag:$0xB], $0x10, s7, s13, $0xb8;
	[tilespmem:$0xC700] =	vst v63  }
0x65: {  	_ =	swait.ge [sflag:s11], $0x800  }
0x66: {  	[sflag:s11] =	ssyncset.done $0x0  }
0x67: {  	s6 =	simm.s32 @p0 $0x4;
	[sflag:s11] =	ssyncadd.s32 $0xFFFFF800  }
0x68: {  	_ =	swait.ge @p0 [sflag:s6], $0x800  }
0x69: {  	[sflag:s6] =	ssyncset.done @p0 $0x0  }
0x6a: {  	s7 =	simm.s32 @p0 $0x4000;
	[sflag:s6] =	ssyncadd.s32 @p0 $0xFFFFF800;
	s6 =	sadd.s32 @p0 $0x1580, s26  }
0x6b: {  	[spmem:s3] =	stream.indirect.scatter.add.f32 @p0 [tilespmem:s7], [sflag:$0xB], $0x10, s6, s28, $0xb8;
	[tilespmem:$0xC700] =	vst v63  }
0x6c: {  	_ =	swait.ge @p0 [sflag:s29], $0x800  }
0x6d: {  	[sflag:s29] =	ssyncset.done @p0 $0x0  }
0x6e: {  	s6 =	sadd.s32 @!p0 $0x600, s23;
	s7 =	simm.s32 @!p0 $0x3800;
	[sflag:s29] =	ssyncadd.s32 @p0 $0xFFFFF800  }
0x6f: {  	[tilespmem:s7], [sflag:$0x3] =	stream.indirect.gather @!p0 [hbm4b:s1+s24], $0x10, s6, s24, $0xb8;
	[tilespmem:$0xC700] =	vst v63  }
0x70: {  	s6 =	simm.s32 @!p0 $0x4  }
0x71: {  	_ =	swait.ge @!p0 [sflag:s6], $0x800  }
0x72: {  	[sflag:s6] =	ssyncset.done @!p0 $0x0  }
0x73: {  	s7 =	simm.s32 @!p0 $0x4000;
	[sflag:s6] =	ssyncadd.s32 @!p0 $0xFFFFF800;
	s6 =	sadd.s32 @!p0 $0x1580, s23  }
0x74: {  	[spmem:s3] =	stream.indirect.scatter.add.f32 @!p0 [tilespmem:s7], [sflag:$0xB], $0x10, s6, s24, $0xb8;
	[tilespmem:$0xC700] =	vst v63  }
0x75: {  	_ =	swait.ge @!p0 [sflag:s31], $0x800  }
0x76: {  	[sflag:s31] =	ssyncset.done @!p0 $0x0  }
0x77: {  	s6 =	sadd.s32 @!p0 $0x680, s23;
	[sflag:s31] =	ssyncadd.s32 @!p0 $0xFFFFF800  }
0x78: {  	[tilespmem:s7], [sflag:$0x4] =	stream.indirect.gather @!p0 [hbm4b:s1+s24], $0x10, s6, s24, $0xb8;
	[tilespmem:$0xC700] =	vst v63  }
0x79: {  	_ =	swait.ge [sflag:s12], $0x800  }
0x7a: {  	[sflag:s12] =	ssyncset.done $0x0  }
0x7b: {  	s7 =	sadd.s32 $0x1600, s22;
	[sflag:s12] =	ssyncadd.s32 $0xFFFFF800  }
0x7c: {  	[spmem:s3] =	stream.indirect.scatter.add.f32 [tilespmem:s21], [sflag:$0xB], $0x10, s7, s13, $0xb8;
	[tilespmem:$0xC700] =	vst v63  }
0x7d: {  	_ =	swait.ge [sflag:s11], $0x800  }
0x7e: {  	[sflag:s11] =	ssyncset.done $0x0  }
0x7f: {  	s6 =	simm.s32 @p0 $0x6;
	[sflag:s11] =	ssyncadd.s32 $0xFFFFF800  }
0x80: {  	_ =	swait.ge @p0 [sflag:s6], $0x800  }
0x81: {  	[sflag:s6] =	ssyncset.done @p0 $0x0  }
0x82: {  	s7 =	simm.s32 @p0 $0x5000;
	[sflag:s6] =	ssyncadd.s32 @p0 $0xFFFFF800;
	s6 =	sadd.s32 @p0 $0x1680, s26  }
0x83: {  	[spmem:s3] =	stream.indirect.scatter.add.f32 @p0 [tilespmem:s7], [sflag:$0xB], $0x10, s6, s28, $0xb8;
	[tilespmem:$0xC700] =	vst v63  }
0x84: {  	_ =	swait.ge @p0 [sflag:s29], $0x800  }
0x85: {  	[sflag:s29] =	ssyncset.done @p0 $0x0  }
0x86: {  	s6 =	sadd.s32 @!p0 $0x700, s23;
	s7 =	simm.s32 @!p0 $0x4800;
	[sflag:s29] =	ssyncadd.s32 @p0 $0xFFFFF800  }
0x87: {  	[tilespmem:s7], [sflag:$0x5] =	stream.indirect.gather @!p0 [hbm4b:s1+s24], $0x10, s6, s24, $0xb8;
	[tilespmem:$0xC700] =	vst v63  }
0x88: {  	s6 =	simm.s32 @!p0 $0x6  }
0x89: {  	_ =	swait.ge @!p0 [sflag:s6], $0x800  }
0x8a: {  	[sflag:s6] =	ssyncset.done @!p0 $0x0  }
0x8b: {  	s7 =	simm.s32 @!p0 $0x5000;
	[sflag:s6] =	ssyncadd.s32 @!p0 $0xFFFFF800;
	s6 =	sadd.s32 @!p0 $0x1680, s23  }
0x8c: {  	[spmem:s3] =	stream.indirect.scatter.add.f32 @!p0 [tilespmem:s7], [sflag:$0xB], $0x10, s6, s24, $0xb8;
	[tilespmem:$0xC700] =	vst v63  }
0x8d: {  	_ =	swait.ge @!p0 [sflag:s31], $0x800  }
0x8e: {  	[sflag:s31] =	ssyncset.done @!p0 $0x0  }
0x8f: {  	s6 =	sadd.s32 @!p0 $0x780, s23;
	[sflag:s31] =	ssyncadd.s32 @!p0 $0xFFFFF800  }
0x90: {  	[tilespmem:s7], [sflag:$0x6] =	stream.indirect.gather @!p0 [hbm4b:s1+s24], $0x10, s6, s24, $0xb8;
	[tilespmem:$0xC700] =	vst v63  }
0x91: {  	_ =	swait.ge [sflag:s15], $0x800  }
0x92: {  	[sflag:s15] =	ssyncset.done $0x0  }
0x93: {  	s7 =	sadd.s32 $0x1700, s22;
	[sflag:s15] =	ssyncadd.s32 $0xFFFFF800  }
0x94: {  	[spmem:s3] =	stream.indirect.scatter.add.f32 [tilespmem:s25], [sflag:$0xB], $0x10, s7, s13, $0xb8;
	[tilespmem:$0xC700] =	vst v63  }
0x95: {  	_ =	swait.ge [sflag:s11], $0x800  }
0x96: {  	[sflag:s11] =	ssyncset.done $0x0  }
0x97: {  	s6 =	simm.s32 @p0 $0x8;
	[sflag:s11] =	ssyncadd.s32 $0xFFFFF800  }
0x98: {  	_ =	swait.ge @p0 [sflag:s6], $0x800  }
0x99: {  	[sflag:s6] =	ssyncset.done @p0 $0x0  }
0x9a: {  	s7 =	simm.s32 @p0 $0x6000;
	[sflag:s6] =	ssyncadd.s32 @p0 $0xFFFFF800;
	s6 =	sadd.s32 @p0 $0x1780, s26  }
0x9b: {  	[spmem:s3] =	stream.indirect.scatter.add.f32 @p0 [tilespmem:s7], [sflag:$0xB], $0x10, s6, s28, $0xb8;
	[tilespmem:$0xC700] =	vst v63  }
0x9c: {  	_ =	swait.ge @p0 [sflag:s29], $0x800  }
0x9d: {  	[sflag:s29] =	ssyncset.done @p0 $0x0  }
0x9e: {  	s6 =	sadd.s32 @!p0 $0x800, s23;
	s7 =	simm.s32 @!p0 $0x5800;
	[sflag:s29] =	ssyncadd.s32 @p0 $0xFFFFF800  }
0x9f: {  	[tilespmem:s7], [sflag:$0x7] =	stream.indirect.gather @!p0 [hbm4b:s1+s24], $0x10, s6, s24, $0xb8;
	[tilespmem:$0xC700] =	vst v63  }
0xa0: {  	s6 =	simm.s32 @!p0 $0x8  }
0xa1: {  	_ =	swait.ge @!p0 [sflag:s6], $0x800  }
0xa2: {  	[sflag:s6] =	ssyncset.done @!p0 $0x0  }
0xa3: {  	s7 =	simm.s32 @!p0 $0x6000;
	[sflag:s6] =	ssyncadd.s32 @!p0 $0xFFFFF800;
	s6 =	sadd.s32 @!p0 $0x1780, s23  }
0xa4: {  	[spmem:s3] =	stream.indirect.scatter.add.f32 @!p0 [tilespmem:s7], [sflag:$0xB], $0x10, s6, s24, $0xb8;
	[tilespmem:$0xC700] =	vst v63  }
0xa5: {  	_ =	swait.ge @!p0 [sflag:s31], $0x800  }
0xa6: {  	[sflag:s31] =	ssyncset.done @!p0 $0x0  }
0xa7: {  	s6 =	sadd.s32 @!p0 $0x880, s23;
	[sflag:s31] =	ssyncadd.s32 @!p0 $0xFFFFF800  }
0xa8: {  	[tilespmem:s7], [sflag:$0x8] =	stream.indirect.gather @!p0 [hbm4b:s1+s24], $0x10, s6, s24, $0xb8;
	[tilespmem:$0xC700] =	vst v63  }
0xa9: {  	_ =	swait.ge [sflag:s16], $0x800  }
0xaa: {  	[sflag:s16] =	ssyncset.done $0x0  }
.Ltmp3:
0xab: {  	s31 =	sadd.s32 $0x1800, s22;
	[sflag:s16] =	ssyncadd.s32 $0xFFFFF800;
	(pc) =	sbr.rel @p0 .LBB2_6-.Ltmp3, $4  }
0xac: {  	[spmem:s3] =	stream.indirect.scatter.add.f32 [tilespmem:s30], [sflag:$0xB], $0x10, s31, s13, $0xb8;
	[tilespmem:$0xC700] =	vst v63  }
0xad: {  	_ =	swait.ge [sflag:s11], $0x800  }
0xae: {  	[sflag:s11] =	ssyncset.done $0x0  }
0xaf: {  	s23 =	sadd.s32 $0x1880, s22;
	[sflag:s11] =	ssyncadd.s32 $0xFFFFF800  }
0xb0: {  	s6 =	sadd.s32 $0x900, s22  }
0xb1: {  	[tilespmem:s30], [sflag:$0x9] =	stream.indirect.gather [hbm4b:s1+s13], $0x10, s6, s13, $0xb8;
	[tilespmem:$0xC700] =	vst v63  }
0xb2: {  	_ =	swait.ge [sflag:s18], $0x800  }
0xb3: {  	[sflag:s18] =	ssyncset.done $0x0  }
0xb4: {  	[sflag:s18] =	ssyncadd.s32 $0xFFFFF800  }
0xb5: {  	[spmem:s3] =	stream.indirect.scatter.add.f32 [tilespmem:s0], [sflag:$0xB], $0x10, s23, s13, $0xb8;
	[tilespmem:$0xC700] =	vst v63  }
.Ltmp4:
0xb6: {  	_ = 	snop;
	(pc) =	sbr.rel .LBB2_4-.Ltmp4, $4  }
0xb7: {  	_ =	swait.ge [sflag:s11], $0x800  }
0xb8: {  	[sflag:s11] =	ssyncset.done $0x0  }
0xb9: {  	s31 =	sadd.s32 $0x980, s22;
	s20 =	sadd.s32 $0x1400, s20;
	[sflag:s11] =	ssyncadd.s32 $0xFFFFF800  }
0xba: {  	[tilespmem:s0], [sflag:$0xA] =	stream.indirect.gather [hbm4b:s1+s13], $0x10, s31, s13, $0xb8;
	[tilespmem:$0xC700] =	vst v63  }
.LBB2_7:
0xbb: {  	_ =	sfence.sel $0x180000  }
0xbc: {  	[bflag:$0x0] =	sbarrier.arrive $0xFFFF  }
0xbd: {  	_ =	strace $0x9000004D  }
0xbe: {  	s0 =	stileid.u32;
	[bflag:$0x2] =	sbarrier.arrive $0xFFFF  }
0xbf: {  	p0 =	sne.s32 s0, $0x0;
	s0 =	rddreg [dreg:$0x3]  }
0xc0: {  	s0 =	sadd.s32 @!p0 $0x100000, s0  }
0xc1: {  	[sflag:s0] =	ssyncadd.tile.s32 @!p0 $0x1;
	_ =	shalt  }
.Lfunc_end2:
_tile_overlayer_lowered:
.L_overlay_start_2:
0xc2: {  	(tag) =	ssettag $0x2  }
0xc3: {  	s0 =	rddreg [dreg:$0x0];
	s2 =	stileid.u32  }
0xc4: {  	s1 =	rddreg [dreg:$0x1];
	p0 =	sne.s32 s2, $0x0  }
0xc5: {  	s3 =	rddreg [dreg:$0x2];
	[bflag:$0x3] =	sbarrier.arrive $0xFFFF;
	s2 =	simm.s32 @!p0 $0x1C0B  }
0xc6: {  	[timem:s3], [sflag:s2] =	dma.local @!p0 [hbm:s0], s1  }
0xc7: {  	s0 =	simm.s32 @!p0 $0xB  }
0xc8: {  	_ =	swait.ge @!p0 [sflag:s0], s1  }
0xc9: {  	s1 =	ssub.s32 @!p0 $0x0, s1;
	[sflag:s0] =	ssyncset.done @!p0 $0x0  }
0xca: {  	[sflag:s0] =	ssyncadd.s32 @!p0 s1  }
0xcb: {  	[bflag:$0x3] =	sbarrier.arrive $0xFFFF  }
0xcc: {  	_ =	shalt  }

// kernel: kernel.8.cloned.1.call-start
scs
__scs_entry_jumppad:
0x0: {  	(pc) =	sbr.rel $0x88, $3  }
0x1: {  	(tag) =	ssettag $0x0;
	lr =	simm.s32 $0x1  }
0x2: {  	[smem:$0x3F9B] =	sst lr;
	_ =	strace $0xD0000000  }
0x3: {  	_ = 	snop  }
0x4: {  	_ = 	snop  }
0x5: {  	_ = 	snop  }
0x6: {  	_ = 	snop  }
0x7: {  	_ = 	snop  }
__scs_overlays_trampoline_lowered:
0x8: {  	[smem:$0x3FAA] =	sst s0  }
0x9: {  	[smem:$0x3FAB] =	sst s1  }
0xa: {  	[smem:$0x3FAC] =	sst s2  }
0xb: {  	[smem:$0x3FAD] =	sst s3  }
0xc: {  	[smem:$0x3FAE] =	sst s4  }
0xd: {  	[smem:$0x3FAF] =	sst s5  }
0xe: {  	[smem:$0x3FB0] =	sst s6  }
0xf: {  	[smem:$0x3FB1] =	sst s7  }
0x10: {  	[smem:$0x3FB2] =	sst s8  }
0x11: {  	[smem:$0x3FB3] =	sst s9;
	s0 =	simm.s32 @!p0 $0x0  }
0x12: {  	s1 =	sld [smem:$0x3F99];
	s0 =	simm.s32 @p0 $0x1  }
0x13: {  	[smem:$0x3FB4] =	sst s0;
	s0 =	simm.s32 @!p1 $0x0  }
0x14: {  	s2 =	sld [smem:$0x3F98];
	s0 =	simm.s32 @p1 $0x1  }
0x15: {  	[smem:$0x3FB5] =	sst s0;
	s0 =	simm.s32 @!p2 $0x0  }
0x16: {  	s3 =	sld [smem:$0x3FDB];
	s0 =	simm.s32 @p2 $0x1  }
0x17: {  	s4 =	simm.s32 $0x1BF5;
	[smem:$0x3FB7] =	sst s0  }
0x18: {  	s0 =	sld [smem:$0x3F9A];
	_ =	swait.ge [sflag:s4], $0x0  }
0x19: {  	s7 =	sld [smem:$0x3F9B]  }
0x1a: {  	s8 =	sadd.s32 $0xFFFFE003, lr  }
0x1b: {  	s9 =	sadd.s32 $0xFFFFFEF7, lr;
	s5 =	simm.s32 $0xFFFFFFFF;
	p2 =	slt.u32 s8, $0xFFFFF086  }
0x1c: {  	p1 =	slt.u32 s9, $0xF7A;
	s5 =	simm.s32 @!p2 $0x0  }
0x1d: {  	s5 =	simm.s32 @p1 $0x1;
	p0 =	seq.s32 s7, s2  }
0x1e: {  	s7 =	smul.u32 @!p0 $0xF7A, s2;
	p2 =	seq.s32 @!p0 s5, $0x0  }
0x1f: {  	s9 =	smul.u32 $0xF7A, s1;
	s8 =	simm.s32 @!p0 $0x1BF5;
	p2 =	por !p2, p0  }
0x20: {  	[sflag:s8] =	ssyncset.s32 @!p0 $0xFFFFF086;
	s6 =	sadd.s32 @!p0 s3, s7;
	s7 =	simm.s32 @!p0 $0x108  }
0x21: {  	s3 =	sadd.s32 s3, s9;
	s6 =	sadd.s32 @!p0 $0x88, s6;
	s7 =	simm.s32 @p2 $0x1082  }
0x22: {  	[simem:s7], [sflag:s8] =	dma.local @!p0 [hbm:s6], $0xF7A  }
0x23: {  	s9 =	sor.u32 $0xD0000000, s2;
	s6 =	simm.s32 $0x108;
	_ =	swait.ge @!p0 [sflag:s8], $0x0  }
0x24: {  	s3 =	sadd.s32 $0x88, s3;
	s6 =	simm.s32 @!p1 $0x1082;
	[sflag:s4] =	ssyncset.s32 $0xFFFFF086  }
0x25: {  	[simem:s6], [sflag:s4] =	dma.local [hbm:s3], $0xF7A  }
0x26: {  	[smem:$0x3F9B] =	sst s1;
	(tag) =	ssettag s2;
	_ =	strace s9  }
0x27: {  	s1 =	sld [smem:$0x3FAB]  }
0x28: {  	s2 =	sld [smem:$0x3FAC]  }
0x29: {  	s4 =	sld [smem:$0x3FAE]  }
0x2a: {  	p0 =	seq.s32 s5, $0x0;
	s5 =	sld [smem:$0x3FAF]  }
0x2b: {  	s6 =	sld [smem:$0x3FB0]  }
0x2c: {  	s7 =	sld [smem:$0x3FB1]  }
0x2d: {  	s3 =	simm.s32 $0x108;
	s8 =	sld [smem:$0x3FB2]  }
0x2e: {  	s3 =	simm.s32 @!p0 $0x1082;
	s9 =	sld [smem:$0x3FB3]  }
0x2f: {  	lr =	sadd.s32 s0, s3;
	s0 =	sld [smem:$0x3FAA]  }
0x30: {  	s3 =	sld [smem:$0x3FAD]  }
0x31: {  	[smem:$0x3FB6] =	sst s10  }
0x32: {  	s10 =	sld [smem:$0x3FB4];
	_ =	sdelay $0x3  }
0x33: {  	p0 =	seq.s32 s10, $0x1;
	s10 =	sld [smem:$0x3FB6];
	_ =	sdelay $0x3  }
0x34: {  	[smem:$0x3FB6] =	sst s10  }
0x35: {  	s10 =	sld [smem:$0x3FB5];
	_ =	sdelay $0x3  }
0x36: {  	p1 =	seq.s32 s10, $0x1;
	s10 =	sld [smem:$0x3FB6];
	_ =	sdelay $0x3  }
0x37: {  	[smem:$0x3FB6] =	sst s10  }
0x38: {  	s10 =	sld [smem:$0x3FB7]  }
0x39: {  	_ = 	snop;
	(pc) =	sbr.ind lr, $3  }
0x3a: {  	_ = 	snop  }
0x3b: {  	_ = 	snop  }
0x3c: {  	p2 =	seq.s32 s10, $0x1;
	s10 =	sld [smem:$0x3FB6]  }
0x3d: {  	_ =	shalt  }
0x3e: {  	_ =	shalt  }
0x3f: {  	_ =	shalt  }
0x40: {  	_ =	shalt  }
0x41: {  	_ =	shalt  }
0x42: {  	_ =	shalt  }
0x43: {  	_ =	shalt  }
0x44: {  	_ =	shalt  }
0x45: {  	_ =	shalt  }
0x46: {  	_ =	shalt  }
0x47: {  	_ =	shalt  }
0x48: {  	_ =	shalt  }
0x49: {  	_ =	shalt  }
0x4a: {  	_ =	shalt  }
0x4b: {  	_ =	shalt  }
0x4c: {  	_ =	shalt  }
0x4d: {  	_ =	shalt  }
0x4e: {  	_ =	shalt  }
0x4f: {  	_ =	shalt  }
0x50: {  	_ =	shalt  }
0x51: {  	_ =	shalt  }
0x52: {  	_ =	shalt  }
0x53: {  	_ =	shalt  }
0x54: {  	_ =	shalt  }
0x55: {  	_ =	shalt  }
0x56: {  	_ =	shalt  }
0x57: {  	_ =	shalt  }
0x58: {  	_ =	shalt  }
0x59: {  	_ =	shalt  }
0x5a: {  	_ =	shalt  }
0x5b: {  	_ =	shalt  }
0x5c: {  	_ =	shalt  }
0x5d: {  	_ =	shalt  }
0x5e: {  	_ =	shalt  }
0x5f: {  	_ =	shalt  }
0x60: {  	_ =	shalt  }
0x61: {  	_ =	shalt  }
0x62: {  	_ =	shalt  }
0x63: {  	_ =	shalt  }
0x64: {  	_ =	shalt  }
0x65: {  	_ =	shalt  }
0x66: {  	_ =	shalt  }
0x67: {  	_ =	shalt  }
0x68: {  	_ =	shalt  }
0x69: {  	_ =	shalt  }
0x6a: {  	_ =	shalt  }
0x6b: {  	_ =	shalt  }
0x6c: {  	_ =	shalt  }
0x6d: {  	_ =	shalt  }
0x6e: {  	_ =	shalt  }
0x6f: {  	_ =	shalt  }
0x70: {  	_ =	shalt  }
0x71: {  	_ =	shalt  }
0x72: {  	_ =	shalt  }
0x73: {  	_ =	shalt  }
0x74: {  	_ =	shalt  }
0x75: {  	_ =	shalt  }
0x76: {  	_ =	shalt  }
0x77: {  	_ =	shalt  }
0x78: {  	_ =	shalt  }
0x79: {  	_ =	shalt  }
0x7a: {  	_ =	shalt  }
0x7b: {  	_ =	shalt  }
0x7c: {  	_ =	shalt  }
0x7d: {  	_ =	shalt  }
0x7e: {  	_ =	shalt  }
0x7f: {  	_ =	shalt  }
0x80: {  	_ =	shalt  }
0x81: {  	_ =	shalt  }
0x82: {  	_ =	shalt  }
0x83: {  	_ =	shalt  }
0x84: {  	_ =	shalt  }
0x85: {  	_ =	shalt  }
0x86: {  	_ =	shalt  }
0x87: {  	_ =	shalt  }
.Lfunc_end0:
.L_simem_size_0:
called_computation_lowered:
.L_overlay_start_0:
0x88: {  	s2 =	sld [smem:$0x3FD9]  }
0x89: {  	s3 =	sld [smem:$0x3FFE];
	_ =	sdelay $0x1  }
0x8a: {  	s1 =	srdreg.scid  }
0x8b: {  	s0 =	sand.u32 $0x1, s1  }
0x8c: {  	s16 =	sshll.u32 s0, $0xA;
	s2 =	sadd.s32 s3, s2  }
0x8d: {  	s2 =	sadd.s32 s2, s16  }
0x8e: {  	[smem:$0x3FC2] =	sst s2  }
0x8f: {  	_ = 	snop  }
0x90: {  	(tm) =	ssettm $0x1  }
0x91: {  	s17 =	sld [smem:$0x3FFB];
	_ =	sdelay $0x3  }
0x92: {  	_ =	strace s17  }
0x93: {  	s2 =	sld [smem:$0x3FFC];
	_ =	sdelay $0x3  }
0x94: {  	_ =	strace s2  }
0x95: {  	s2 =	sld [smem:$0x3FFD];
	_ =	sdelay $0x3  }
0x96: {  	_ =	strace s2  }
0x97: {  	_ =	strace $0x8FFFFFFF  }
0x98: {  	s18 =	sld [smem:$0x3FDB];
	_ =	sdelay $0x1  }
0x99: {  	s19 =	simm.s32 $_scs_section_size  }
0x9a: {  	s4 =	simm.s32 $_size__tile_overlayer_lowered;
	s5 =	simm.s32 $_tile_overlayer_lowered  }
0x9b: {  	s22 =	simm.s32 $0x1BFF;
	s21 =	sshll.u32 s5, $0x1;
	s2 =	sadd.s32 s19, s18  }
0x9c: {  	s6 =	simm.s32 $0x0;
	s20 =	sshll.u32 s4, $0x1;
	s4 =	sadd.s32 s21, s2  }
0x9d: {  	[timem:s6], [sflag:s22] =	dma.local [hbm:s4], s20  }
0x9e: {  	_ =	swait.ge [sflag:s22], s20  }
0x9f: {  	s3 =	ssub.s32 $0x0, s20;
	[sflag:s22] =	ssyncset.done $0x0  }
0xa0: {  	[sflag:s22] =	ssyncadd.s32 s3;
	_ =	sdelay $0x1  }
0xa1: {  	s23 =	simm.s32 $0x1B8B  }
0xa2: {  	_ =	swait.ge [sflag:s23], $0x1  }
0xa3: {  	[sflag:s23] =	ssyncset.done $0x0  }
0xa4: {  	s25 =	simm.s32 $0x1B8E;
	s24 =	sld [smem:$0x3FFE];
	[sflag:s23] =	ssyncadd.s32 $0xFFFFFFFF  }
0xa5: {  	s26 =	simm.s32 $execute0_lowered;
	[smem:$0x3FD2] =	sst s25  }
0xa6: {  	s4 =	sshll.u32 s26, $0x1;
	_ =	strace $0x80000046;
	[dreg:$0x1] =	wrdreg $0xFFFFFFFF  }
0xa7: {  	s28 =	simm.s32 $_size_execute0_lowered;
	s2 =	sadd.s32 s2, s4;
	[dreg:$0x0] =	wrdreg $0x0  }
0xa8: {  	s4 =	sshll.u32 s28, $0x1;
	[dreg:$0x2] =	wrdreg s2  }
0xa9: {  	[dreg:$0x3] =	wrdreg s4  }
0xaa: {  	[dreg:$0x4] =	wrdreg $0xC0  }
0xab: {  	_ =	task [dreg:s6], $0x5FFFF  }
0xac: {  	[dreg:$0x1] =	wrdreg $0xFFFFFFFF  }
0xad: {  	[dreg:$0x0] =	wrdreg $0x60  }
0xae: {  	[dreg:$0x2] =	wrdreg s24  }
0xaf: {  	[dreg:$0x3] =	wrdreg $0x43800  }
0xb0: {  	[dreg:$0x4] =	wrdreg $0x9  }
0xb1: {  	_ =	task.clear_ibuf [dreg:s6], $0x5FFFF;
	_ =	strace $0x90000046  }
0xb2: {  	s29 =	simm.s32 $0x9;
	_ =	strace $0x80000048  }
0xb3: {  	_ =	swait.ge [sflag:s29], $0x1  }
0xb4: {  	[sflag:s29] =	ssyncadd.s32 $0xFFFFFFFF  }
0xb5: {  	_ =	strace $0x90000048  }
0xb6: {  	_ =	sfence  }
0xb7: {  	s30 =	sld [smem:$0x0];
	_ =	sdelay $0x2  }
0xb8: {  	s31 =	sshll.u32 s1, $0xD;
	s1 =	sshrl.u32 s1, $0x2  }
0xb9: {  	s3 =	sand.u32 $0x4000, s31;
	s1 =	sadd.s32 s1, s30  }
0xba: {  	s0 =	sor.u32 s3, s0;
	s1 =	sshll.u32 s1, $0x11  }
0xbb: {  	s0 =	sor.u32 s1, s0  }
0xbc: {  	s0 =	sadd.s32 $0x8F2B, s0  }
0xbd: {  	[sflag:s0] =	ssyncadd.remote.s32 $0x1  }
0xbe: {  	_ =	sfence.sel $0xFFFF  }
0xbf: {  	[dreg:$0x0] =	wrdreg $0xFFFFFFFF;
	(pc) =	sbr.abs _section_cstart, $3  }
0xc0: {  	[dreg:$0x1] =	wrdreg $0xFFFFFFFF  }
0xc1: {  	_ =	task.clear_ibuf [dreg:s6], $0x2FFFF;
	_ =	strace $0x9FFFFFFF  }
0xc2: {  	(tm) =	ssettm $0x7FFFFFFF  }
0xc3: {  	_ =	shalt  }
tec
execute0_lowered:
.L_overlay_start_1:
0x0: {  	(tag) =	ssettag $0x1  }
0x1: {  	s4 =	rddreg [dreg:$0x0]  }
0x2: {  	s2 =	rddreg [dreg:$0x1];
	s3 =	srdreg.scid  }
0x3: {  	s1 =	stileid.u32;
	s0 =	rddreg [dreg:$0x2];
	s10 =	simm.s32 $0x80  }
0x4: {  	s11 =	simm.s32 $0x1400;
	s5 =	sand.u32 $0x1, s3;
	s6 =	smul.u32 $0x2780, s1  }
0x5: {  	s3 =	simm.s32 $0x0;
	s7 =	sshll.u32 s1, $0x1;
	s8 =	smul.u32 $0x27800, s5  }
0x6: {  	s12 =	simm.s32 $0x0;
	[smem:$0x7FF] =	sst s3;
	s7 =	sor.u32 s5, s7  }
0x7: {  	s5 =	ssub.s32 $0x2, s5;
	s7 =	smul.u32 $0x280, s7;
	s8 =	sadd.s32 s6, s8  }
0x8: {  	_ =	strace $0x80000047;
	s9 =	sshrl.u32 s5, $0x1;
	s8 =	sshrl.u32 s8, $0x3  }
0x9: {  	s9 =	ssub.s32 s5, s9;
	s7 =	sadd.s32 s7, s4;
	s8 =	sadd.s32 s8, s4  }
0xa: {  	s4 =	sadd.s32 s6, s2;
	s5 =	sadd.s32 $0x1E00, s7;
	s7 =	smax.u32 s9, $0x1  }
0xb: {  	v0 =	vimm.f32 $0.0e+00;
	v1 =	vimm.f32 $1.000000000e+00;
	s9 =	simm.s32 $0x1;
	s6 =	sadd.s32 $0x6E00, s8;
	s8 =	simm.s32 $0x1C00  }
.LBB2_1:
0xc: {  	s13 =	simm.s32 $0x0  }
.LBB2_2:
0xd: {  	p0 =	sne.s32 s13, $0x9DC0  }
.Ltmp0:
0xe: {  	_ = 	snop;
	(pc) =	sbr.rel @p0 .LBB2_2-.Ltmp0, $3  }
0xf: {  	_ =	sdelay $0x1  }
0x10: {  	s14 =	sshra.s32 s13, $0x2  }
0x11: {  	s13 =	sadd.s32 $0x40, s13;
	[tilespmem:s14+$0x1C00] =	vst v0  }
0x12: {  	s13 =	simm.s32 $0x40;
	s14 =	simm.s32 $0x0  }
.LBB2_4:
0x13: {  	p0 =	sne.s32 s13, $0x1FC0;
	[tilespmem:s14+$0x1400] =	vst v1;
	s14 =	smov.u32 s13;
	s13 =	sadd.s32 $0x40, s13  }
.Ltmp1:
0x14: {  	(pc) =	sbr.rel @p0 .LBB2_4-.Ltmp1, $2  }
0x15: {  	_ =	sdelay $0x2  }
0x16: {  	s14 =	sshra.s32 s14, $0x2  }
0x17: {  	[tilespmem:s14+$0x1400] =	vst v1  }
0x18: {  	[spmem:s4] =	stream.linear.scatter [tilespmem:s8], [sflag:$0x1], $0x2780, $0x38;
	[tilespmem:$0x6B00] =	vst v63  }
0x19: {  	_ =	swait.ge [sflag:s9], $0x2780  }
0x1a: {  	[sflag:s9] =	ssyncset.done $0x0  }
0x1b: {  	[sflag:s9] =	ssyncadd.s32 $0xFFFFD880  }
0x1c: {  	s13 =	simm.s32 $0x0;
	[bflag:$0x0] =	sbarrier.arrive $0xFFFF  }
0x1d: {  	[tilespmem:s13], [sflag:$0x1] =	stream.linear.gather [hbm4b:s5+s13], $0x1400, $0x38;
	[tilespmem:$0x6B00] =	vst v63  }
0x1e: {  	_ =	swait.ge [sflag:s9], $0x1400  }
0x1f: {  	[sflag:s9] =	ssyncset.done $0x0  }
0x20: {  	s31 =	simm.s32 $0x0;
	[sflag:s9] =	ssyncadd.s32 $0xFFFFEC00  }
0x21: {  	[spmem:s2] =	stream.indirect.scatter.add.f32 [tilespmem:s11], [sflag:$0x1], $0x10, s31, s10, $0xb8;
	[tilespmem:$0x6B00] =	vst v63  }
0x22: {  	_ =	swait.ge [sflag:s9], $0x800  }
0x23: {  	s13 =	simm.s32 $0x200;
	[sflag:s9] =	ssyncset.done $0x0  }
.LBB2_6:
0x24: {  	s14 =	sshra.s32 s13, $0x2;
	[sflag:s9] =	ssyncadd.s32 $0xFFFFF800;
	p0 =	sne.s32 s13, $0x4E00  }
0x25: {  	[spmem:s2] =	stream.indirect.scatter.add.f32 [tilespmem:s11], [sflag:$0x1], $0x10, s14, s10, $0xb8;
	[tilespmem:$0x6B00] =	vst v63  }
.Ltmp2:
0x26: {  	_ = 	snop;
	(pc) =	sbr.rel @p0 .LBB2_6-.Ltmp2, $4  }
0x27: {  	_ = 	snop  }
0x28: {  	s13 =	sadd.s32 $0x200, s13  }
0x29: {  	_ =	swait.ge [sflag:s9], $0x800  }
0x2a: {  	[sflag:s9] =	ssyncset.done $0x0  }
0x2b: {  	[sflag:s9] =	ssyncadd.s32 $0xFFFFF800  }
0x2c: {  	[bflag:$0x0] =	sbarrier.arrive $0xFFFF  }
0x2d: {  	[tilespmem:s8], [sflag:$0x1] =	stream.linear.gather [spmem:s4], $0x2780, $0x38;
	[tilespmem:$0x6B00] =	vst v63  }
0x2e: {  	s12 =	sadd.s32 $0x1, s12;
	_ =	swait.ge [sflag:s9], $0x2780  }
0x2f: {  	p0 =	sne.s32 s12, s7;
	[sflag:s9] =	ssyncset.done $0x0  }
.Ltmp3:
0x30: {  	[sflag:s9] =	ssyncadd.s32 $0xFFFFD880;
	(pc) =	sbr.rel @p0 .LBB2_1-.Ltmp3, $4  }
0x31: {  	[hbm4b:s6+s3] =	stream.linear.scatter [tilespmem:s8], [sflag:$0x1], $0x2780, $0x38;
	[tilespmem:$0x6B00] =	vst v63  }
0x32: {  	_ =	swait.ge [sflag:s9], $0x2780  }
0x33: {  	[sflag:s9] =	ssyncset.done $0x0  }
0x34: {  	[sflag:s9] =	ssyncadd.s32 $0xFFFFD880  }
0x35: {  	_ =	sfence.sel $0x180000  }
0x36: {  	[bflag:$0x0] =	sbarrier.arrive $0xFFFF  }
0x37: {  	p0 =	sne.s32 s1, $0x0;
	_ =	strace $0x90000047  }
0x38: {  	s0 =	sadd.s32 @!p0 $0x100000, s0;
	[bflag:$0x2] =	sbarrier.arrive $0xFFFF  }
0x39: {  	[sflag:s0] =	ssyncadd.tile.s32 @!p0 $0x1;
	_ =	shalt  }
.Lfunc_end2:
_tile_overlayer_lowered:
.L_overlay_start_2:
0x3a: {  	(tag) =	ssettag $0x2  }
0x3b: {  	s0 =	rddreg [dreg:$0x0];
	s2 =	stileid.u32  }
0x3c: {  	s1 =	rddreg [dreg:$0x1];
	p0 =	sne.s32 s2, $0x0  }
0x3d: {  	s3 =	rddreg [dreg:$0x2];
	[bflag:$0x3] =	sbarrier.arrive $0xFFFF;
	s2 =	simm.s32 @!p0 $0x1C01  }
0x3e: {  	[timem:s3], [sflag:s2] =	dma.local @!p0 [hbm:s0], s1  }
0x3f: {  	s0 =	simm.s32 @!p0 $0x1  }
0x40: {  	_ =	swait.ge @!p0 [sflag:s0], s1  }
0x41: {  	s1 =	ssub.s32 @!p0 $0x0, s1;
	[sflag:s0] =	ssyncset.done @!p0 $0x0  }
0x42: {  	[sflag:s0] =	ssyncadd.s32 @!p0 s1  }
0x43: {  	[bflag:$0x3] =	sbarrier.arrive $0xFFFF  }
0x44: {  	_ =	shalt  }

</sc_bundles>
